<compile_context>
chip_gen: v7x
topology: tpu7x:2x2x1
jax: 0.10.2.dev20260603
libtpu: 0.0.44.dev20260713+nightly
codegen_flags: <defaults>
</compile_context>

<pallas_src>
import jax
import jax.numpy as jnp
import numpy as np
from jax.experimental import pallas as pl

B, N, K, NB, C = 8, 1024, 12, 14, 64
EPS = 1e-5


def _pairwise_neg_dist(x):
    x_inner = -2.0 * jnp.matmul(x, jnp.swapaxes(x, 1, 2))
    x_sq = jnp.sum(x * x, axis=-1, keepdims=True)
    return -(x_sq + x_inner + jnp.swapaxes(x_sq, 1, 2))


def _knn(x, k):
    _, idx = jax.lax.top_k(_pairwise_neg_dist(x), k)
    return idx


def _gather(x, idx):
    return jax.vmap(lambda xb, ib: xb[ib])(x, idx)


def _bn(y, gamma, beta, axes):
    mean = jnp.mean(y, axis=axes, keepdims=True)
    var = jnp.var(y, axis=axes, keepdims=True)
    return (y - mean) / jnp.sqrt(var + EPS) * gamma + beta


def _edge_conv(x, idx, W, b, gamma, beta):
    x_j = _gather(x, idx)
    x_i = jnp.broadcast_to(x[:, :, None, :], x_j.shape)
    feat = jnp.concatenate([x_i, x_j - x_i], axis=-1)
    y = jnp.einsum('bnkc,oc->bnko', feat, W)
    if b is not None:
        y = y + b
    y = _bn(y, gamma, beta, (0, 1, 2))
    y = jax.nn.relu(y)
    return jnp.max(y, axis=2)


def _fusion_mm_kernel(f_ref, w_ref, o_ref):
    o_ref[...] = jnp.dot(f_ref[...], w_ref[...],
                         preferred_element_type=jnp.float32)


def _fusion_matmul(fusion_in, W_fus):
    M = fusion_in.shape[0]
    return pl.pallas_call(
        _fusion_mm_kernel,
        grid=(M // 512,),
        in_specs=[pl.BlockSpec((512, 896), lambda i: (i, 0)),
                  pl.BlockSpec((896, 1024), lambda i: (0, 0))],
        out_specs=pl.BlockSpec((512, 1024), lambda i: (i, 0)),
        out_shape=jax.ShapeDtypeStruct((M, 1024), jnp.float32),
    )(fusion_in, W_fus.T)


def kernel(points, features, W_head, g_head, beta_head, W_blocks, b_blocks, g_blocks, beta_blocks, W_fus, g_fus, beta_fus, W_p1, b_p1, g_p1, beta_p1, W_p2, b_p2, g_p2, beta_p2, W_p3, b_p3, W_proj, b_proj):
    pts = jnp.swapaxes(points, 1, 2)
    x = jnp.swapaxes(features, 1, 2)
    idx = _knn(pts, K)
    feats = [_edge_conv(x, idx, W_head, None, g_head, beta_head)]
    for i in range(NB - 1):
        d = i + 1
        h = feats[-1]
        idx_full = _knn(h, K * d)
        idx_d = idx_full[:, :, ::d]
        feats.append(_edge_conv(h, idx_d, W_blocks[i], b_blocks[i], g_blocks[i], beta_blocks[i]) + h)
    fusion_in = jnp.concatenate(feats, axis=-1)
    y = _fusion_matmul(fusion_in.reshape(B * N, -1), W_fus).reshape(B, N, 1024)
    y = _bn(y, g_fus, beta_fus, (0, 1))
    y = jax.nn.leaky_relu(y, 0.2)
    x1 = jnp.max(y, axis=1)
    x2 = jnp.mean(y, axis=1)
    h = jnp.concatenate([x1, x2], axis=-1)
    h = jax.nn.leaky_relu(_bn(h @ W_p1.T + b_p1, g_p1, beta_p1, (0,)), 0.2)
    h = jax.nn.leaky_relu(_bn(h @ W_p2.T + b_p2, g_p2, beta_p2, (0,)), 0.2)
    out = h @ W_p3.T + b_p3
    proj = out @ W_proj.T + b_proj
    return (proj, out)

# --- scband reference (transcript-rebuilt; emitter-appended) ---
"""Pipeline reference for scband-deep-gcn-80101140071044 (READ-ONLY COPY).

The authoritative reference and input builder live on the scoring server;
editing this copy changes nothing except your own understanding.
"""

import jax, jax.numpy as jnp
import numpy as np

B, N, K, NB, C = 8, 1024, 12, 14, 64
EPS = 1e-5

def _kaiming(key, shape):
    fan_in = shape[-1]
    return jax.random.normal(key, shape, dtype=jnp.float32) * np.sqrt(2.0 / fan_in)

def setup_inputs(seed: int = 0):
    key = jax.random.key(seed)
    ks = jax.random.split(key, 16)
    inp = {}
    inp['points'] = jax.random.normal(ks[0], (B, 3, N), dtype=jnp.float32)
    inp['features'] = jax.random.normal(ks[1], (B, 6, N), dtype=jnp.float32)
    inp['W_head'] = _kaiming(ks[2], (C, 12))
    inp['g_head'] = jnp.ones((C,), jnp.float32)
    inp['beta_head'] = jnp.zeros((C,), jnp.float32)
    inp['W_blocks'] = _kaiming(ks[3], (NB - 1, C, 2 * C))
    inp['b_blocks'] = jnp.zeros((NB - 1, C), jnp.float32)
    inp['g_blocks'] = jnp.ones((NB - 1, C), jnp.float32)
    inp['beta_blocks'] = jnp.zeros((NB - 1, C), jnp.float32)
    fusion_dims = C + C * (NB - 1)
    inp['W_fus'] = _kaiming(ks[4], (1024, fusion_dims))
    inp['g_fus'] = jnp.ones((1024,), jnp.float32)
    inp['beta_fus'] = jnp.zeros((1024,), jnp.float32)
    inp['W_p1'] = _kaiming(ks[5], (512, 2048))
    inp['b_p1'] = jnp.zeros((512,), jnp.float32)
    inp['g_p1'] = jnp.ones((512,), jnp.float32)
    inp['beta_p1'] = jnp.zeros((512,), jnp.float32)
    inp['W_p2'] = _kaiming(ks[6], (256, 512))
    inp['b_p2'] = jnp.zeros((256,), jnp.float32)
    inp['g_p2'] = jnp.ones((256,), jnp.float32)
    inp['beta_p2'] = jnp.zeros((256,), jnp.float32)
    inp['W_p3'] = _kaiming(ks[7], (64, 256))
    inp['b_p3'] = jnp.zeros((64,), jnp.float32)
    inp['W_proj'] = _kaiming(ks[8], (64, 64))
    inp['b_proj'] = jnp.zeros((64,), jnp.float32)
    return inp

def _pairwise_neg_dist(x):
    x_inner = -2.0 * jnp.matmul(x, jnp.swapaxes(x, 1, 2))
    x_sq = jnp.sum(x * x, axis=-1, keepdims=True)
    return -(x_sq + x_inner + jnp.swapaxes(x_sq, 1, 2))

def _knn(x, k):
    _, idx = jax.lax.top_k(_pairwise_neg_dist(x), k)
    return idx

def _gather(x, idx):
    return jax.vmap(lambda xb, ib: xb[ib])(x, idx)

def _bn(y, gamma, beta, axes):
    mean = jnp.mean(y, axis=axes, keepdims=True)
    var = jnp.var(y, axis=axes, keepdims=True)
    return (y - mean) / jnp.sqrt(var + EPS) * gamma + beta

def _edge_conv(x, idx, W, b, gamma, beta):
    x_j = _gather(x, idx)
    x_i = jnp.broadcast_to(x[:, :, None, :], x_j.shape)
    feat = jnp.concatenate([x_i, x_j - x_i], axis=-1)
    y = jnp.einsum('bnkc,oc->bnko', feat, W)
    if b is not None:
        y = y + b
    y = _bn(y, gamma, beta, (0, 1, 2))
    y = jax.nn.relu(y)
    return jnp.max(y, axis=2)

def _forward(points, features, W_head, g_head, beta_head, W_blocks, b_blocks, g_blocks, beta_blocks, W_fus, g_fus, beta_fus, W_p1, b_p1, g_p1, beta_p1, W_p2, b_p2, g_p2, beta_p2, W_p3, b_p3, W_proj, b_proj):
    pts = jnp.swapaxes(points, 1, 2)
    x = jnp.swapaxes(features, 1, 2)
    idx = _knn(pts, K)
    feats = [_edge_conv(x, idx, W_head, None, g_head, beta_head)]
    for i in range(NB - 1):
        d = i + 1
        h = feats[-1]
        idx_full = _knn(h, K * d)
        idx_d = idx_full[:, :, ::d]
        feats.append(_edge_conv(h, idx_d, W_blocks[i], b_blocks[i], g_blocks[i], beta_blocks[i]) + h)
    fusion_in = jnp.concatenate(feats, axis=-1)
    y = jnp.einsum('bnc,oc->bno', fusion_in, W_fus)
    y = _bn(y, g_fus, beta_fus, (0, 1))
    y = jax.nn.leaky_relu(y, 0.2)
    x1 = jnp.max(y, axis=1)
    x2 = jnp.mean(y, axis=1)
    h = jnp.concatenate([x1, x2], axis=-1)
    h = jax.nn.leaky_relu(_bn(h @ W_p1.T + b_p1, g_p1, beta_p1, (0,)), 0.2)
    h = jax.nn.leaky_relu(_bn(h @ W_p2.T + b_p2, g_p2, beta_p2, (0,)), 0.2)
    out = h @ W_p3.T + b_p3
    proj = out @ W_proj.T + b_proj
    return (proj, out)

def reference(points, features, W_head, g_head, beta_head, W_blocks, b_blocks, g_blocks, beta_blocks, W_fus, g_fus, beta_fus, W_p1, b_p1, g_p1, beta_p1, W_p2, b_p2, g_p2, beta_p2, W_p3, b_p3, W_proj, b_proj):
    return _forward(points, features, W_head, g_head, beta_head, W_blocks, b_blocks, g_blocks, beta_blocks, W_fus, g_fus, beta_fus, W_p1, b_p1, g_p1, beta_p1, W_p2, b_p2, g_p2, beta_p2, W_p3, b_p3, W_proj, b_proj)

if __name__ == "__main__":
    import jax
    _d = setup_inputs()
    print(jax.jit(kernel)(*tuple(_d.values())))

</pallas_src>

<mosaic_0001>
module attributes {stable_mosaic.version = 14 : i64} {
  func.func @_fusion_mm_kernel(%arg0: i32, %arg1: memref<512x896xf32, #tpu.memory_space<vmem>>, %arg2: memref<896x1024xf32, #tpu.memory_space<vmem>>, %arg3: memref<512x1024xf32, #tpu.memory_space<vmem>>) attributes {dimension_semantics = [#tpu.dimension_semantics<arbitrary>], iteration_bounds = array<i64: 16>, scalar_prefetch = 0 : i64, scratch_operands = 0 : i64, tpu.core_type = #tpu.core_type<tc>, window_params = [{transform_indices = @transform_0, window_bounds = array<i64: 512, 896>}, {pipeline_mode = #tpu.pipeline_mode<synchronous>, transform_indices = @transform_1, window_bounds = array<i64: 896, 1024>}, {transform_indices = @transform_2, window_bounds = array<i64: 512, 1024>}]} {
    %get3A = arith.constant 0 : index
    %get3A_0 = arith.constant 0 : index
    %get3A_1 = vector.load %arg1[%get3A, %get3A_0] : memref<512x896xf32, #tpu.memory_space<vmem>>, vector<512x896xf32>
    %get3A_2 = arith.constant 0 : index
    %get3A_3 = arith.constant 0 : index
    %get3A_4 = vector.load %arg2[%get3A_2, %get3A_3] : memref<896x1024xf32, #tpu.memory_space<vmem>>, vector<896x1024xf32>
    %dot_general3A = arith.constant dense<0.000000e+00> : vector<512x1024xf32>
    %dot_general3A_5 = tpu.matmul %get3A_1, %get3A_4, %dot_general3A {dimension_numbers = #tpu.dot_dimension_numbers<[1], [0], [0], [1], [0, 0, 1, 1], [], []>, transpose_lhs_hint = false} : vector<512x896xf32>, vector<896x1024xf32>, vector<512x1024xf32> -> vector<512x1024xf32>
    %swap3A = arith.constant 0 : index
    %swap3A_6 = arith.constant 0 : index
    %swap3A_7 = vector.load %arg3[%swap3A, %swap3A_6] : memref<512x1024xf32, #tpu.memory_space<vmem>>, vector<512x1024xf32>
    tpu.vector_store %arg3[%swap3A, %swap3A_6], %dot_general3A_5 {strides = array<i32>} : memref<512x1024xf32, #tpu.memory_space<vmem>>, vector<512x1024xf32>,
    return
  }
  func.func @transform_0(%arg0: i32) -> (i32, i32) {
    %c0_i32 = arith.constant 0 : i32
    %c0_i32_0 = arith.constant 0 : i32
    return %arg0, %c0_i32 : i32, i32
  }
  func.func @transform_1(%arg0: i32) -> (i32, i32) {
    %c0_i32 = arith.constant 0 : i32
    %c0_i32_0 = arith.constant 0 : i32
    %c0_i32_1 = arith.constant 0 : i32
    return %c0_i32, %c0_i32_0 : i32, i32
  }
  func.func @transform_2(%arg0: i32) -> (i32, i32) {
    %c0_i32 = arith.constant 0 : i32
    %c0_i32_0 = arith.constant 0 : i32
    return %arg0, %c0_i32 : i32, i32
  }
}

</mosaic_0001>

<sc_bundles>
// kernel: sparse-core-data-format-call.1.cloned.1.call-start
scs
called_computation.1_lowered:
.L_overlay_start_0:
0x0: {  	s1 =	sld [smem:$0x3FD9]  }
0x1: {  	s2 =	sld [smem:$0x3FFE];
	_ =	sdelay $0x1  }
0x2: {  	s3 =	srdreg.scid  }
0x3: {  	s0 =	sand.u32 $0x1, s3  }
0x4: {  	s17 =	sshll.u32 s0, $0xA;
	s1 =	sadd.s32 s2, s1  }
0x5: {  	s1 =	sadd.s32 s1, s17  }
0x6: {  	[smem:$0x3FB0] =	sst s1  }
0x7: {  	_ = 	snop  }
0x8: {  	(tm) =	ssettm $0x1  }
0x9: {  	s18 =	sld [smem:$0x3FFB];
	_ =	sdelay $0x3  }
0xa: {  	_ =	strace s18  }
0xb: {  	s1 =	sld [smem:$0x3FFC];
	_ =	sdelay $0x3  }
0xc: {  	_ =	strace s1  }
0xd: {  	s1 =	sld [smem:$0x3FFD];
	_ =	sdelay $0x3  }
0xe: {  	_ =	strace s1  }
0xf: {  	_ =	strace $0x8FFFFFFF  }
0x10: {  	s19 =	sld [smem:$0x3FDB];
	_ =	sdelay $0x1  }
0x11: {  	s20 =	simm.s32 $_scs_section_size  }
0x12: {  	s4 =	simm.s32 $_size__tile_overlayer_lowered;
	s5 =	simm.s32 $_tile_overlayer_lowered  }
0x13: {  	s23 =	simm.s32 $0x1BFF;
	s22 =	sshll.u32 s5, $0x1;
	s1 =	sadd.s32 s20, s19  }
0x14: {  	s6 =	simm.s32 $0x0;
	s21 =	sshll.u32 s4, $0x1;
	s4 =	sadd.s32 s22, s1  }
0x15: {  	[timem:s6], [sflag:s23] =	dma.local [hbm:s4], s21  }
0x16: {  	_ =	swait.ge [sflag:s23], s21  }
0x17: {  	s2 =	ssub.s32 $0x0, s21;
	[sflag:s23] =	ssyncset.done $0x0  }
0x18: {  	[sflag:s23] =	ssyncadd.s32 s2;
	_ =	sdelay $0x1  }
0x19: {  	s24 =	simm.s32 $0x1B8B  }
0x1a: {  	_ =	swait.ge [sflag:s24], $0x1  }
0x1b: {  	[sflag:s24] =	ssyncset.done $0x0  }
0x1c: {  	s26 =	simm.s32 $0x1B8E;
	s25 =	sld [smem:$0x3FFE];
	[sflag:s24] =	ssyncadd.s32 $0xFFFFFFFF  }
0x1d: {  	s27 =	simm.s32 $execute0_lowered;
	[smem:$0x3FD2] =	sst s26  }
0x1e: {  	s4 =	sshll.u32 s27, $0x1;
	_ =	strace $0x8000006A;
	[dreg:$0x1] =	wrdreg $0xFFFFFFFF  }
0x1f: {  	s28 =	simm.s32 $_size_execute0_lowered;
	s1 =	sadd.s32 s1, s4;
	[dreg:$0x0] =	wrdreg $0x0  }
0x20: {  	s4 =	sshll.u32 s28, $0x1;
	[dreg:$0x2] =	wrdreg s1  }
0x21: {  	[dreg:$0x3] =	wrdreg s4  }
0x22: {  	[dreg:$0x4] =	wrdreg $0xC0  }
0x23: {  	_ =	task [dreg:s6], $0x5FFFF  }
0x24: {  	[dreg:$0x1] =	wrdreg $0xFFFFFFFF  }
0x25: {  	[dreg:$0x0] =	wrdreg $0x60  }
0x26: {  	[dreg:$0x2] =	wrdreg s25  }
0x27: {  	[dreg:$0x3] =	wrdreg $0x9  }
0x28: {  	_ =	task.clear_ibuf [dreg:s6], $0x4FFFF;
	_ =	strace $0x9000006A  }
0x29: {  	s29 =	simm.s32 $0x9;
	_ =	strace $0x8000006C  }
0x2a: {  	_ =	swait.ge [sflag:s29], $0x1  }
0x2b: {  	[sflag:s29] =	ssyncadd.s32 $0xFFFFFFFF  }
0x2c: {  	_ =	strace $0x9000006C  }
0x2d: {  	_ =	sfence  }
0x2e: {  	s30 =	sld [smem:$0x0];
	_ =	sdelay $0x2  }
0x2f: {  	s31 =	sshll.u32 s3, $0xD;
	s3 =	sshrl.u32 s3, $0x2  }
0x30: {  	s2 =	sand.u32 $0x4000, s31;
	s1 =	sadd.s32 s3, s30  }
0x31: {  	s0 =	sor.u32 s2, s0;
	s1 =	sshll.u32 s1, $0x11  }
0x32: {  	s0 =	sor.u32 s1, s0  }
0x33: {  	s0 =	sadd.s32 $0x8F2B, s0  }
0x34: {  	[sflag:s0] =	ssyncadd.remote.s32 $0x1  }
0x35: {  	_ =	sfence.sel $0xFFFF  }
0x36: {  	[dreg:$0x0] =	wrdreg $0xFFFFFFFF;
	(pc) =	sbr.abs _section_cstart, $3  }
0x37: {  	[dreg:$0x1] =	wrdreg $0xFFFFFFFF  }
0x38: {  	_ =	task.clear_ibuf [dreg:s6], $0x2FFFF;
	_ =	strace $0x9FFFFFFF  }
0x39: {  	(tm) =	ssettm $0x7FFFFFFF  }
tec
execute0_lowered:
.L_overlay_start_1:
0x0: {  	(tag) =	ssettag $0x1  }
0x1: {  	s0 =	stileid.u32;
	s1 =	srdreg.scid  }
0x2: {  	s4 =	rddreg [dreg:$0x0];
	s7 =	simm.s32 $0x1;
	s31 =	simm.s32 $0x2  }
0x3: {  	s16 =	simm.s32 $0x0;
	s2 =	sshll.u32 s0, $0x4;
	s1 =	sshll.u32 s1, $0x8  }
0x4: {  	s9 =	simm.s32 $0x2000;
	s14 =	simm.s32 $0x0;
	s1 =	sor.u32 s2, s1  }
0x5: {  	s15 =	simm.s32 $0x0;
	s10 =	simm.s32 $0x0;
	s2 =	sand.u32 $0x180, s1  }
0x6: {  	s13 =	simm.s32 $0x0;
	s3 =	sadd.s32 $0x1C0000, s4;
	s5 =	ssub.s32 $0x400, s2  }
0x7: {  	s4 =	sadd.s32 $0x334A00, s4;
	s1 =	rddreg [dreg:$0x1];
	s6 =	sand.u32 $0x180, s5  }
.Ltmp0:
0x8: {  	_ =	strace $0x8000006B;
	p0 =	sne.s32 s6, $0x0;
	(pc) =	sbr.rel .LBB1_1-.Ltmp0, $4  }
0x9: {  	s11 =	smov.u32 s2;
	s8 =	sshrl.u32 s5, $0x9;
	s7 =	simm.s32 @!p0 $0x0  }
0xa: {  	s5 =	sand.u32 $0x7, s0;
	s6 =	simm.s32 $0x1;
	s7 =	sadd.s32 s7, s8  }
0xb: {  	s12 =	smov.u32 s5;
	[sflag:s6] =	ssyncpa.u1 $0x0;
	s7 =	sshll.u32 s7, $0x3  }
0xc: {  	p0 =	por $0x0, $0x0;
	[sflag:s31] =	ssyncpa.u1 $0x0;
	s8 =	sor.u32 $0x1, s7  }
.LBB1_4:
0xd: {  	v5 =	vld [tilespmem:s20+$0xFFFFFFD0];
	[tilespmem:s19+$0x2040 ss:$0x81] =	vst.msk $0xffff, v1  }
0xe: {  	v58 =	vld [tilespmem:s20+$0xFFFFFFE0];
	[tilespmem:s19+$0x2850 ss:$0x81] =	vst.msk $0xffff, v2  }
0xf: {  	s21 =	sshra.s32 s21, $0x2;
	v59 =	vld [tilespmem:s20+$0xFFFFFFF0];
	[tilespmem:s19+$0x3060 ss:$0x81] =	vst.msk $0xffff, v3  }
0x10: {  	v60 =	vld [tilespmem:s20+$0x0];
	[tilespmem:s19+$0x0 ss:$0x81] =	vst.msk $0xffff, v0;
	s18 =	sadd.s32 s21, s18  }
0x11: {  	v61 =	vld [tilespmem:s20+$0x10];
	[tilespmem:s18+$0x3870 ss:$0x81] =	vst.msk $0xffff, v4  }
0x12: {  	v62 =	vld [tilespmem:s20+$0x20];
	s26 =	sshll.u32 s16, $0xA;
	s27 =	sshll.u32 s14, $0x3;
	[tilespmem:s18+$0x810 ss:$0x81] =	vst.msk $0xffff, v5  }
0x13: {  	v63 =	vld [tilespmem:s20+$0xFFFFFFC0];
	s29 =	sshll.u32 s16, $0x7;
	s30 =	sand.u32 $0x78, s14;
	s15 =	sshll.u32 s15, $0x11;
	[tilespmem:s18+$0x1020 ss:$0x81] =	vst.msk $0xffff, v58  }
0x14: {  	s19 =	sand.u32 $0xFE000, s26;
	s28 =	sand.u32 $0xFFC00, s27;
	s16 =	sand.u32 $0x380, s29;
	[tilespmem:s18+$0x1830 ss:$0x81] =	vst.msk $0xffff, v59  }
0x15: {  	s31 =	sand.u32 $0x7, s14;
	s19 =	sadd.s32 s28, s19;
	s16 =	sor.u32 s30, s16;
	[tilespmem:s18+$0x2040 ss:$0x81] =	vst.msk $0xffff, v60  }
0x16: {  	s15 =	sadd.s32 s4, s15;
	s19 =	sshrl.u32 s19, $0x3;
	s16 =	sshrl.u32 s16, $0x3;
	[tilespmem:s18+$0x2850 ss:$0x81] =	vst.msk $0xffff, v61  }
0x17: {  	s14 =	sshll.u32 s31, $0x12;
	s19 =	sand.u32 $0x1FF80, s19;
	s15 =	sadd.s32 s16, s15;
	[tilespmem:s18+$0x3060 ss:$0x81] =	vst.msk $0xffff, v62  }
0x18: {  	s14 =	sor.u32 $0x400, s14;
	[tilespmem:s18+$0x0 ss:$0x81] =	vst.msk $0xffff, v63;
	s15 =	sadd.s32 s19, s15  }
0x19: {  	[hbm4b:s15+s14] =	stream.strided.scatter [tilespmem:s17], [sflag:$0x2], $0x4000, s9, s14, $0x20;
	[tilespmem:$0x10100] =	vst v63  }
.LBB1_5:
0x1a: {  	s17 =	sadd.s32 $0x80, s10  }
0x1b: {  	s14 =	sadd.s32 $0x200, s11;
	s18 =	smov.u32 s11;
	p2 =	sgt.s32 s17, $0x3FF  }
0x1c: {  	s18 =	smov.u32 @p2 s14  }
0x1d: {  	s20 =	smov.u32 s12;
	s14 =	sadd.s32 $0x8, s12;
	p3 =	sgt.s32 s18, $0x3FF  }
0x1e: {  	s20 =	smov.u32 @p3 s14  }
0x1f: {  	s17 =	simm.s32 @p2 $0x0;
	p2 =	sgt.s32 s20, $0x7  }
0x20: {  	p1 =	slt.u32 s13, $0x2;
	s20 =	smov.u32 @p2 s5;
	p2 =	sne.s32 s13, s8  }
.Ltmp1:
0x21: {  	s19 =	simm.s32 @!p1 $0x2;
	(pc) =	sbr.rel @!p2 .LBB1_6-.Ltmp1, $4  }
0x22: {  	s16 =	smov.u32 s10;
	s15 =	smov.u32 s12;
	_ =	swait.ge @!p1 [sflag:s19], $0x4000  }
0x23: {  	p0 =	por !p0, !p0;
	[sflag:s19] =	ssyncset.done @!p1 $0x0;
	s10 =	smov.u32 s17  }
0x24: {  	s18 =	smov.u32 @p3 s2;
	s14 =	smov.u32 s11;
	[sflag:s19] =	ssyncadd.s32 @!p1 $0xFFFFC000  }
0x25: {  	s11 =	smov.u32 s18;
	s13 =	sadd.s32 $0x1, s13;
	s12 =	smov.u32 s20  }
.LBB1_1:
0x26: {  	p1 =	sge.u32 s13, s7  }
0x27: {  	s31 =	sadd.s32 $0xFFFFFFFF, s13;
	s17 =	sshll.u32 @!p1 s11, $0x7  }
0x28: {  	s18 =	sxor.u32 @!p1 $0xFFFFFFFF, s13;
	s19 =	sand.u32 @!p1 $0x78, s10;
	s20 =	sand.u32 @!p1 $0x380, s17  }
0x29: {  	s18 =	sshll.u32 @!p1 s18, $0xE;
	s19 =	sor.u32 @!p1 s19, s20;
	s20 =	sshll.u32 @!p1 s12, $0x11  }
0x2a: {  	s17 =	sand.u32 @!p1 $0x1FC00, s17;
	s19 =	sshrl.u32 @!p1 s19, $0x3;
	s20 =	sadd.s32 @!p1 s3, s20  }
0x2b: {  	s17 =	sadd.s32 @!p1 s10, s17;
	s19 =	sadd.s32 @!p1 s19, s20;
	s20 =	sand.u32 @!p1 $0x7, s10  }
0x2c: {  	s18 =	sand.u32 @!p1 $0x4000, s18;
	s17 =	sand.u32 @!p1 $0x1FF80, s17;
	s20 =	sshll.u32 @!p1 s20, $0x12  }
0x2d: {  	s17 =	sadd.s32 @!p1 s17, s19;
	s19 =	sor.u32 @!p1 $0x400, s20;
	s20 =	simm.s32 @!p1 $0x2000  }
0x2e: {  	[tilespmem:s18], [sflag:$0x1] =	stream.strided.gather @!p1 [hbm4b:s17+s19], $0x4000, s20, s19, $0x38;
	[tilespmem:$0x10100] =	vst v63  }
0x2f: {  	p1 =	sge.u32 s31, s7  }
.Ltmp2:
0x30: {  	_ = 	snop;
	(pc) =	sbr.rel @p1 .LBB1_5-.Ltmp2, $1  }
0x31: {  	_ =	sdelay $0x3  }
0x32: {  	s17 =	simm.s32 $0x1  }
0x33: {  	_ =	swait.ge [sflag:s6], $0x4000;
	s17 =	simm.s32 @!p0 $0x0  }
0x34: {  	[sflag:s6] =	ssyncset.done $0x0;
	s18 =	sshll.u32 s17, $0xE  }
0x35: {  	[sflag:s6] =	ssyncadd.s32 $0xFFFFC000;
	s20 =	sor.u32 $0x40, s18  }
0x36: {  	s17 =	smul.u32 $0x10200, s17;
	v0 =	vld [tilespmem:s20+$0x30]  }
0x37: {  	v3 =	vld [tilespmem:s20+$0xFFFFFFD0]  }
0x38: {  	s17 =	sshrl.u32 s17, $0x2;
	v4 =	vld [tilespmem:s20+$0xFFFFFFE0]  }
0x39: {  	v5 =	vld [tilespmem:s20+$0xFFFFFFF0];
	s18 =	sor.u32 $0x8000, s17  }
0x3a: {  	s31 =	sand.u32 $0x1, s13;
	v1 =	vld [tilespmem:s20+$0x0];
	s19 =	sadd.s32 $0x0, s18  }
0x3b: {  	v2 =	vld [tilespmem:s20+$0x10];
	s17 =	smul.u32 $0x10200, s31;
	[tilespmem:s19+$0x3870 ss:$0x81] =	vst.msk $0xffff, v0  }
0x3c: {  	[tilespmem:s19+$0x810 ss:$0x81] =	vst.msk $0xffff, v3;
	v3 =	vld [tilespmem:s20+$0x20]  }
0x3d: {  	s17 =	sshrl.u32 s17, $0x2;
	v0 =	vld [tilespmem:s20+$0xFFFFFFC0];
	[tilespmem:s19+$0x1020 ss:$0x81] =	vst.msk $0xffff, v4;
	s20 =	sadd.s32 $0x80, s20  }
0x3e: {  	s21 =	simm.s32 $0x4;
	s22 =	simm.s32 $0x8;
	s17 =	sor.u32 $0x8000, s17;
	[tilespmem:s19+$0x1830 ss:$0x81] =	vst.msk $0xffff, v5;
	v4 =	vld [tilespmem:s20+$0x30]  }
.LBB1_3:
0x3f: {  	p1 =	sne.s32 s22, $0x1FC;
	v5 =	vld [tilespmem:s20+$0xFFFFFFD0];
	[tilespmem:s19+$0x2040 ss:$0x81] =	vst.msk $0xffff, v1  }
0x40: {  	v6 =	vld [tilespmem:s20+$0xFFFFFFE0];
	[tilespmem:s19+$0x2850 ss:$0x81] =	vst.msk $0xffff, v2  }
0x41: {  	s23 =	sshra.s32 s21, $0x2;
	s21 =	smov.u32 s22;
	v7 =	vld [tilespmem:s20+$0xFFFFFFF0];
	[tilespmem:s19+$0x3060 ss:$0x81] =	vst.msk $0xffff, v3  }
.Ltmp3:
0x42: {  	v1 =	vld [tilespmem:s20+$0x0];
	[tilespmem:s19+$0x0 ss:$0x81] =	vst.msk $0xffff, v0;
	s19 =	sadd.s32 s23, s18;
	(pc) =	sbr.rel @p1 .LBB1_3-.Ltmp3, $4  }
0x43: {  	v2 =	vld [tilespmem:s20+$0x10];
	[tilespmem:s19+$0x3870 ss:$0x81] =	vst.msk $0xffff, v4  }
0x44: {  	[tilespmem:s19+$0x810 ss:$0x81] =	vst.msk $0xffff, v5;
	v3 =	vld [tilespmem:s20+$0x20]  }
0x45: {  	v0 =	vld [tilespmem:s20+$0xFFFFFFC0];
	[tilespmem:s19+$0x1020 ss:$0x81] =	vst.msk $0xffff, v6;
	s20 =	sadd.s32 $0x80, s20  }
0x46: {  	s22 =	sadd.s32 $0x4, s22;
	v4 =	vld [tilespmem:s20+$0x30];
	[tilespmem:s19+$0x1830 ss:$0x81] =	vst.msk $0xffff, v7  }
.Ltmp4:
0x47: {  	_ = 	snop;
	(pc) =	sbr.rel .LBB1_4-.Ltmp4, $1  }
0x48: {  	_ =	sdelay $0x3  }
.LBB1_6:
0x49: {  	_ =	sfence.sel $0x180000  }
0x4a: {  	s2 =	simm.s32 $0x1;
	[bflag:$0x0] =	sbarrier.arrive $0xFFFF  }
0x4b: {  	s31 =	simm.s32 $0x2;
	[sflag:s2] =	ssyncpa.u1 $0x1  }
0x4c: {  	[sflag:s31] =	ssyncpa.u1 $0x1  }
0x4d: {  	p0 =	sne.s32 s0, $0x0;
	_ =	strace $0x9000006B  }
0x4e: {  	s0 =	sadd.s32 @!p0 $0x100000, s1;
	[bflag:$0x2] =	sbarrier.arrive $0xFFFF  }
0x4f: {  	[sflag:s0] =	ssyncadd.tile.s32 @!p0 $0x1;
	_ =	shalt  }
.Lfunc_end1:
_tile_overlayer_lowered:
.L_overlay_start_2:
0x50: {  	(tag) =	ssettag $0x2  }
0x51: {  	s0 =	rddreg [dreg:$0x0];
	s2 =	stileid.u32  }
0x52: {  	s1 =	rddreg [dreg:$0x1];
	p0 =	sne.s32 s2, $0x0  }
0x53: {  	s3 =	rddreg [dreg:$0x2];
	[bflag:$0x3] =	sbarrier.arrive $0xFFFF;
	s2 =	simm.s32 @!p0 $0x1C01  }
0x54: {  	[timem:s3], [sflag:s2] =	dma.local @!p0 [hbm:s0], s1  }
0x55: {  	s0 =	simm.s32 @!p0 $0x1  }
0x56: {  	_ =	swait.ge @!p0 [sflag:s0], s1  }
0x57: {  	s1 =	ssub.s32 @!p0 $0x0, s1;
	[sflag:s0] =	ssyncset.done @!p0 $0x0  }
0x58: {  	[sflag:s0] =	ssyncadd.s32 @!p0 s1  }
0x59: {  	[bflag:$0x3] =	sbarrier.arrive $0xFFFF  }
0x5a: {  	_ =	shalt  }

// kernel: sparse-core-data-format-call.10.cloned.1.call-start
scs
called_computation.10_lowered:
.L_overlay_start_0:
0x0: {  	s1 =	sld [smem:$0x3FD9]  }
0x1: {  	s2 =	sld [smem:$0x3FFE];
	_ =	sdelay $0x1  }
0x2: {  	s3 =	srdreg.scid  }
0x3: {  	s0 =	sand.u32 $0x1, s3  }
0x4: {  	s17 =	sshll.u32 s0, $0xA;
	s1 =	sadd.s32 s2, s1  }
0x5: {  	s1 =	sadd.s32 s1, s17  }
0x6: {  	[smem:$0x3FB0] =	sst s1  }
0x7: {  	_ = 	snop  }
0x8: {  	(tm) =	ssettm $0x1  }
0x9: {  	s18 =	sld [smem:$0x3FFB];
	_ =	sdelay $0x3  }
0xa: {  	_ =	strace s18  }
0xb: {  	s1 =	sld [smem:$0x3FFC];
	_ =	sdelay $0x3  }
0xc: {  	_ =	strace s1  }
0xd: {  	s1 =	sld [smem:$0x3FFD];
	_ =	sdelay $0x3  }
0xe: {  	_ =	strace s1  }
0xf: {  	_ =	strace $0x8FFFFFFF  }
0x10: {  	s19 =	sld [smem:$0x3FDB];
	_ =	sdelay $0x1  }
0x11: {  	s20 =	simm.s32 $_scs_section_size  }
0x12: {  	s4 =	simm.s32 $_size__tile_overlayer_lowered;
	s5 =	simm.s32 $_tile_overlayer_lowered  }
0x13: {  	s23 =	simm.s32 $0x1BFF;
	s22 =	sshll.u32 s5, $0x1;
	s1 =	sadd.s32 s20, s19  }
0x14: {  	s6 =	simm.s32 $0x0;
	s21 =	sshll.u32 s4, $0x1;
	s4 =	sadd.s32 s22, s1  }
0x15: {  	[timem:s6], [sflag:s23] =	dma.local [hbm:s4], s21  }
0x16: {  	_ =	swait.ge [sflag:s23], s21  }
0x17: {  	s2 =	ssub.s32 $0x0, s21;
	[sflag:s23] =	ssyncset.done $0x0  }
0x18: {  	[sflag:s23] =	ssyncadd.s32 s2;
	_ =	sdelay $0x1  }
0x19: {  	s24 =	simm.s32 $0x1B8B  }
0x1a: {  	_ =	swait.ge [sflag:s24], $0x1  }
0x1b: {  	[sflag:s24] =	ssyncset.done $0x0  }
0x1c: {  	s26 =	simm.s32 $0x1B8E;
	s25 =	sld [smem:$0x3FFE];
	[sflag:s24] =	ssyncadd.s32 $0xFFFFFFFF  }
0x1d: {  	s27 =	simm.s32 $execute0_lowered;
	[smem:$0x3FD2] =	sst s26  }
0x1e: {  	s4 =	sshll.u32 s27, $0x1;
	_ =	strace $0x8000004F;
	[dreg:$0x1] =	wrdreg $0xFFFFFFFF  }
0x1f: {  	s28 =	simm.s32 $_size_execute0_lowered;
	s1 =	sadd.s32 s1, s4;
	[dreg:$0x0] =	wrdreg $0x0  }
0x20: {  	s4 =	sshll.u32 s28, $0x1;
	[dreg:$0x2] =	wrdreg s1  }
0x21: {  	[dreg:$0x3] =	wrdreg s4  }
0x22: {  	[dreg:$0x4] =	wrdreg $0xC0  }
0x23: {  	_ =	task [dreg:s6], $0x5FFFF  }
0x24: {  	[dreg:$0x1] =	wrdreg $0xFFFFFFFF  }
0x25: {  	[dreg:$0x0] =	wrdreg $0x60  }
0x26: {  	[dreg:$0x2] =	wrdreg s25  }
0x27: {  	[dreg:$0x3] =	wrdreg $0x9  }
0x28: {  	_ =	task.clear_ibuf [dreg:s6], $0x4FFFF;
	_ =	strace $0x9000004F  }
0x29: {  	s29 =	simm.s32 $0x9;
	_ =	strace $0x80000051  }
0x2a: {  	_ =	swait.ge [sflag:s29], $0x1  }
0x2b: {  	[sflag:s29] =	ssyncadd.s32 $0xFFFFFFFF  }
0x2c: {  	_ =	strace $0x90000051  }
0x2d: {  	_ =	sfence  }
0x2e: {  	s30 =	sld [smem:$0x0];
	_ =	sdelay $0x2  }
0x2f: {  	s31 =	sshll.u32 s3, $0xD;
	s3 =	sshrl.u32 s3, $0x2  }
0x30: {  	s2 =	sand.u32 $0x4000, s31;
	s1 =	sadd.s32 s3, s30  }
0x31: {  	s0 =	sor.u32 s2, s0;
	s1 =	sshll.u32 s1, $0x11  }
0x32: {  	s0 =	sor.u32 s1, s0  }
0x33: {  	s0 =	sadd.s32 $0x8F2B, s0  }
0x34: {  	[sflag:s0] =	ssyncadd.remote.s32 $0x1  }
0x35: {  	_ =	sfence.sel $0xFFFF  }
0x36: {  	[dreg:$0x0] =	wrdreg $0xFFFFFFFF;
	(pc) =	sbr.abs _section_cstart, $3  }
0x37: {  	[dreg:$0x1] =	wrdreg $0xFFFFFFFF  }
0x38: {  	_ =	task.clear_ibuf [dreg:s6], $0x2FFFF;
	_ =	strace $0x9FFFFFFF  }
0x39: {  	(tm) =	ssettm $0x7FFFFFFF  }
tec
execute0_lowered:
.L_overlay_start_1:
0x0: {  	(tag) =	ssettag $0x1  }
0x1: {  	s0 =	stileid.u32;
	s1 =	srdreg.scid  }
0x2: {  	s4 =	rddreg [dreg:$0x0];
	s7 =	simm.s32 $0x1;
	s31 =	simm.s32 $0x2  }
0x3: {  	s16 =	simm.s32 $0x0;
	s2 =	sshll.u32 s0, $0x4;
	s1 =	sshll.u32 s1, $0x8  }
0x4: {  	s9 =	simm.s32 $0x2000;
	s14 =	simm.s32 $0x0;
	s1 =	sor.u32 s2, s1  }
0x5: {  	s15 =	simm.s32 $0x0;
	s10 =	simm.s32 $0x0;
	s2 =	sand.u32 $0x180, s1  }
0x6: {  	s13 =	simm.s32 $0x0;
	s3 =	sadd.s32 $0x130000, s4;
	s5 =	ssub.s32 $0x400, s2  }
0x7: {  	s4 =	sadd.s32 $0x334A00, s4;
	s1 =	rddreg [dreg:$0x1];
	s6 =	sand.u32 $0x180, s5  }
.Ltmp0:
0x8: {  	_ =	strace $0x80000050;
	p0 =	sne.s32 s6, $0x0;
	(pc) =	sbr.rel .LBB1_1-.Ltmp0, $4  }
0x9: {  	s11 =	smov.u32 s2;
	s8 =	sshrl.u32 s5, $0x9;
	s7 =	simm.s32 @!p0 $0x0  }
0xa: {  	s5 =	sand.u32 $0x7, s0;
	s6 =	simm.s32 $0x1;
	s7 =	sadd.s32 s7, s8  }
0xb: {  	s12 =	smov.u32 s5;
	[sflag:s6] =	ssyncpa.u1 $0x0;
	s7 =	sshll.u32 s7, $0x3  }
0xc: {  	p0 =	por $0x0, $0x0;
	[sflag:s31] =	ssyncpa.u1 $0x0;
	s8 =	sor.u32 $0x1, s7  }
.LBB1_4:
0xd: {  	v5 =	vld [tilespmem:s20+$0xFFFFFFD0];
	[tilespmem:s19+$0x2040 ss:$0x81] =	vst.msk $0xffff, v1  }
0xe: {  	v58 =	vld [tilespmem:s20+$0xFFFFFFE0];
	[tilespmem:s19+$0x2850 ss:$0x81] =	vst.msk $0xffff, v2  }
0xf: {  	s21 =	sshra.s32 s21, $0x2;
	v59 =	vld [tilespmem:s20+$0xFFFFFFF0];
	[tilespmem:s19+$0x3060 ss:$0x81] =	vst.msk $0xffff, v3  }
0x10: {  	v60 =	vld [tilespmem:s20+$0x0];
	[tilespmem:s19+$0x0 ss:$0x81] =	vst.msk $0xffff, v0;
	s18 =	sadd.s32 s21, s18  }
0x11: {  	v61 =	vld [tilespmem:s20+$0x10];
	[tilespmem:s18+$0x3870 ss:$0x81] =	vst.msk $0xffff, v4  }
0x12: {  	v62 =	vld [tilespmem:s20+$0x20];
	s26 =	sshll.u32 s16, $0xA;
	s27 =	sshll.u32 s14, $0x3;
	[tilespmem:s18+$0x810 ss:$0x81] =	vst.msk $0xffff, v5  }
0x13: {  	v63 =	vld [tilespmem:s20+$0xFFFFFFC0];
	s29 =	sshll.u32 s16, $0x7;
	s30 =	sand.u32 $0x78, s14;
	s15 =	sshll.u32 s15, $0x11;
	[tilespmem:s18+$0x1020 ss:$0x81] =	vst.msk $0xffff, v58  }
0x14: {  	s19 =	sand.u32 $0xFE000, s26;
	s28 =	sand.u32 $0xFFC00, s27;
	s16 =	sand.u32 $0x380, s29;
	[tilespmem:s18+$0x1830 ss:$0x81] =	vst.msk $0xffff, v59  }
0x15: {  	s31 =	sand.u32 $0x7, s14;
	s19 =	sadd.s32 s28, s19;
	s16 =	sor.u32 s30, s16;
	[tilespmem:s18+$0x2040 ss:$0x81] =	vst.msk $0xffff, v60  }
0x16: {  	s15 =	sadd.s32 s4, s15;
	s19 =	sshrl.u32 s19, $0x3;
	s16 =	sshrl.u32 s16, $0x3;
	[tilespmem:s18+$0x2850 ss:$0x81] =	vst.msk $0xffff, v61  }
0x17: {  	s14 =	sshll.u32 s31, $0x12;
	s19 =	sand.u32 $0x1FF80, s19;
	s15 =	sadd.s32 s16, s15;
	[tilespmem:s18+$0x3060 ss:$0x81] =	vst.msk $0xffff, v62  }
0x18: {  	s14 =	sor.u32 $0x400, s14;
	[tilespmem:s18+$0x0 ss:$0x81] =	vst.msk $0xffff, v63;
	s15 =	sadd.s32 s19, s15  }
0x19: {  	[hbm4b:s15+s14] =	stream.strided.scatter [tilespmem:s17], [sflag:$0x2], $0x4000, s9, s14, $0x20;
	[tilespmem:$0x10100] =	vst v63  }
.LBB1_5:
0x1a: {  	s17 =	sadd.s32 $0x80, s10  }
0x1b: {  	s14 =	sadd.s32 $0x200, s11;
	s18 =	smov.u32 s11;
	p2 =	sgt.s32 s17, $0x3FF  }
0x1c: {  	s18 =	smov.u32 @p2 s14  }
0x1d: {  	s20 =	smov.u32 s12;
	s14 =	sadd.s32 $0x8, s12;
	p3 =	sgt.s32 s18, $0x3FF  }
0x1e: {  	s20 =	smov.u32 @p3 s14  }
0x1f: {  	s17 =	simm.s32 @p2 $0x0;
	p2 =	sgt.s32 s20, $0x7  }
0x20: {  	p1 =	slt.u32 s13, $0x2;
	s20 =	smov.u32 @p2 s5;
	p2 =	sne.s32 s13, s8  }
.Ltmp1:
0x21: {  	s19 =	simm.s32 @!p1 $0x2;
	(pc) =	sbr.rel @!p2 .LBB1_6-.Ltmp1, $4  }
0x22: {  	s16 =	smov.u32 s10;
	s15 =	smov.u32 s12;
	_ =	swait.ge @!p1 [sflag:s19], $0x4000  }
0x23: {  	p0 =	por !p0, !p0;
	[sflag:s19] =	ssyncset.done @!p1 $0x0;
	s10 =	smov.u32 s17  }
0x24: {  	s18 =	smov.u32 @p3 s2;
	s14 =	smov.u32 s11;
	[sflag:s19] =	ssyncadd.s32 @!p1 $0xFFFFC000  }
0x25: {  	s11 =	smov.u32 s18;
	s13 =	sadd.s32 $0x1, s13;
	s12 =	smov.u32 s20  }
.LBB1_1:
0x26: {  	p1 =	sge.u32 s13, s7  }
0x27: {  	s31 =	sadd.s32 $0xFFFFFFFF, s13;
	s17 =	sshll.u32 @!p1 s11, $0x7  }
0x28: {  	s18 =	sxor.u32 @!p1 $0xFFFFFFFF, s13;
	s19 =	sand.u32 @!p1 $0x78, s10;
	s20 =	sand.u32 @!p1 $0x380, s17  }
0x29: {  	s18 =	sshll.u32 @!p1 s18, $0xE;
	s19 =	sor.u32 @!p1 s19, s20;
	s20 =	sshll.u32 @!p1 s12, $0x11  }
0x2a: {  	s17 =	sand.u32 @!p1 $0x1FC00, s17;
	s19 =	sshrl.u32 @!p1 s19, $0x3;
	s20 =	sadd.s32 @!p1 s3, s20  }
0x2b: {  	s17 =	sadd.s32 @!p1 s10, s17;
	s19 =	sadd.s32 @!p1 s19, s20;
	s20 =	sand.u32 @!p1 $0x7, s10  }
0x2c: {  	s18 =	sand.u32 @!p1 $0x4000, s18;
	s17 =	sand.u32 @!p1 $0x1FF80, s17;
	s20 =	sshll.u32 @!p1 s20, $0x12  }
0x2d: {  	s17 =	sadd.s32 @!p1 s17, s19;
	s19 =	sor.u32 @!p1 $0x400, s20;
	s20 =	simm.s32 @!p1 $0x2000  }
0x2e: {  	[tilespmem:s18], [sflag:$0x1] =	stream.strided.gather @!p1 [hbm4b:s17+s19], $0x4000, s20, s19, $0x38;
	[tilespmem:$0x10100] =	vst v63  }
0x2f: {  	p1 =	sge.u32 s31, s7  }
.Ltmp2:
0x30: {  	_ = 	snop;
	(pc) =	sbr.rel @p1 .LBB1_5-.Ltmp2, $1  }
0x31: {  	_ =	sdelay $0x3  }
0x32: {  	s17 =	simm.s32 $0x1  }
0x33: {  	_ =	swait.ge [sflag:s6], $0x4000;
	s17 =	simm.s32 @!p0 $0x0  }
0x34: {  	[sflag:s6] =	ssyncset.done $0x0;
	s18 =	sshll.u32 s17, $0xE  }
0x35: {  	[sflag:s6] =	ssyncadd.s32 $0xFFFFC000;
	s20 =	sor.u32 $0x40, s18  }
0x36: {  	s17 =	smul.u32 $0x10200, s17;
	v0 =	vld [tilespmem:s20+$0x30]  }
0x37: {  	v3 =	vld [tilespmem:s20+$0xFFFFFFD0]  }
0x38: {  	s17 =	sshrl.u32 s17, $0x2;
	v4 =	vld [tilespmem:s20+$0xFFFFFFE0]  }
0x39: {  	v5 =	vld [tilespmem:s20+$0xFFFFFFF0];
	s18 =	sor.u32 $0x8000, s17  }
0x3a: {  	s31 =	sand.u32 $0x1, s13;
	v1 =	vld [tilespmem:s20+$0x0];
	s19 =	sadd.s32 $0x0, s18  }
0x3b: {  	v2 =	vld [tilespmem:s20+$0x10];
	s17 =	smul.u32 $0x10200, s31;
	[tilespmem:s19+$0x3870 ss:$0x81] =	vst.msk $0xffff, v0  }
0x3c: {  	[tilespmem:s19+$0x810 ss:$0x81] =	vst.msk $0xffff, v3;
	v3 =	vld [tilespmem:s20+$0x20]  }
0x3d: {  	s17 =	sshrl.u32 s17, $0x2;
	v0 =	vld [tilespmem:s20+$0xFFFFFFC0];
	[tilespmem:s19+$0x1020 ss:$0x81] =	vst.msk $0xffff, v4;
	s20 =	sadd.s32 $0x80, s20  }
0x3e: {  	s21 =	simm.s32 $0x4;
	s22 =	simm.s32 $0x8;
	s17 =	sor.u32 $0x8000, s17;
	[tilespmem:s19+$0x1830 ss:$0x81] =	vst.msk $0xffff, v5;
	v4 =	vld [tilespmem:s20+$0x30]  }
.LBB1_3:
0x3f: {  	p1 =	sne.s32 s22, $0x1FC;
	v5 =	vld [tilespmem:s20+$0xFFFFFFD0];
	[tilespmem:s19+$0x2040 ss:$0x81] =	vst.msk $0xffff, v1  }
0x40: {  	v6 =	vld [tilespmem:s20+$0xFFFFFFE0];
	[tilespmem:s19+$0x2850 ss:$0x81] =	vst.msk $0xffff, v2  }
0x41: {  	s23 =	sshra.s32 s21, $0x2;
	s21 =	smov.u32 s22;
	v7 =	vld [tilespmem:s20+$0xFFFFFFF0];
	[tilespmem:s19+$0x3060 ss:$0x81] =	vst.msk $0xffff, v3  }
.Ltmp3:
0x42: {  	v1 =	vld [tilespmem:s20+$0x0];
	[tilespmem:s19+$0x0 ss:$0x81] =	vst.msk $0xffff, v0;
	s19 =	sadd.s32 s23, s18;
	(pc) =	sbr.rel @p1 .LBB1_3-.Ltmp3, $4  }
0x43: {  	v2 =	vld [tilespmem:s20+$0x10];
	[tilespmem:s19+$0x3870 ss:$0x81] =	vst.msk $0xffff, v4  }
0x44: {  	[tilespmem:s19+$0x810 ss:$0x81] =	vst.msk $0xffff, v5;
	v3 =	vld [tilespmem:s20+$0x20]  }
0x45: {  	v0 =	vld [tilespmem:s20+$0xFFFFFFC0];
	[tilespmem:s19+$0x1020 ss:$0x81] =	vst.msk $0xffff, v6;
	s20 =	sadd.s32 $0x80, s20  }
0x46: {  	s22 =	sadd.s32 $0x4, s22;
	v4 =	vld [tilespmem:s20+$0x30];
	[tilespmem:s19+$0x1830 ss:$0x81] =	vst.msk $0xffff, v7  }
.Ltmp4:
0x47: {  	_ = 	snop;
	(pc) =	sbr.rel .LBB1_4-.Ltmp4, $1  }
0x48: {  	_ =	sdelay $0x3  }
.LBB1_6:
0x49: {  	_ =	sfence.sel $0x180000  }
0x4a: {  	s2 =	simm.s32 $0x1;
	[bflag:$0x0] =	sbarrier.arrive $0xFFFF  }
0x4b: {  	s31 =	simm.s32 $0x2;
	[sflag:s2] =	ssyncpa.u1 $0x1  }
0x4c: {  	[sflag:s31] =	ssyncpa.u1 $0x1  }
0x4d: {  	p0 =	sne.s32 s0, $0x0;
	_ =	strace $0x90000050  }
0x4e: {  	s0 =	sadd.s32 @!p0 $0x100000, s1;
	[bflag:$0x2] =	sbarrier.arrive $0xFFFF  }
0x4f: {  	[sflag:s0] =	ssyncadd.tile.s32 @!p0 $0x1;
	_ =	shalt  }
.Lfunc_end1:
_tile_overlayer_lowered:
.L_overlay_start_2:
0x50: {  	(tag) =	ssettag $0x2  }
0x51: {  	s0 =	rddreg [dreg:$0x0];
	s2 =	stileid.u32  }
0x52: {  	s1 =	rddreg [dreg:$0x1];
	p0 =	sne.s32 s2, $0x0  }
0x53: {  	s3 =	rddreg [dreg:$0x2];
	[bflag:$0x3] =	sbarrier.arrive $0xFFFF;
	s2 =	simm.s32 @!p0 $0x1C01  }
0x54: {  	[timem:s3], [sflag:s2] =	dma.local @!p0 [hbm:s0], s1  }
0x55: {  	s0 =	simm.s32 @!p0 $0x1  }
0x56: {  	_ =	swait.ge @!p0 [sflag:s0], s1  }
0x57: {  	s1 =	ssub.s32 @!p0 $0x0, s1;
	[sflag:s0] =	ssyncset.done @!p0 $0x0  }
0x58: {  	[sflag:s0] =	ssyncadd.s32 @!p0 s1  }
0x59: {  	[bflag:$0x3] =	sbarrier.arrive $0xFFFF  }
0x5a: {  	_ =	shalt  }

// kernel: sparse-core-data-format-call.11.cloned.1.call-start
scs
called_computation.11_lowered:
.L_overlay_start_0:
0x0: {  	s1 =	sld [smem:$0x3FD9]  }
0x1: {  	s2 =	sld [smem:$0x3FFE];
	_ =	sdelay $0x1  }
0x2: {  	s3 =	srdreg.scid  }
0x3: {  	s0 =	sand.u32 $0x1, s3  }
0x4: {  	s17 =	sshll.u32 s0, $0xA;
	s1 =	sadd.s32 s2, s1  }
0x5: {  	s1 =	sadd.s32 s1, s17  }
0x6: {  	[smem:$0x3FB0] =	sst s1  }
0x7: {  	_ = 	snop  }
0x8: {  	(tm) =	ssettm $0x1  }
0x9: {  	s18 =	sld [smem:$0x3FFB];
	_ =	sdelay $0x3  }
0xa: {  	_ =	strace s18  }
0xb: {  	s1 =	sld [smem:$0x3FFC];
	_ =	sdelay $0x3  }
0xc: {  	_ =	strace s1  }
0xd: {  	s1 =	sld [smem:$0x3FFD];
	_ =	sdelay $0x3  }
0xe: {  	_ =	strace s1  }
0xf: {  	_ =	strace $0x8FFFFFFF  }
0x10: {  	s19 =	sld [smem:$0x3FDB];
	_ =	sdelay $0x1  }
0x11: {  	s20 =	simm.s32 $_scs_section_size  }
0x12: {  	s4 =	simm.s32 $_size__tile_overlayer_lowered;
	s5 =	simm.s32 $_tile_overlayer_lowered  }
0x13: {  	s23 =	simm.s32 $0x1BFF;
	s22 =	sshll.u32 s5, $0x1;
	s1 =	sadd.s32 s20, s19  }
0x14: {  	s6 =	simm.s32 $0x0;
	s21 =	sshll.u32 s4, $0x1;
	s4 =	sadd.s32 s22, s1  }
0x15: {  	[timem:s6], [sflag:s23] =	dma.local [hbm:s4], s21  }
0x16: {  	_ =	swait.ge [sflag:s23], s21  }
0x17: {  	s2 =	ssub.s32 $0x0, s21;
	[sflag:s23] =	ssyncset.done $0x0  }
0x18: {  	[sflag:s23] =	ssyncadd.s32 s2;
	_ =	sdelay $0x1  }
0x19: {  	s24 =	simm.s32 $0x1B8B  }
0x1a: {  	_ =	swait.ge [sflag:s24], $0x1  }
0x1b: {  	[sflag:s24] =	ssyncset.done $0x0  }
0x1c: {  	s26 =	simm.s32 $0x1B8E;
	s25 =	sld [smem:$0x3FFE];
	[sflag:s24] =	ssyncadd.s32 $0xFFFFFFFF  }
0x1d: {  	s27 =	simm.s32 $execute0_lowered;
	[smem:$0x3FD2] =	sst s26  }
0x1e: {  	s4 =	sshll.u32 s27, $0x1;
	_ =	strace $0x8000004C;
	[dreg:$0x1] =	wrdreg $0xFFFFFFFF  }
0x1f: {  	s28 =	simm.s32 $_size_execute0_lowered;
	s1 =	sadd.s32 s1, s4;
	[dreg:$0x0] =	wrdreg $0x0  }
0x20: {  	s4 =	sshll.u32 s28, $0x1;
	[dreg:$0x2] =	wrdreg s1  }
0x21: {  	[dreg:$0x3] =	wrdreg s4  }
0x22: {  	[dreg:$0x4] =	wrdreg $0xC0  }
0x23: {  	_ =	task [dreg:s6], $0x5FFFF  }
0x24: {  	[dreg:$0x1] =	wrdreg $0xFFFFFFFF  }
0x25: {  	[dreg:$0x0] =	wrdreg $0x60  }
0x26: {  	[dreg:$0x2] =	wrdreg s25  }
0x27: {  	[dreg:$0x3] =	wrdreg $0x9  }
0x28: {  	_ =	task.clear_ibuf [dreg:s6], $0x4FFFF;
	_ =	strace $0x9000004C  }
0x29: {  	s29 =	simm.s32 $0x9;
	_ =	strace $0x8000004E  }
0x2a: {  	_ =	swait.ge [sflag:s29], $0x1  }
0x2b: {  	[sflag:s29] =	ssyncadd.s32 $0xFFFFFFFF  }
0x2c: {  	_ =	strace $0x9000004E  }
0x2d: {  	_ =	sfence  }
0x2e: {  	s30 =	sld [smem:$0x0];
	_ =	sdelay $0x2  }
0x2f: {  	s31 =	sshll.u32 s3, $0xD;
	s3 =	sshrl.u32 s3, $0x2  }
0x30: {  	s2 =	sand.u32 $0x4000, s31;
	s1 =	sadd.s32 s3, s30  }
0x31: {  	s0 =	sor.u32 s2, s0;
	s1 =	sshll.u32 s1, $0x11  }
0x32: {  	s0 =	sor.u32 s1, s0  }
0x33: {  	s0 =	sadd.s32 $0x8F2B, s0  }
0x34: {  	[sflag:s0] =	ssyncadd.remote.s32 $0x1  }
0x35: {  	_ =	sfence.sel $0xFFFF  }
0x36: {  	[dreg:$0x0] =	wrdreg $0xFFFFFFFF;
	(pc) =	sbr.abs _section_cstart, $3  }
0x37: {  	[dreg:$0x1] =	wrdreg $0xFFFFFFFF  }
0x38: {  	_ =	task.clear_ibuf [dreg:s6], $0x2FFFF;
	_ =	strace $0x9FFFFFFF  }
0x39: {  	(tm) =	ssettm $0x7FFFFFFF  }
tec
execute0_lowered:
.L_overlay_start_1:
0x0: {  	(tag) =	ssettag $0x1  }
0x1: {  	s0 =	stileid.u32;
	s1 =	srdreg.scid  }
0x2: {  	s4 =	rddreg [dreg:$0x0];
	s7 =	simm.s32 $0x1;
	s31 =	simm.s32 $0x2  }
0x3: {  	s16 =	simm.s32 $0x0;
	s2 =	sshll.u32 s0, $0x4;
	s1 =	sshll.u32 s1, $0x8  }
0x4: {  	s9 =	simm.s32 $0x2000;
	s14 =	simm.s32 $0x0;
	s1 =	sor.u32 s2, s1  }
0x5: {  	s15 =	simm.s32 $0x0;
	s10 =	simm.s32 $0x0;
	s2 =	sand.u32 $0x180, s1  }
0x6: {  	s13 =	simm.s32 $0x0;
	s3 =	sadd.s32 $0x120000, s4;
	s5 =	ssub.s32 $0x400, s2  }
0x7: {  	s4 =	sadd.s32 $0x334A00, s4;
	s1 =	rddreg [dreg:$0x1];
	s6 =	sand.u32 $0x180, s5  }
.Ltmp0:
0x8: {  	_ =	strace $0x8000004D;
	p0 =	sne.s32 s6, $0x0;
	(pc) =	sbr.rel .LBB1_1-.Ltmp0, $4  }
0x9: {  	s11 =	smov.u32 s2;
	s8 =	sshrl.u32 s5, $0x9;
	s7 =	simm.s32 @!p0 $0x0  }
0xa: {  	s5 =	sand.u32 $0x7, s0;
	s6 =	simm.s32 $0x1;
	s7 =	sadd.s32 s7, s8  }
0xb: {  	s12 =	smov.u32 s5;
	[sflag:s6] =	ssyncpa.u1 $0x0;
	s7 =	sshll.u32 s7, $0x3  }
0xc: {  	p0 =	por $0x0, $0x0;
	[sflag:s31] =	ssyncpa.u1 $0x0;
	s8 =	sor.u32 $0x1, s7  }
.LBB1_4:
0xd: {  	v5 =	vld [tilespmem:s20+$0xFFFFFFD0];
	[tilespmem:s19+$0x2040 ss:$0x81] =	vst.msk $0xffff, v1  }
0xe: {  	v58 =	vld [tilespmem:s20+$0xFFFFFFE0];
	[tilespmem:s19+$0x2850 ss:$0x81] =	vst.msk $0xffff, v2  }
0xf: {  	s21 =	sshra.s32 s21, $0x2;
	v59 =	vld [tilespmem:s20+$0xFFFFFFF0];
	[tilespmem:s19+$0x3060 ss:$0x81] =	vst.msk $0xffff, v3  }
0x10: {  	v60 =	vld [tilespmem:s20+$0x0];
	[tilespmem:s19+$0x0 ss:$0x81] =	vst.msk $0xffff, v0;
	s18 =	sadd.s32 s21, s18  }
0x11: {  	v61 =	vld [tilespmem:s20+$0x10];
	[tilespmem:s18+$0x3870 ss:$0x81] =	vst.msk $0xffff, v4  }
0x12: {  	v62 =	vld [tilespmem:s20+$0x20];
	s26 =	sshll.u32 s16, $0xA;
	s27 =	sshll.u32 s14, $0x3;
	[tilespmem:s18+$0x810 ss:$0x81] =	vst.msk $0xffff, v5  }
0x13: {  	v63 =	vld [tilespmem:s20+$0xFFFFFFC0];
	s29 =	sshll.u32 s16, $0x7;
	s30 =	sand.u32 $0x78, s14;
	s15 =	sshll.u32 s15, $0x11;
	[tilespmem:s18+$0x1020 ss:$0x81] =	vst.msk $0xffff, v58  }
0x14: {  	s19 =	sand.u32 $0xFE000, s26;
	s28 =	sand.u32 $0xFFC00, s27;
	s16 =	sand.u32 $0x380, s29;
	[tilespmem:s18+$0x1830 ss:$0x81] =	vst.msk $0xffff, v59  }
0x15: {  	s31 =	sand.u32 $0x7, s14;
	s19 =	sadd.s32 s28, s19;
	s16 =	sor.u32 s30, s16;
	[tilespmem:s18+$0x2040 ss:$0x81] =	vst.msk $0xffff, v60  }
0x16: {  	s15 =	sadd.s32 s4, s15;
	s19 =	sshrl.u32 s19, $0x3;
	s16 =	sshrl.u32 s16, $0x3;
	[tilespmem:s18+$0x2850 ss:$0x81] =	vst.msk $0xffff, v61  }
0x17: {  	s14 =	sshll.u32 s31, $0x12;
	s19 =	sand.u32 $0x1FF80, s19;
	s15 =	sadd.s32 s16, s15;
	[tilespmem:s18+$0x3060 ss:$0x81] =	vst.msk $0xffff, v62  }
0x18: {  	s14 =	sor.u32 $0x400, s14;
	[tilespmem:s18+$0x0 ss:$0x81] =	vst.msk $0xffff, v63;
	s15 =	sadd.s32 s19, s15  }
0x19: {  	[hbm4b:s15+s14] =	stream.strided.scatter [tilespmem:s17], [sflag:$0x2], $0x4000, s9, s14, $0x20;
	[tilespmem:$0x10100] =	vst v63  }
.LBB1_5:
0x1a: {  	s17 =	sadd.s32 $0x80, s10  }
0x1b: {  	s14 =	sadd.s32 $0x200, s11;
	s18 =	smov.u32 s11;
	p2 =	sgt.s32 s17, $0x3FF  }
0x1c: {  	s18 =	smov.u32 @p2 s14  }
0x1d: {  	s20 =	smov.u32 s12;
	s14 =	sadd.s32 $0x8, s12;
	p3 =	sgt.s32 s18, $0x3FF  }
0x1e: {  	s20 =	smov.u32 @p3 s14  }
0x1f: {  	s17 =	simm.s32 @p2 $0x0;
	p2 =	sgt.s32 s20, $0x7  }
0x20: {  	p1 =	slt.u32 s13, $0x2;
	s20 =	smov.u32 @p2 s5;
	p2 =	sne.s32 s13, s8  }
.Ltmp1:
0x21: {  	s19 =	simm.s32 @!p1 $0x2;
	(pc) =	sbr.rel @!p2 .LBB1_6-.Ltmp1, $4  }
0x22: {  	s16 =	smov.u32 s10;
	s15 =	smov.u32 s12;
	_ =	swait.ge @!p1 [sflag:s19], $0x4000  }
0x23: {  	p0 =	por !p0, !p0;
	[sflag:s19] =	ssyncset.done @!p1 $0x0;
	s10 =	smov.u32 s17  }
0x24: {  	s18 =	smov.u32 @p3 s2;
	s14 =	smov.u32 s11;
	[sflag:s19] =	ssyncadd.s32 @!p1 $0xFFFFC000  }
0x25: {  	s11 =	smov.u32 s18;
	s13 =	sadd.s32 $0x1, s13;
	s12 =	smov.u32 s20  }
.LBB1_1:
0x26: {  	p1 =	sge.u32 s13, s7  }
0x27: {  	s31 =	sadd.s32 $0xFFFFFFFF, s13;
	s17 =	sshll.u32 @!p1 s11, $0x7  }
0x28: {  	s18 =	sxor.u32 @!p1 $0xFFFFFFFF, s13;
	s19 =	sand.u32 @!p1 $0x78, s10;
	s20 =	sand.u32 @!p1 $0x380, s17  }
0x29: {  	s18 =	sshll.u32 @!p1 s18, $0xE;
	s19 =	sor.u32 @!p1 s19, s20;
	s20 =	sshll.u32 @!p1 s12, $0x11  }
0x2a: {  	s17 =	sand.u32 @!p1 $0x1FC00, s17;
	s19 =	sshrl.u32 @!p1 s19, $0x3;
	s20 =	sadd.s32 @!p1 s3, s20  }
0x2b: {  	s17 =	sadd.s32 @!p1 s10, s17;
	s19 =	sadd.s32 @!p1 s19, s20;
	s20 =	sand.u32 @!p1 $0x7, s10  }
0x2c: {  	s18 =	sand.u32 @!p1 $0x4000, s18;
	s17 =	sand.u32 @!p1 $0x1FF80, s17;
	s20 =	sshll.u32 @!p1 s20, $0x12  }
0x2d: {  	s17 =	sadd.s32 @!p1 s17, s19;
	s19 =	sor.u32 @!p1 $0x400, s20;
	s20 =	simm.s32 @!p1 $0x2000  }
0x2e: {  	[tilespmem:s18], [sflag:$0x1] =	stream.strided.gather @!p1 [hbm4b:s17+s19], $0x4000, s20, s19, $0x38;
	[tilespmem:$0x10100] =	vst v63  }
0x2f: {  	p1 =	sge.u32 s31, s7  }
.Ltmp2:
0x30: {  	_ = 	snop;
	(pc) =	sbr.rel @p1 .LBB1_5-.Ltmp2, $1  }
0x31: {  	_ =	sdelay $0x3  }
0x32: {  	s17 =	simm.s32 $0x1  }
0x33: {  	_ =	swait.ge [sflag:s6], $0x4000;
	s17 =	simm.s32 @!p0 $0x0  }
0x34: {  	[sflag:s6] =	ssyncset.done $0x0;
	s18 =	sshll.u32 s17, $0xE  }
0x35: {  	[sflag:s6] =	ssyncadd.s32 $0xFFFFC000;
	s20 =	sor.u32 $0x40, s18  }
0x36: {  	s17 =	smul.u32 $0x10200, s17;
	v0 =	vld [tilespmem:s20+$0x30]  }
0x37: {  	v3 =	vld [tilespmem:s20+$0xFFFFFFD0]  }
0x38: {  	s17 =	sshrl.u32 s17, $0x2;
	v4 =	vld [tilespmem:s20+$0xFFFFFFE0]  }
0x39: {  	v5 =	vld [tilespmem:s20+$0xFFFFFFF0];
	s18 =	sor.u32 $0x8000, s17  }
0x3a: {  	s31 =	sand.u32 $0x1, s13;
	v1 =	vld [tilespmem:s20+$0x0];
	s19 =	sadd.s32 $0x0, s18  }
0x3b: {  	v2 =	vld [tilespmem:s20+$0x10];
	s17 =	smul.u32 $0x10200, s31;
	[tilespmem:s19+$0x3870 ss:$0x81] =	vst.msk $0xffff, v0  }
0x3c: {  	[tilespmem:s19+$0x810 ss:$0x81] =	vst.msk $0xffff, v3;
	v3 =	vld [tilespmem:s20+$0x20]  }
0x3d: {  	s17 =	sshrl.u32 s17, $0x2;
	v0 =	vld [tilespmem:s20+$0xFFFFFFC0];
	[tilespmem:s19+$0x1020 ss:$0x81] =	vst.msk $0xffff, v4;
	s20 =	sadd.s32 $0x80, s20  }
0x3e: {  	s21 =	simm.s32 $0x4;
	s22 =	simm.s32 $0x8;
	s17 =	sor.u32 $0x8000, s17;
	[tilespmem:s19+$0x1830 ss:$0x81] =	vst.msk $0xffff, v5;
	v4 =	vld [tilespmem:s20+$0x30]  }
.LBB1_3:
0x3f: {  	p1 =	sne.s32 s22, $0x1FC;
	v5 =	vld [tilespmem:s20+$0xFFFFFFD0];
	[tilespmem:s19+$0x2040 ss:$0x81] =	vst.msk $0xffff, v1  }
0x40: {  	v6 =	vld [tilespmem:s20+$0xFFFFFFE0];
	[tilespmem:s19+$0x2850 ss:$0x81] =	vst.msk $0xffff, v2  }
0x41: {  	s23 =	sshra.s32 s21, $0x2;
	s21 =	smov.u32 s22;
	v7 =	vld [tilespmem:s20+$0xFFFFFFF0];
	[tilespmem:s19+$0x3060 ss:$0x81] =	vst.msk $0xffff, v3  }
.Ltmp3:
0x42: {  	v1 =	vld [tilespmem:s20+$0x0];
	[tilespmem:s19+$0x0 ss:$0x81] =	vst.msk $0xffff, v0;
	s19 =	sadd.s32 s23, s18;
	(pc) =	sbr.rel @p1 .LBB1_3-.Ltmp3, $4  }
0x43: {  	v2 =	vld [tilespmem:s20+$0x10];
	[tilespmem:s19+$0x3870 ss:$0x81] =	vst.msk $0xffff, v4  }
0x44: {  	[tilespmem:s19+$0x810 ss:$0x81] =	vst.msk $0xffff, v5;
	v3 =	vld [tilespmem:s20+$0x20]  }
0x45: {  	v0 =	vld [tilespmem:s20+$0xFFFFFFC0];
	[tilespmem:s19+$0x1020 ss:$0x81] =	vst.msk $0xffff, v6;
	s20 =	sadd.s32 $0x80, s20  }
0x46: {  	s22 =	sadd.s32 $0x4, s22;
	v4 =	vld [tilespmem:s20+$0x30];
	[tilespmem:s19+$0x1830 ss:$0x81] =	vst.msk $0xffff, v7  }
.Ltmp4:
0x47: {  	_ = 	snop;
	(pc) =	sbr.rel .LBB1_4-.Ltmp4, $1  }
0x48: {  	_ =	sdelay $0x3  }
.LBB1_6:
0x49: {  	_ =	sfence.sel $0x180000  }
0x4a: {  	s2 =	simm.s32 $0x1;
	[bflag:$0x0] =	sbarrier.arrive $0xFFFF  }
0x4b: {  	s31 =	simm.s32 $0x2;
	[sflag:s2] =	ssyncpa.u1 $0x1  }
0x4c: {  	[sflag:s31] =	ssyncpa.u1 $0x1  }
0x4d: {  	p0 =	sne.s32 s0, $0x0;
	_ =	strace $0x9000004D  }
0x4e: {  	s0 =	sadd.s32 @!p0 $0x100000, s1;
	[bflag:$0x2] =	sbarrier.arrive $0xFFFF  }
0x4f: {  	[sflag:s0] =	ssyncadd.tile.s32 @!p0 $0x1;
	_ =	shalt  }
.Lfunc_end1:
_tile_overlayer_lowered:
.L_overlay_start_2:
0x50: {  	(tag) =	ssettag $0x2  }
0x51: {  	s0 =	rddreg [dreg:$0x0];
	s2 =	stileid.u32  }
0x52: {  	s1 =	rddreg [dreg:$0x1];
	p0 =	sne.s32 s2, $0x0  }
0x53: {  	s3 =	rddreg [dreg:$0x2];
	[bflag:$0x3] =	sbarrier.arrive $0xFFFF;
	s2 =	simm.s32 @!p0 $0x1C01  }
0x54: {  	[timem:s3], [sflag:s2] =	dma.local @!p0 [hbm:s0], s1  }
0x55: {  	s0 =	simm.s32 @!p0 $0x1  }
0x56: {  	_ =	swait.ge @!p0 [sflag:s0], s1  }
0x57: {  	s1 =	ssub.s32 @!p0 $0x0, s1;
	[sflag:s0] =	ssyncset.done @!p0 $0x0  }
0x58: {  	[sflag:s0] =	ssyncadd.s32 @!p0 s1  }
0x59: {  	[bflag:$0x3] =	sbarrier.arrive $0xFFFF  }
0x5a: {  	_ =	shalt  }

// kernel: sparse-core-data-format-call.12.cloned.1.call-start
scs
called_computation.12_lowered:
.L_overlay_start_0:
0x0: {  	s1 =	sld [smem:$0x3FD9]  }
0x1: {  	s2 =	sld [smem:$0x3FFE];
	_ =	sdelay $0x1  }
0x2: {  	s3 =	srdreg.scid  }
0x3: {  	s0 =	sand.u32 $0x1, s3  }
0x4: {  	s17 =	sshll.u32 s0, $0xA;
	s1 =	sadd.s32 s2, s1  }
0x5: {  	s1 =	sadd.s32 s1, s17  }
0x6: {  	[smem:$0x3FB0] =	sst s1  }
0x7: {  	_ = 	snop  }
0x8: {  	(tm) =	ssettm $0x1  }
0x9: {  	s18 =	sld [smem:$0x3FFB];
	_ =	sdelay $0x3  }
0xa: {  	_ =	strace s18  }
0xb: {  	s1 =	sld [smem:$0x3FFC];
	_ =	sdelay $0x3  }
0xc: {  	_ =	strace s1  }
0xd: {  	s1 =	sld [smem:$0x3FFD];
	_ =	sdelay $0x3  }
0xe: {  	_ =	strace s1  }
0xf: {  	_ =	strace $0x8FFFFFFF  }
0x10: {  	s19 =	sld [smem:$0x3FDB];
	_ =	sdelay $0x1  }
0x11: {  	s20 =	simm.s32 $_scs_section_size  }
0x12: {  	s4 =	simm.s32 $_size__tile_overlayer_lowered;
	s5 =	simm.s32 $_tile_overlayer_lowered  }
0x13: {  	s23 =	simm.s32 $0x1BFF;
	s22 =	sshll.u32 s5, $0x1;
	s1 =	sadd.s32 s20, s19  }
0x14: {  	s6 =	simm.s32 $0x0;
	s21 =	sshll.u32 s4, $0x1;
	s4 =	sadd.s32 s22, s1  }
0x15: {  	[timem:s6], [sflag:s23] =	dma.local [hbm:s4], s21  }
0x16: {  	_ =	swait.ge [sflag:s23], s21  }
0x17: {  	s2 =	ssub.s32 $0x0, s21;
	[sflag:s23] =	ssyncset.done $0x0  }
0x18: {  	[sflag:s23] =	ssyncadd.s32 s2;
	_ =	sdelay $0x1  }
0x19: {  	s24 =	simm.s32 $0x1B8B  }
0x1a: {  	_ =	swait.ge [sflag:s24], $0x1  }
0x1b: {  	[sflag:s24] =	ssyncset.done $0x0  }
0x1c: {  	s26 =	simm.s32 $0x1B8E;
	s25 =	sld [smem:$0x3FFE];
	[sflag:s24] =	ssyncadd.s32 $0xFFFFFFFF  }
0x1d: {  	s27 =	simm.s32 $execute0_lowered;
	[smem:$0x3FD2] =	sst s26  }
0x1e: {  	s4 =	sshll.u32 s27, $0x1;
	_ =	strace $0x80000049;
	[dreg:$0x1] =	wrdreg $0xFFFFFFFF  }
0x1f: {  	s28 =	simm.s32 $_size_execute0_lowered;
	s1 =	sadd.s32 s1, s4;
	[dreg:$0x0] =	wrdreg $0x0  }
0x20: {  	s4 =	sshll.u32 s28, $0x1;
	[dreg:$0x2] =	wrdreg s1  }
0x21: {  	[dreg:$0x3] =	wrdreg s4  }
0x22: {  	[dreg:$0x4] =	wrdreg $0xC0  }
0x23: {  	_ =	task [dreg:s6], $0x5FFFF  }
0x24: {  	[dreg:$0x1] =	wrdreg $0xFFFFFFFF  }
0x25: {  	[dreg:$0x0] =	wrdreg $0x60  }
0x26: {  	[dreg:$0x2] =	wrdreg s25  }
0x27: {  	[dreg:$0x3] =	wrdreg $0x9  }
0x28: {  	_ =	task.clear_ibuf [dreg:s6], $0x4FFFF;
	_ =	strace $0x90000049  }
0x29: {  	s29 =	simm.s32 $0x9;
	_ =	strace $0x8000004B  }
0x2a: {  	_ =	swait.ge [sflag:s29], $0x1  }
0x2b: {  	[sflag:s29] =	ssyncadd.s32 $0xFFFFFFFF  }
0x2c: {  	_ =	strace $0x9000004B  }
0x2d: {  	_ =	sfence  }
0x2e: {  	s30 =	sld [smem:$0x0];
	_ =	sdelay $0x2  }
0x2f: {  	s31 =	sshll.u32 s3, $0xD;
	s3 =	sshrl.u32 s3, $0x2  }
0x30: {  	s2 =	sand.u32 $0x4000, s31;
	s1 =	sadd.s32 s3, s30  }
0x31: {  	s0 =	sor.u32 s2, s0;
	s1 =	sshll.u32 s1, $0x11  }
0x32: {  	s0 =	sor.u32 s1, s0  }
0x33: {  	s0 =	sadd.s32 $0x8F2B, s0  }
0x34: {  	[sflag:s0] =	ssyncadd.remote.s32 $0x1  }
0x35: {  	_ =	sfence.sel $0xFFFF  }
0x36: {  	[dreg:$0x0] =	wrdreg $0xFFFFFFFF;
	(pc) =	sbr.abs _section_cstart, $3  }
0x37: {  	[dreg:$0x1] =	wrdreg $0xFFFFFFFF  }
0x38: {  	_ =	task.clear_ibuf [dreg:s6], $0x2FFFF;
	_ =	strace $0x9FFFFFFF  }
0x39: {  	(tm) =	ssettm $0x7FFFFFFF  }
tec
execute0_lowered:
.L_overlay_start_1:
0x0: {  	(tag) =	ssettag $0x1  }
0x1: {  	s0 =	stileid.u32;
	s1 =	srdreg.scid  }
0x2: {  	s4 =	rddreg [dreg:$0x0];
	s7 =	simm.s32 $0x1;
	s31 =	simm.s32 $0x2  }
0x3: {  	s16 =	simm.s32 $0x0;
	s2 =	sshll.u32 s0, $0x4;
	s1 =	sshll.u32 s1, $0x8  }
0x4: {  	s9 =	simm.s32 $0x2000;
	s14 =	simm.s32 $0x0;
	s1 =	sor.u32 s2, s1  }
0x5: {  	s15 =	simm.s32 $0x0;
	s10 =	simm.s32 $0x0;
	s2 =	sand.u32 $0x180, s1  }
0x6: {  	s13 =	simm.s32 $0x0;
	s3 =	sadd.s32 $0x110000, s4;
	s5 =	ssub.s32 $0x400, s2  }
0x7: {  	s4 =	sadd.s32 $0x210000, s4;
	s1 =	rddreg [dreg:$0x1];
	s6 =	sand.u32 $0x180, s5  }
.Ltmp0:
0x8: {  	_ =	strace $0x8000004A;
	p0 =	sne.s32 s6, $0x0;
	(pc) =	sbr.rel .LBB1_1-.Ltmp0, $4  }
0x9: {  	s11 =	smov.u32 s2;
	s8 =	sshrl.u32 s5, $0x9;
	s7 =	simm.s32 @!p0 $0x0  }
0xa: {  	s5 =	sand.u32 $0x7, s0;
	s6 =	simm.s32 $0x1;
	s7 =	sadd.s32 s7, s8  }
0xb: {  	s12 =	smov.u32 s5;
	[sflag:s6] =	ssyncpa.u1 $0x0;
	s7 =	sshll.u32 s7, $0x3  }
0xc: {  	p0 =	por $0x0, $0x0;
	[sflag:s31] =	ssyncpa.u1 $0x0;
	s8 =	sor.u32 $0x1, s7  }
.LBB1_4:
0xd: {  	v5 =	vld [tilespmem:s20+$0xFFFFFFD0];
	[tilespmem:s19+$0x2040 ss:$0x81] =	vst.msk $0xffff, v1  }
0xe: {  	v58 =	vld [tilespmem:s20+$0xFFFFFFE0];
	[tilespmem:s19+$0x2850 ss:$0x81] =	vst.msk $0xffff, v2  }
0xf: {  	s21 =	sshra.s32 s21, $0x2;
	v59 =	vld [tilespmem:s20+$0xFFFFFFF0];
	[tilespmem:s19+$0x3060 ss:$0x81] =	vst.msk $0xffff, v3  }
0x10: {  	v60 =	vld [tilespmem:s20+$0x0];
	[tilespmem:s19+$0x0 ss:$0x81] =	vst.msk $0xffff, v0;
	s18 =	sadd.s32 s21, s18  }
0x11: {  	v61 =	vld [tilespmem:s20+$0x10];
	[tilespmem:s18+$0x3870 ss:$0x81] =	vst.msk $0xffff, v4  }
0x12: {  	v62 =	vld [tilespmem:s20+$0x20];
	s26 =	sshll.u32 s16, $0xA;
	s27 =	sshll.u32 s14, $0x3;
	[tilespmem:s18+$0x810 ss:$0x81] =	vst.msk $0xffff, v5  }
0x13: {  	v63 =	vld [tilespmem:s20+$0xFFFFFFC0];
	s29 =	sshll.u32 s16, $0x7;
	s30 =	sand.u32 $0x78, s14;
	s15 =	sshll.u32 s15, $0x11;
	[tilespmem:s18+$0x1020 ss:$0x81] =	vst.msk $0xffff, v58  }
0x14: {  	s19 =	sand.u32 $0xFE000, s26;
	s28 =	sand.u32 $0xFFC00, s27;
	s16 =	sand.u32 $0x380, s29;
	[tilespmem:s18+$0x1830 ss:$0x81] =	vst.msk $0xffff, v59  }
0x15: {  	s31 =	sand.u32 $0x7, s14;
	s19 =	sadd.s32 s28, s19;
	s16 =	sor.u32 s30, s16;
	[tilespmem:s18+$0x2040 ss:$0x81] =	vst.msk $0xffff, v60  }
0x16: {  	s15 =	sadd.s32 s4, s15;
	s19 =	sshrl.u32 s19, $0x3;
	s16 =	sshrl.u32 s16, $0x3;
	[tilespmem:s18+$0x2850 ss:$0x81] =	vst.msk $0xffff, v61  }
0x17: {  	s14 =	sshll.u32 s31, $0x12;
	s19 =	sand.u32 $0x1FF80, s19;
	s15 =	sadd.s32 s16, s15;
	[tilespmem:s18+$0x3060 ss:$0x81] =	vst.msk $0xffff, v62  }
0x18: {  	s14 =	sor.u32 $0x400, s14;
	[tilespmem:s18+$0x0 ss:$0x81] =	vst.msk $0xffff, v63;
	s15 =	sadd.s32 s19, s15  }
0x19: {  	[hbm4b:s15+s14] =	stream.strided.scatter [tilespmem:s17], [sflag:$0x2], $0x4000, s9, s14, $0x20;
	[tilespmem:$0x10100] =	vst v63  }
.LBB1_5:
0x1a: {  	s17 =	sadd.s32 $0x80, s10  }
0x1b: {  	s14 =	sadd.s32 $0x200, s11;
	s18 =	smov.u32 s11;
	p2 =	sgt.s32 s17, $0x3FF  }
0x1c: {  	s18 =	smov.u32 @p2 s14  }
0x1d: {  	s20 =	smov.u32 s12;
	s14 =	sadd.s32 $0x8, s12;
	p3 =	sgt.s32 s18, $0x3FF  }
0x1e: {  	s20 =	smov.u32 @p3 s14  }
0x1f: {  	s17 =	simm.s32 @p2 $0x0;
	p2 =	sgt.s32 s20, $0x7  }
0x20: {  	p1 =	slt.u32 s13, $0x2;
	s20 =	smov.u32 @p2 s5;
	p2 =	sne.s32 s13, s8  }
.Ltmp1:
0x21: {  	s19 =	simm.s32 @!p1 $0x2;
	(pc) =	sbr.rel @!p2 .LBB1_6-.Ltmp1, $4  }
0x22: {  	s16 =	smov.u32 s10;
	s15 =	smov.u32 s12;
	_ =	swait.ge @!p1 [sflag:s19], $0x4000  }
0x23: {  	p0 =	por !p0, !p0;
	[sflag:s19] =	ssyncset.done @!p1 $0x0;
	s10 =	smov.u32 s17  }
0x24: {  	s18 =	smov.u32 @p3 s2;
	s14 =	smov.u32 s11;
	[sflag:s19] =	ssyncadd.s32 @!p1 $0xFFFFC000  }
0x25: {  	s11 =	smov.u32 s18;
	s13 =	sadd.s32 $0x1, s13;
	s12 =	smov.u32 s20  }
.LBB1_1:
0x26: {  	p1 =	sge.u32 s13, s7  }
0x27: {  	s31 =	sadd.s32 $0xFFFFFFFF, s13;
	s17 =	sshll.u32 @!p1 s11, $0x7  }
0x28: {  	s18 =	sxor.u32 @!p1 $0xFFFFFFFF, s13;
	s19 =	sand.u32 @!p1 $0x78, s10;
	s20 =	sand.u32 @!p1 $0x380, s17  }
0x29: {  	s18 =	sshll.u32 @!p1 s18, $0xE;
	s19 =	sor.u32 @!p1 s19, s20;
	s20 =	sshll.u32 @!p1 s12, $0x11  }
0x2a: {  	s17 =	sand.u32 @!p1 $0x1FC00, s17;
	s19 =	sshrl.u32 @!p1 s19, $0x3;
	s20 =	sadd.s32 @!p1 s3, s20  }
0x2b: {  	s17 =	sadd.s32 @!p1 s10, s17;
	s19 =	sadd.s32 @!p1 s19, s20;
	s20 =	sand.u32 @!p1 $0x7, s10  }
0x2c: {  	s18 =	sand.u32 @!p1 $0x4000, s18;
	s17 =	sand.u32 @!p1 $0x1FF80, s17;
	s20 =	sshll.u32 @!p1 s20, $0x12  }
0x2d: {  	s17 =	sadd.s32 @!p1 s17, s19;
	s19 =	sor.u32 @!p1 $0x400, s20;
	s20 =	simm.s32 @!p1 $0x2000  }
0x2e: {  	[tilespmem:s18], [sflag:$0x1] =	stream.strided.gather @!p1 [hbm4b:s17+s19], $0x4000, s20, s19, $0x38;
	[tilespmem:$0x10100] =	vst v63  }
0x2f: {  	p1 =	sge.u32 s31, s7  }
.Ltmp2:
0x30: {  	_ = 	snop;
	(pc) =	sbr.rel @p1 .LBB1_5-.Ltmp2, $1  }
0x31: {  	_ =	sdelay $0x3  }
0x32: {  	s17 =	simm.s32 $0x1  }
0x33: {  	_ =	swait.ge [sflag:s6], $0x4000;
	s17 =	simm.s32 @!p0 $0x0  }
0x34: {  	[sflag:s6] =	ssyncset.done $0x0;
	s18 =	sshll.u32 s17, $0xE  }
0x35: {  	[sflag:s6] =	ssyncadd.s32 $0xFFFFC000;
	s20 =	sor.u32 $0x40, s18  }
0x36: {  	s17 =	smul.u32 $0x10200, s17;
	v0 =	vld [tilespmem:s20+$0x30]  }
0x37: {  	v3 =	vld [tilespmem:s20+$0xFFFFFFD0]  }
0x38: {  	s17 =	sshrl.u32 s17, $0x2;
	v4 =	vld [tilespmem:s20+$0xFFFFFFE0]  }
0x39: {  	v5 =	vld [tilespmem:s20+$0xFFFFFFF0];
	s18 =	sor.u32 $0x8000, s17  }
0x3a: {  	s31 =	sand.u32 $0x1, s13;
	v1 =	vld [tilespmem:s20+$0x0];
	s19 =	sadd.s32 $0x0, s18  }
0x3b: {  	v2 =	vld [tilespmem:s20+$0x10];
	s17 =	smul.u32 $0x10200, s31;
	[tilespmem:s19+$0x3870 ss:$0x81] =	vst.msk $0xffff, v0  }
0x3c: {  	[tilespmem:s19+$0x810 ss:$0x81] =	vst.msk $0xffff, v3;
	v3 =	vld [tilespmem:s20+$0x20]  }
0x3d: {  	s17 =	sshrl.u32 s17, $0x2;
	v0 =	vld [tilespmem:s20+$0xFFFFFFC0];
	[tilespmem:s19+$0x1020 ss:$0x81] =	vst.msk $0xffff, v4;
	s20 =	sadd.s32 $0x80, s20  }
0x3e: {  	s21 =	simm.s32 $0x4;
	s22 =	simm.s32 $0x8;
	s17 =	sor.u32 $0x8000, s17;
	[tilespmem:s19+$0x1830 ss:$0x81] =	vst.msk $0xffff, v5;
	v4 =	vld [tilespmem:s20+$0x30]  }
.LBB1_3:
0x3f: {  	p1 =	sne.s32 s22, $0x1FC;
	v5 =	vld [tilespmem:s20+$0xFFFFFFD0];
	[tilespmem:s19+$0x2040 ss:$0x81] =	vst.msk $0xffff, v1  }
0x40: {  	v6 =	vld [tilespmem:s20+$0xFFFFFFE0];
	[tilespmem:s19+$0x2850 ss:$0x81] =	vst.msk $0xffff, v2  }
0x41: {  	s23 =	sshra.s32 s21, $0x2;
	s21 =	smov.u32 s22;
	v7 =	vld [tilespmem:s20+$0xFFFFFFF0];
	[tilespmem:s19+$0x3060 ss:$0x81] =	vst.msk $0xffff, v3  }
.Ltmp3:
0x42: {  	v1 =	vld [tilespmem:s20+$0x0];
	[tilespmem:s19+$0x0 ss:$0x81] =	vst.msk $0xffff, v0;
	s19 =	sadd.s32 s23, s18;
	(pc) =	sbr.rel @p1 .LBB1_3-.Ltmp3, $4  }
0x43: {  	v2 =	vld [tilespmem:s20+$0x10];
	[tilespmem:s19+$0x3870 ss:$0x81] =	vst.msk $0xffff, v4  }
0x44: {  	[tilespmem:s19+$0x810 ss:$0x81] =	vst.msk $0xffff, v5;
	v3 =	vld [tilespmem:s20+$0x20]  }
0x45: {  	v0 =	vld [tilespmem:s20+$0xFFFFFFC0];
	[tilespmem:s19+$0x1020 ss:$0x81] =	vst.msk $0xffff, v6;
	s20 =	sadd.s32 $0x80, s20  }
0x46: {  	s22 =	sadd.s32 $0x4, s22;
	v4 =	vld [tilespmem:s20+$0x30];
	[tilespmem:s19+$0x1830 ss:$0x81] =	vst.msk $0xffff, v7  }
.Ltmp4:
0x47: {  	_ = 	snop;
	(pc) =	sbr.rel .LBB1_4-.Ltmp4, $1  }
0x48: {  	_ =	sdelay $0x3  }
.LBB1_6:
0x49: {  	_ =	sfence.sel $0x180000  }
0x4a: {  	s2 =	simm.s32 $0x1;
	[bflag:$0x0] =	sbarrier.arrive $0xFFFF  }
0x4b: {  	s31 =	simm.s32 $0x2;
	[sflag:s2] =	ssyncpa.u1 $0x1  }
0x4c: {  	[sflag:s31] =	ssyncpa.u1 $0x1  }
0x4d: {  	p0 =	sne.s32 s0, $0x0;
	_ =	strace $0x9000004A  }
0x4e: {  	s0 =	sadd.s32 @!p0 $0x100000, s1;
	[bflag:$0x2] =	sbarrier.arrive $0xFFFF  }
0x4f: {  	[sflag:s0] =	ssyncadd.tile.s32 @!p0 $0x1;
	_ =	shalt  }
.Lfunc_end1:
_tile_overlayer_lowered:
.L_overlay_start_2:
0x50: {  	(tag) =	ssettag $0x2  }
0x51: {  	s0 =	rddreg [dreg:$0x0];
	s2 =	stileid.u32  }
0x52: {  	s1 =	rddreg [dreg:$0x1];
	p0 =	sne.s32 s2, $0x0  }
0x53: {  	s3 =	rddreg [dreg:$0x2];
	[bflag:$0x3] =	sbarrier.arrive $0xFFFF;
	s2 =	simm.s32 @!p0 $0x1C01  }
0x54: {  	[timem:s3], [sflag:s2] =	dma.local @!p0 [hbm:s0], s1  }
0x55: {  	s0 =	simm.s32 @!p0 $0x1  }
0x56: {  	_ =	swait.ge @!p0 [sflag:s0], s1  }
0x57: {  	s1 =	ssub.s32 @!p0 $0x0, s1;
	[sflag:s0] =	ssyncset.done @!p0 $0x0  }
0x58: {  	[sflag:s0] =	ssyncadd.s32 @!p0 s1  }
0x59: {  	[bflag:$0x3] =	sbarrier.arrive $0xFFFF  }
0x5a: {  	_ =	shalt  }

// kernel: sparse-core-data-format-call.13.cloned.1.call-start
scs
called_computation.13_lowered:
.L_overlay_start_0:
0x0: {  	s1 =	sld [smem:$0x3FD9]  }
0x1: {  	s2 =	sld [smem:$0x3FFE];
	_ =	sdelay $0x1  }
0x2: {  	s3 =	srdreg.scid  }
0x3: {  	s0 =	sand.u32 $0x1, s3  }
0x4: {  	s17 =	sshll.u32 s0, $0xA;
	s1 =	sadd.s32 s2, s1  }
0x5: {  	s1 =	sadd.s32 s1, s17  }
0x6: {  	[smem:$0x3FB0] =	sst s1  }
0x7: {  	_ = 	snop  }
0x8: {  	(tm) =	ssettm $0x1  }
0x9: {  	s18 =	sld [smem:$0x3FFB];
	_ =	sdelay $0x3  }
0xa: {  	_ =	strace s18  }
0xb: {  	s1 =	sld [smem:$0x3FFC];
	_ =	sdelay $0x3  }
0xc: {  	_ =	strace s1  }
0xd: {  	s1 =	sld [smem:$0x3FFD];
	_ =	sdelay $0x3  }
0xe: {  	_ =	strace s1  }
0xf: {  	_ =	strace $0x8FFFFFFF  }
0x10: {  	s19 =	sld [smem:$0x3FDB];
	_ =	sdelay $0x1  }
0x11: {  	s20 =	simm.s32 $_scs_section_size  }
0x12: {  	s4 =	simm.s32 $_size__tile_overlayer_lowered;
	s5 =	simm.s32 $_tile_overlayer_lowered  }
0x13: {  	s23 =	simm.s32 $0x1BFF;
	s22 =	sshll.u32 s5, $0x1;
	s1 =	sadd.s32 s20, s19  }
0x14: {  	s6 =	simm.s32 $0x0;
	s21 =	sshll.u32 s4, $0x1;
	s4 =	sadd.s32 s22, s1  }
0x15: {  	[timem:s6], [sflag:s23] =	dma.local [hbm:s4], s21  }
0x16: {  	_ =	swait.ge [sflag:s23], s21  }
0x17: {  	s2 =	ssub.s32 $0x0, s21;
	[sflag:s23] =	ssyncset.done $0x0  }
0x18: {  	[sflag:s23] =	ssyncadd.s32 s2;
	_ =	sdelay $0x1  }
0x19: {  	s24 =	simm.s32 $0x1B8B  }
0x1a: {  	_ =	swait.ge [sflag:s24], $0x1  }
0x1b: {  	[sflag:s24] =	ssyncset.done $0x0  }
0x1c: {  	s26 =	simm.s32 $0x1B8E;
	s25 =	sld [smem:$0x3FFE];
	[sflag:s24] =	ssyncadd.s32 $0xFFFFFFFF  }
0x1d: {  	s27 =	simm.s32 $execute0_lowered;
	[smem:$0x3FD2] =	sst s26  }
0x1e: {  	s4 =	sshll.u32 s27, $0x1;
	_ =	strace $0x80000046;
	[dreg:$0x1] =	wrdreg $0xFFFFFFFF  }
0x1f: {  	s28 =	simm.s32 $_size_execute0_lowered;
	s1 =	sadd.s32 s1, s4;
	[dreg:$0x0] =	wrdreg $0x0  }
0x20: {  	s4 =	sshll.u32 s28, $0x1;
	[dreg:$0x2] =	wrdreg s1  }
0x21: {  	[dreg:$0x3] =	wrdreg s4  }
0x22: {  	[dreg:$0x4] =	wrdreg $0xC0  }
0x23: {  	_ =	task [dreg:s6], $0x5FFFF  }
0x24: {  	[dreg:$0x1] =	wrdreg $0xFFFFFFFF  }
0x25: {  	[dreg:$0x0] =	wrdreg $0x60  }
0x26: {  	[dreg:$0x2] =	wrdreg s25  }
0x27: {  	[dreg:$0x3] =	wrdreg $0x9  }
0x28: {  	_ =	task.clear_ibuf [dreg:s6], $0x4FFFF;
	_ =	strace $0x90000046  }
0x29: {  	s29 =	simm.s32 $0x9;
	_ =	strace $0x80000048  }
0x2a: {  	_ =	swait.ge [sflag:s29], $0x1  }
0x2b: {  	[sflag:s29] =	ssyncadd.s32 $0xFFFFFFFF  }
0x2c: {  	_ =	strace $0x90000048  }
0x2d: {  	_ =	sfence  }
0x2e: {  	s30 =	sld [smem:$0x0];
	_ =	sdelay $0x2  }
0x2f: {  	s31 =	sshll.u32 s3, $0xD;
	s3 =	sshrl.u32 s3, $0x2  }
0x30: {  	s2 =	sand.u32 $0x4000, s31;
	s1 =	sadd.s32 s3, s30  }
0x31: {  	s0 =	sor.u32 s2, s0;
	s1 =	sshll.u32 s1, $0x11  }
0x32: {  	s0 =	sor.u32 s1, s0  }
0x33: {  	s0 =	sadd.s32 $0x8F2B, s0  }
0x34: {  	[sflag:s0] =	ssyncadd.remote.s32 $0x1  }
0x35: {  	_ =	sfence.sel $0xFFFF  }
0x36: {  	[dreg:$0x0] =	wrdreg $0xFFFFFFFF;
	(pc) =	sbr.abs _section_cstart, $3  }
0x37: {  	[dreg:$0x1] =	wrdreg $0xFFFFFFFF  }
0x38: {  	_ =	task.clear_ibuf [dreg:s6], $0x2FFFF;
	_ =	strace $0x9FFFFFFF  }
0x39: {  	(tm) =	ssettm $0x7FFFFFFF  }
tec
execute0_lowered:
.L_overlay_start_1:
0x0: {  	(tag) =	ssettag $0x1  }
0x1: {  	s0 =	stileid.u32  }
0x2: {  	s1 =	srdreg.scid;
	s3 =	rddreg [dreg:$0x0];
	s7 =	simm.s32 $0x1  }
0x3: {  	s6 =	simm.s32 $0x1;
	s2 =	sshll.u32 s0, $0x4;
	s1 =	sshll.u32 s1, $0x8  }
0x4: {  	s31 =	simm.s32 $0x2;
	s16 =	simm.s32 $0x0;
	s1 =	sor.u32 s2, s1  }
0x5: {  	s9 =	simm.s32 $0x2000;
	s14 =	simm.s32 $0x0;
	s2 =	sand.u32 $0x180, s1  }
0x6: {  	s15 =	simm.s32 $0x0;
	s10 =	simm.s32 $0x0;
	s5 =	ssub.s32 $0x400, s2  }
0x7: {  	s13 =	simm.s32 $0x0;
	s1 =	rddreg [dreg:$0x1];
	s4 =	sand.u32 $0x180, s5  }
.Ltmp0:
0x8: {  	_ =	strace $0x80000047;
	p0 =	sne.s32 s4, $0x0;
	(pc) =	sbr.rel .LBB1_1-.Ltmp0, $4  }
0x9: {  	[sflag:s6] =	ssyncpa.u1 $0x0;
	s8 =	sshrl.u32 s5, $0x9;
	s7 =	simm.s32 @!p0 $0x0  }
0xa: {  	s11 =	smov.u32 s2;
	s5 =	sand.u32 $0x7, s0;
	s7 =	sadd.s32 s7, s8  }
0xb: {  	[sflag:s31] =	ssyncpa.u1 $0x0;
	s4 =	sadd.s32 $0x100000, s3;
	s7 =	sshll.u32 s7, $0x3  }
0xc: {  	s12 =	smov.u32 s5;
	p0 =	por $0x0, $0x0;
	s8 =	sor.u32 $0x1, s7  }
.LBB1_4:
0xd: {  	v5 =	vld [tilespmem:s20+$0xFFFFFFD0];
	[tilespmem:s19+$0x2040 ss:$0x81] =	vst.msk $0xffff, v1  }
0xe: {  	v58 =	vld [tilespmem:s20+$0xFFFFFFE0];
	[tilespmem:s19+$0x2850 ss:$0x81] =	vst.msk $0xffff, v2  }
0xf: {  	s21 =	sshra.s32 s21, $0x2;
	v59 =	vld [tilespmem:s20+$0xFFFFFFF0];
	[tilespmem:s19+$0x3060 ss:$0x81] =	vst.msk $0xffff, v3  }
0x10: {  	v60 =	vld [tilespmem:s20+$0x0];
	[tilespmem:s19+$0x0 ss:$0x81] =	vst.msk $0xffff, v0;
	s18 =	sadd.s32 s21, s18  }
0x11: {  	v61 =	vld [tilespmem:s20+$0x10];
	[tilespmem:s18+$0x3870 ss:$0x81] =	vst.msk $0xffff, v4  }
0x12: {  	v62 =	vld [tilespmem:s20+$0x20];
	s26 =	sshll.u32 s16, $0xA;
	s27 =	sshll.u32 s14, $0x3;
	[tilespmem:s18+$0x810 ss:$0x81] =	vst.msk $0xffff, v5  }
0x13: {  	v63 =	vld [tilespmem:s20+$0xFFFFFFC0];
	s29 =	sshll.u32 s16, $0x7;
	s30 =	sand.u32 $0x78, s14;
	s15 =	sshll.u32 s15, $0x11;
	[tilespmem:s18+$0x1020 ss:$0x81] =	vst.msk $0xffff, v58  }
0x14: {  	s19 =	sand.u32 $0xFE000, s26;
	s28 =	sand.u32 $0xFFC00, s27;
	s16 =	sand.u32 $0x380, s29;
	[tilespmem:s18+$0x1830 ss:$0x81] =	vst.msk $0xffff, v59  }
0x15: {  	s31 =	sand.u32 $0x7, s14;
	s19 =	sadd.s32 s28, s19;
	s16 =	sor.u32 s30, s16;
	[tilespmem:s18+$0x2040 ss:$0x81] =	vst.msk $0xffff, v60  }
0x16: {  	s15 =	sadd.s32 s4, s15;
	s19 =	sshrl.u32 s19, $0x3;
	s16 =	sshrl.u32 s16, $0x3;
	[tilespmem:s18+$0x2850 ss:$0x81] =	vst.msk $0xffff, v61  }
0x17: {  	s14 =	sshll.u32 s31, $0x12;
	s19 =	sand.u32 $0x1FF80, s19;
	s15 =	sadd.s32 s16, s15;
	[tilespmem:s18+$0x3060 ss:$0x81] =	vst.msk $0xffff, v62  }
0x18: {  	s14 =	sor.u32 $0x400, s14;
	[tilespmem:s18+$0x0 ss:$0x81] =	vst.msk $0xffff, v63;
	s15 =	sadd.s32 s19, s15  }
0x19: {  	[hbm4b:s15+s14] =	stream.strided.scatter [tilespmem:s17], [sflag:$0x2], $0x4000, s9, s14, $0x20;
	[tilespmem:$0x10100] =	vst v63  }
.LBB1_5:
0x1a: {  	s17 =	sadd.s32 $0x80, s10  }
0x1b: {  	s14 =	sadd.s32 $0x200, s11;
	s18 =	smov.u32 s11;
	p2 =	sgt.s32 s17, $0x3FF  }
0x1c: {  	s18 =	smov.u32 @p2 s14  }
0x1d: {  	s20 =	smov.u32 s12;
	s14 =	sadd.s32 $0x8, s12;
	p3 =	sgt.s32 s18, $0x3FF  }
0x1e: {  	s20 =	smov.u32 @p3 s14  }
0x1f: {  	s17 =	simm.s32 @p2 $0x0;
	p2 =	sgt.s32 s20, $0x7  }
0x20: {  	p1 =	slt.u32 s13, $0x2;
	s20 =	smov.u32 @p2 s5;
	p2 =	sne.s32 s13, s8  }
.Ltmp1:
0x21: {  	s19 =	simm.s32 @!p1 $0x2;
	(pc) =	sbr.rel @!p2 .LBB1_6-.Ltmp1, $4  }
0x22: {  	s16 =	smov.u32 s10;
	s15 =	smov.u32 s12;
	_ =	swait.ge @!p1 [sflag:s19], $0x4000  }
0x23: {  	p0 =	por !p0, !p0;
	[sflag:s19] =	ssyncset.done @!p1 $0x0;
	s10 =	smov.u32 s17  }
0x24: {  	s18 =	smov.u32 @p3 s2;
	s14 =	smov.u32 s11;
	[sflag:s19] =	ssyncadd.s32 @!p1 $0xFFFFC000  }
0x25: {  	s11 =	smov.u32 s18;
	s13 =	sadd.s32 $0x1, s13;
	s12 =	smov.u32 s20  }
.LBB1_1:
0x26: {  	p1 =	sge.u32 s13, s7  }
0x27: {  	s31 =	sadd.s32 $0xFFFFFFFF, s13;
	s17 =	sshll.u32 @!p1 s11, $0x7  }
0x28: {  	s18 =	sxor.u32 @!p1 $0xFFFFFFFF, s13;
	s19 =	sand.u32 @!p1 $0x78, s10;
	s20 =	sand.u32 @!p1 $0x380, s17  }
0x29: {  	s18 =	sshll.u32 @!p1 s18, $0xE;
	s19 =	sor.u32 @!p1 s19, s20;
	s20 =	sshll.u32 @!p1 s12, $0x11  }
0x2a: {  	s17 =	sand.u32 @!p1 $0x1FC00, s17;
	s19 =	sshrl.u32 @!p1 s19, $0x3;
	s20 =	sadd.s32 @!p1 s3, s20  }
0x2b: {  	s17 =	sadd.s32 @!p1 s10, s17;
	s19 =	sadd.s32 @!p1 s19, s20;
	s20 =	sand.u32 @!p1 $0x7, s10  }
0x2c: {  	s18 =	sand.u32 @!p1 $0x4000, s18;
	s17 =	sand.u32 @!p1 $0x1FF80, s17;
	s20 =	sshll.u32 @!p1 s20, $0x12  }
0x2d: {  	s17 =	sadd.s32 @!p1 s17, s19;
	s19 =	sor.u32 @!p1 $0x400, s20;
	s20 =	simm.s32 @!p1 $0x2000  }
0x2e: {  	[tilespmem:s18], [sflag:$0x1] =	stream.strided.gather @!p1 [hbm4b:s17+s19], $0x4000, s20, s19, $0x38;
	[tilespmem:$0x10100] =	vst v63  }
0x2f: {  	p1 =	sge.u32 s31, s7  }
.Ltmp2:
0x30: {  	_ = 	snop;
	(pc) =	sbr.rel @p1 .LBB1_5-.Ltmp2, $1  }
0x31: {  	_ =	sdelay $0x3  }
0x32: {  	s17 =	simm.s32 $0x1  }
0x33: {  	_ =	swait.ge [sflag:s6], $0x4000;
	s17 =	simm.s32 @!p0 $0x0  }
0x34: {  	[sflag:s6] =	ssyncset.done $0x0;
	s18 =	sshll.u32 s17, $0xE  }
0x35: {  	[sflag:s6] =	ssyncadd.s32 $0xFFFFC000;
	s20 =	sor.u32 $0x40, s18  }
0x36: {  	s17 =	smul.u32 $0x10200, s17;
	v0 =	vld [tilespmem:s20+$0x30]  }
0x37: {  	v3 =	vld [tilespmem:s20+$0xFFFFFFD0]  }
0x38: {  	s17 =	sshrl.u32 s17, $0x2;
	v4 =	vld [tilespmem:s20+$0xFFFFFFE0]  }
0x39: {  	v5 =	vld [tilespmem:s20+$0xFFFFFFF0];
	s18 =	sor.u32 $0x8000, s17  }
0x3a: {  	s31 =	sand.u32 $0x1, s13;
	v1 =	vld [tilespmem:s20+$0x0];
	s19 =	sadd.s32 $0x0, s18  }
0x3b: {  	v2 =	vld [tilespmem:s20+$0x10];
	s17 =	smul.u32 $0x10200, s31;
	[tilespmem:s19+$0x3870 ss:$0x81] =	vst.msk $0xffff, v0  }
0x3c: {  	[tilespmem:s19+$0x810 ss:$0x81] =	vst.msk $0xffff, v3;
	v3 =	vld [tilespmem:s20+$0x20]  }
0x3d: {  	s17 =	sshrl.u32 s17, $0x2;
	v0 =	vld [tilespmem:s20+$0xFFFFFFC0];
	[tilespmem:s19+$0x1020 ss:$0x81] =	vst.msk $0xffff, v4;
	s20 =	sadd.s32 $0x80, s20  }
0x3e: {  	s21 =	simm.s32 $0x4;
	s22 =	simm.s32 $0x8;
	s17 =	sor.u32 $0x8000, s17;
	[tilespmem:s19+$0x1830 ss:$0x81] =	vst.msk $0xffff, v5;
	v4 =	vld [tilespmem:s20+$0x30]  }
.LBB1_3:
0x3f: {  	p1 =	sne.s32 s22, $0x1FC;
	v5 =	vld [tilespmem:s20+$0xFFFFFFD0];
	[tilespmem:s19+$0x2040 ss:$0x81] =	vst.msk $0xffff, v1  }
0x40: {  	v6 =	vld [tilespmem:s20+$0xFFFFFFE0];
	[tilespmem:s19+$0x2850 ss:$0x81] =	vst.msk $0xffff, v2  }
0x41: {  	s23 =	sshra.s32 s21, $0x2;
	s21 =	smov.u32 s22;
	v7 =	vld [tilespmem:s20+$0xFFFFFFF0];
	[tilespmem:s19+$0x3060 ss:$0x81] =	vst.msk $0xffff, v3  }
.Ltmp3:
0x42: {  	v1 =	vld [tilespmem:s20+$0x0];
	[tilespmem:s19+$0x0 ss:$0x81] =	vst.msk $0xffff, v0;
	s19 =	sadd.s32 s23, s18;
	(pc) =	sbr.rel @p1 .LBB1_3-.Ltmp3, $4  }
0x43: {  	v2 =	vld [tilespmem:s20+$0x10];
	[tilespmem:s19+$0x3870 ss:$0x81] =	vst.msk $0xffff, v4  }
0x44: {  	[tilespmem:s19+$0x810 ss:$0x81] =	vst.msk $0xffff, v5;
	v3 =	vld [tilespmem:s20+$0x20]  }
0x45: {  	v0 =	vld [tilespmem:s20+$0xFFFFFFC0];
	[tilespmem:s19+$0x1020 ss:$0x81] =	vst.msk $0xffff, v6;
	s20 =	sadd.s32 $0x80, s20  }
0x46: {  	s22 =	sadd.s32 $0x4, s22;
	v4 =	vld [tilespmem:s20+$0x30];
	[tilespmem:s19+$0x1830 ss:$0x81] =	vst.msk $0xffff, v7  }
.Ltmp4:
0x47: {  	_ = 	snop;
	(pc) =	sbr.rel .LBB1_4-.Ltmp4, $1  }
0x48: {  	_ =	sdelay $0x3  }
.LBB1_6:
0x49: {  	_ =	sfence.sel $0x180000  }
0x4a: {  	s2 =	simm.s32 $0x1;
	[bflag:$0x0] =	sbarrier.arrive $0xFFFF  }
0x4b: {  	s31 =	simm.s32 $0x2;
	[sflag:s2] =	ssyncpa.u1 $0x1  }
0x4c: {  	[sflag:s31] =	ssyncpa.u1 $0x1  }
0x4d: {  	p0 =	sne.s32 s0, $0x0;
	_ =	strace $0x90000047  }
0x4e: {  	s0 =	sadd.s32 @!p0 $0x100000, s1;
	[bflag:$0x2] =	sbarrier.arrive $0xFFFF  }
0x4f: {  	[sflag:s0] =	ssyncadd.tile.s32 @!p0 $0x1;
	_ =	shalt  }
.Lfunc_end1:
_tile_overlayer_lowered:
.L_overlay_start_2:
0x50: {  	(tag) =	ssettag $0x2  }
0x51: {  	s0 =	rddreg [dreg:$0x0];
	s2 =	stileid.u32  }
0x52: {  	s1 =	rddreg [dreg:$0x1];
	p0 =	sne.s32 s2, $0x0  }
0x53: {  	s3 =	rddreg [dreg:$0x2];
	[bflag:$0x3] =	sbarrier.arrive $0xFFFF;
	s2 =	simm.s32 @!p0 $0x1C01  }
0x54: {  	[timem:s3], [sflag:s2] =	dma.local @!p0 [hbm:s0], s1  }
0x55: {  	s0 =	simm.s32 @!p0 $0x1  }
0x56: {  	_ =	swait.ge @!p0 [sflag:s0], s1  }
0x57: {  	s1 =	ssub.s32 @!p0 $0x0, s1;
	[sflag:s0] =	ssyncset.done @!p0 $0x0  }
0x58: {  	[sflag:s0] =	ssyncadd.s32 @!p0 s1  }
0x59: {  	[bflag:$0x3] =	sbarrier.arrive $0xFFFF  }
0x5a: {  	_ =	shalt  }

// kernel: sparse-core-data-format-call.2.cloned.1.call-start
scs
called_computation.2_lowered:
.L_overlay_start_0:
0x0: {  	s1 =	sld [smem:$0x3FD9]  }
0x1: {  	s2 =	sld [smem:$0x3FFE];
	_ =	sdelay $0x1  }
0x2: {  	s3 =	srdreg.scid  }
0x3: {  	s0 =	sand.u32 $0x1, s3  }
0x4: {  	s17 =	sshll.u32 s0, $0xA;
	s1 =	sadd.s32 s2, s1  }
0x5: {  	s1 =	sadd.s32 s1, s17  }
0x6: {  	[smem:$0x3FB0] =	sst s1  }
0x7: {  	_ = 	snop  }
0x8: {  	(tm) =	ssettm $0x1  }
0x9: {  	s18 =	sld [smem:$0x3FFB];
	_ =	sdelay $0x3  }
0xa: {  	_ =	strace s18  }
0xb: {  	s1 =	sld [smem:$0x3FFC];
	_ =	sdelay $0x3  }
0xc: {  	_ =	strace s1  }
0xd: {  	s1 =	sld [smem:$0x3FFD];
	_ =	sdelay $0x3  }
0xe: {  	_ =	strace s1  }
0xf: {  	_ =	strace $0x8FFFFFFF  }
0x10: {  	s19 =	sld [smem:$0x3FDB];
	_ =	sdelay $0x1  }
0x11: {  	s20 =	simm.s32 $_scs_section_size  }
0x12: {  	s4 =	simm.s32 $_size__tile_overlayer_lowered;
	s5 =	simm.s32 $_tile_overlayer_lowered  }
0x13: {  	s23 =	simm.s32 $0x1BFF;
	s22 =	sshll.u32 s5, $0x1;
	s1 =	sadd.s32 s20, s19  }
0x14: {  	s6 =	simm.s32 $0x0;
	s21 =	sshll.u32 s4, $0x1;
	s4 =	sadd.s32 s22, s1  }
0x15: {  	[timem:s6], [sflag:s23] =	dma.local [hbm:s4], s21  }
0x16: {  	_ =	swait.ge [sflag:s23], s21  }
0x17: {  	s2 =	ssub.s32 $0x0, s21;
	[sflag:s23] =	ssyncset.done $0x0  }
0x18: {  	[sflag:s23] =	ssyncadd.s32 s2;
	_ =	sdelay $0x1  }
0x19: {  	s24 =	simm.s32 $0x1B8B  }
0x1a: {  	_ =	swait.ge [sflag:s24], $0x1  }
0x1b: {  	[sflag:s24] =	ssyncset.done $0x0  }
0x1c: {  	s26 =	simm.s32 $0x1B8E;
	s25 =	sld [smem:$0x3FFE];
	[sflag:s24] =	ssyncadd.s32 $0xFFFFFFFF  }
0x1d: {  	s27 =	simm.s32 $execute0_lowered;
	[smem:$0x3FD2] =	sst s26  }
0x1e: {  	s4 =	sshll.u32 s27, $0x1;
	_ =	strace $0x80000067;
	[dreg:$0x1] =	wrdreg $0xFFFFFFFF  }
0x1f: {  	s28 =	simm.s32 $_size_execute0_lowered;
	s1 =	sadd.s32 s1, s4;
	[dreg:$0x0] =	wrdreg $0x0  }
0x20: {  	s4 =	sshll.u32 s28, $0x1;
	[dreg:$0x2] =	wrdreg s1  }
0x21: {  	[dreg:$0x3] =	wrdreg s4  }
0x22: {  	[dreg:$0x4] =	wrdreg $0xC0  }
0x23: {  	_ =	task [dreg:s6], $0x5FFFF  }
0x24: {  	[dreg:$0x1] =	wrdreg $0xFFFFFFFF  }
0x25: {  	[dreg:$0x0] =	wrdreg $0x60  }
0x26: {  	[dreg:$0x2] =	wrdreg s25  }
0x27: {  	[dreg:$0x3] =	wrdreg $0x9  }
0x28: {  	_ =	task.clear_ibuf [dreg:s6], $0x4FFFF;
	_ =	strace $0x90000067  }
0x29: {  	s29 =	simm.s32 $0x9;
	_ =	strace $0x80000069  }
0x2a: {  	_ =	swait.ge [sflag:s29], $0x1  }
0x2b: {  	[sflag:s29] =	ssyncadd.s32 $0xFFFFFFFF  }
0x2c: {  	_ =	strace $0x90000069  }
0x2d: {  	_ =	sfence  }
0x2e: {  	s30 =	sld [smem:$0x0];
	_ =	sdelay $0x2  }
0x2f: {  	s31 =	sshll.u32 s3, $0xD;
	s3 =	sshrl.u32 s3, $0x2  }
0x30: {  	s2 =	sand.u32 $0x4000, s31;
	s1 =	sadd.s32 s3, s30  }
0x31: {  	s0 =	sor.u32 s2, s0;
	s1 =	sshll.u32 s1, $0x11  }
0x32: {  	s0 =	sor.u32 s1, s0  }
0x33: {  	s0 =	sadd.s32 $0x8F2B, s0  }
0x34: {  	[sflag:s0] =	ssyncadd.remote.s32 $0x1  }
0x35: {  	_ =	sfence.sel $0xFFFF  }
0x36: {  	[dreg:$0x0] =	wrdreg $0xFFFFFFFF;
	(pc) =	sbr.abs _section_cstart, $3  }
0x37: {  	[dreg:$0x1] =	wrdreg $0xFFFFFFFF  }
0x38: {  	_ =	task.clear_ibuf [dreg:s6], $0x2FFFF;
	_ =	strace $0x9FFFFFFF  }
0x39: {  	(tm) =	ssettm $0x7FFFFFFF  }
tec
execute0_lowered:
.L_overlay_start_1:
0x0: {  	(tag) =	ssettag $0x1  }
0x1: {  	s0 =	stileid.u32;
	s1 =	srdreg.scid  }
0x2: {  	s4 =	rddreg [dreg:$0x0];
	s7 =	simm.s32 $0x1;
	s31 =	simm.s32 $0x2  }
0x3: {  	s16 =	simm.s32 $0x0;
	s2 =	sshll.u32 s0, $0x4;
	s1 =	sshll.u32 s1, $0x8  }
0x4: {  	s9 =	simm.s32 $0x2000;
	s14 =	simm.s32 $0x0;
	s1 =	sor.u32 s2, s1  }
0x5: {  	s15 =	simm.s32 $0x0;
	s10 =	simm.s32 $0x0;
	s2 =	sand.u32 $0x180, s1  }
0x6: {  	s13 =	simm.s32 $0x0;
	s3 =	sadd.s32 $0x1B0000, s4;
	s5 =	ssub.s32 $0x400, s2  }
0x7: {  	s4 =	sadd.s32 $0x334A00, s4;
	s1 =	rddreg [dreg:$0x1];
	s6 =	sand.u32 $0x180, s5  }
.Ltmp0:
0x8: {  	_ =	strace $0x80000068;
	p0 =	sne.s32 s6, $0x0;
	(pc) =	sbr.rel .LBB1_1-.Ltmp0, $4  }
0x9: {  	s11 =	smov.u32 s2;
	s8 =	sshrl.u32 s5, $0x9;
	s7 =	simm.s32 @!p0 $0x0  }
0xa: {  	s5 =	sand.u32 $0x7, s0;
	s6 =	simm.s32 $0x1;
	s7 =	sadd.s32 s7, s8  }
0xb: {  	s12 =	smov.u32 s5;
	[sflag:s6] =	ssyncpa.u1 $0x0;
	s7 =	sshll.u32 s7, $0x3  }
0xc: {  	p0 =	por $0x0, $0x0;
	[sflag:s31] =	ssyncpa.u1 $0x0;
	s8 =	sor.u32 $0x1, s7  }
.LBB1_4:
0xd: {  	v5 =	vld [tilespmem:s20+$0xFFFFFFD0];
	[tilespmem:s19+$0x2040 ss:$0x81] =	vst.msk $0xffff, v1  }
0xe: {  	v58 =	vld [tilespmem:s20+$0xFFFFFFE0];
	[tilespmem:s19+$0x2850 ss:$0x81] =	vst.msk $0xffff, v2  }
0xf: {  	s21 =	sshra.s32 s21, $0x2;
	v59 =	vld [tilespmem:s20+$0xFFFFFFF0];
	[tilespmem:s19+$0x3060 ss:$0x81] =	vst.msk $0xffff, v3  }
0x10: {  	v60 =	vld [tilespmem:s20+$0x0];
	[tilespmem:s19+$0x0 ss:$0x81] =	vst.msk $0xffff, v0;
	s18 =	sadd.s32 s21, s18  }
0x11: {  	v61 =	vld [tilespmem:s20+$0x10];
	[tilespmem:s18+$0x3870 ss:$0x81] =	vst.msk $0xffff, v4  }
0x12: {  	v62 =	vld [tilespmem:s20+$0x20];
	s26 =	sshll.u32 s16, $0xA;
	s27 =	sshll.u32 s14, $0x3;
	[tilespmem:s18+$0x810 ss:$0x81] =	vst.msk $0xffff, v5  }
0x13: {  	v63 =	vld [tilespmem:s20+$0xFFFFFFC0];
	s29 =	sshll.u32 s16, $0x7;
	s30 =	sand.u32 $0x78, s14;
	s15 =	sshll.u32 s15, $0x11;
	[tilespmem:s18+$0x1020 ss:$0x81] =	vst.msk $0xffff, v58  }
0x14: {  	s19 =	sand.u32 $0xFE000, s26;
	s28 =	sand.u32 $0xFFC00, s27;
	s16 =	sand.u32 $0x380, s29;
	[tilespmem:s18+$0x1830 ss:$0x81] =	vst.msk $0xffff, v59  }
0x15: {  	s31 =	sand.u32 $0x7, s14;
	s19 =	sadd.s32 s28, s19;
	s16 =	sor.u32 s30, s16;
	[tilespmem:s18+$0x2040 ss:$0x81] =	vst.msk $0xffff, v60  }
0x16: {  	s15 =	sadd.s32 s4, s15;
	s19 =	sshrl.u32 s19, $0x3;
	s16 =	sshrl.u32 s16, $0x3;
	[tilespmem:s18+$0x2850 ss:$0x81] =	vst.msk $0xffff, v61  }
0x17: {  	s14 =	sshll.u32 s31, $0x12;
	s19 =	sand.u32 $0x1FF80, s19;
	s15 =	sadd.s32 s16, s15;
	[tilespmem:s18+$0x3060 ss:$0x81] =	vst.msk $0xffff, v62  }
0x18: {  	s14 =	sor.u32 $0x400, s14;
	[tilespmem:s18+$0x0 ss:$0x81] =	vst.msk $0xffff, v63;
	s15 =	sadd.s32 s19, s15  }
0x19: {  	[hbm4b:s15+s14] =	stream.strided.scatter [tilespmem:s17], [sflag:$0x2], $0x4000, s9, s14, $0x20;
	[tilespmem:$0x10100] =	vst v63  }
.LBB1_5:
0x1a: {  	s17 =	sadd.s32 $0x80, s10  }
0x1b: {  	s14 =	sadd.s32 $0x200, s11;
	s18 =	smov.u32 s11;
	p2 =	sgt.s32 s17, $0x3FF  }
0x1c: {  	s18 =	smov.u32 @p2 s14  }
0x1d: {  	s20 =	smov.u32 s12;
	s14 =	sadd.s32 $0x8, s12;
	p3 =	sgt.s32 s18, $0x3FF  }
0x1e: {  	s20 =	smov.u32 @p3 s14  }
0x1f: {  	s17 =	simm.s32 @p2 $0x0;
	p2 =	sgt.s32 s20, $0x7  }
0x20: {  	p1 =	slt.u32 s13, $0x2;
	s20 =	smov.u32 @p2 s5;
	p2 =	sne.s32 s13, s8  }
.Ltmp1:
0x21: {  	s19 =	simm.s32 @!p1 $0x2;
	(pc) =	sbr.rel @!p2 .LBB1_6-.Ltmp1, $4  }
0x22: {  	s16 =	smov.u32 s10;
	s15 =	smov.u32 s12;
	_ =	swait.ge @!p1 [sflag:s19], $0x4000  }
0x23: {  	p0 =	por !p0, !p0;
	[sflag:s19] =	ssyncset.done @!p1 $0x0;
	s10 =	smov.u32 s17  }
0x24: {  	s18 =	smov.u32 @p3 s2;
	s14 =	smov.u32 s11;
	[sflag:s19] =	ssyncadd.s32 @!p1 $0xFFFFC000  }
0x25: {  	s11 =	smov.u32 s18;
	s13 =	sadd.s32 $0x1, s13;
	s12 =	smov.u32 s20  }
.LBB1_1:
0x26: {  	p1 =	sge.u32 s13, s7  }
0x27: {  	s31 =	sadd.s32 $0xFFFFFFFF, s13;
	s17 =	sshll.u32 @!p1 s11, $0x7  }
0x28: {  	s18 =	sxor.u32 @!p1 $0xFFFFFFFF, s13;
	s19 =	sand.u32 @!p1 $0x78, s10;
	s20 =	sand.u32 @!p1 $0x380, s17  }
0x29: {  	s18 =	sshll.u32 @!p1 s18, $0xE;
	s19 =	sor.u32 @!p1 s19, s20;
	s20 =	sshll.u32 @!p1 s12, $0x11  }
0x2a: {  	s17 =	sand.u32 @!p1 $0x1FC00, s17;
	s19 =	sshrl.u32 @!p1 s19, $0x3;
	s20 =	sadd.s32 @!p1 s3, s20  }
0x2b: {  	s17 =	sadd.s32 @!p1 s10, s17;
	s19 =	sadd.s32 @!p1 s19, s20;
	s20 =	sand.u32 @!p1 $0x7, s10  }
0x2c: {  	s18 =	sand.u32 @!p1 $0x4000, s18;
	s17 =	sand.u32 @!p1 $0x1FF80, s17;
	s20 =	sshll.u32 @!p1 s20, $0x12  }
0x2d: {  	s17 =	sadd.s32 @!p1 s17, s19;
	s19 =	sor.u32 @!p1 $0x400, s20;
	s20 =	simm.s32 @!p1 $0x2000  }
0x2e: {  	[tilespmem:s18], [sflag:$0x1] =	stream.strided.gather @!p1 [hbm4b:s17+s19], $0x4000, s20, s19, $0x38;
	[tilespmem:$0x10100] =	vst v63  }
0x2f: {  	p1 =	sge.u32 s31, s7  }
.Ltmp2:
0x30: {  	_ = 	snop;
	(pc) =	sbr.rel @p1 .LBB1_5-.Ltmp2, $1  }
0x31: {  	_ =	sdelay $0x3  }
0x32: {  	s17 =	simm.s32 $0x1  }
0x33: {  	_ =	swait.ge [sflag:s6], $0x4000;
	s17 =	simm.s32 @!p0 $0x0  }
0x34: {  	[sflag:s6] =	ssyncset.done $0x0;
	s18 =	sshll.u32 s17, $0xE  }
0x35: {  	[sflag:s6] =	ssyncadd.s32 $0xFFFFC000;
	s20 =	sor.u32 $0x40, s18  }
0x36: {  	s17 =	smul.u32 $0x10200, s17;
	v0 =	vld [tilespmem:s20+$0x30]  }
0x37: {  	v3 =	vld [tilespmem:s20+$0xFFFFFFD0]  }
0x38: {  	s17 =	sshrl.u32 s17, $0x2;
	v4 =	vld [tilespmem:s20+$0xFFFFFFE0]  }
0x39: {  	v5 =	vld [tilespmem:s20+$0xFFFFFFF0];
	s18 =	sor.u32 $0x8000, s17  }
0x3a: {  	s31 =	sand.u32 $0x1, s13;
	v1 =	vld [tilespmem:s20+$0x0];
	s19 =	sadd.s32 $0x0, s18  }
0x3b: {  	v2 =	vld [tilespmem:s20+$0x10];
	s17 =	smul.u32 $0x10200, s31;
	[tilespmem:s19+$0x3870 ss:$0x81] =	vst.msk $0xffff, v0  }
0x3c: {  	[tilespmem:s19+$0x810 ss:$0x81] =	vst.msk $0xffff, v3;
	v3 =	vld [tilespmem:s20+$0x20]  }
0x3d: {  	s17 =	sshrl.u32 s17, $0x2;
	v0 =	vld [tilespmem:s20+$0xFFFFFFC0];
	[tilespmem:s19+$0x1020 ss:$0x81] =	vst.msk $0xffff, v4;
	s20 =	sadd.s32 $0x80, s20  }
0x3e: {  	s21 =	simm.s32 $0x4;
	s22 =	simm.s32 $0x8;
	s17 =	sor.u32 $0x8000, s17;
	[tilespmem:s19+$0x1830 ss:$0x81] =	vst.msk $0xffff, v5;
	v4 =	vld [tilespmem:s20+$0x30]  }
.LBB1_3:
0x3f: {  	p1 =	sne.s32 s22, $0x1FC;
	v5 =	vld [tilespmem:s20+$0xFFFFFFD0];
	[tilespmem:s19+$0x2040 ss:$0x81] =	vst.msk $0xffff, v1  }
0x40: {  	v6 =	vld [tilespmem:s20+$0xFFFFFFE0];
	[tilespmem:s19+$0x2850 ss:$0x81] =	vst.msk $0xffff, v2  }
0x41: {  	s23 =	sshra.s32 s21, $0x2;
	s21 =	smov.u32 s22;
	v7 =	vld [tilespmem:s20+$0xFFFFFFF0];
	[tilespmem:s19+$0x3060 ss:$0x81] =	vst.msk $0xffff, v3  }
.Ltmp3:
0x42: {  	v1 =	vld [tilespmem:s20+$0x0];
	[tilespmem:s19+$0x0 ss:$0x81] =	vst.msk $0xffff, v0;
	s19 =	sadd.s32 s23, s18;
	(pc) =	sbr.rel @p1 .LBB1_3-.Ltmp3, $4  }
0x43: {  	v2 =	vld [tilespmem:s20+$0x10];
	[tilespmem:s19+$0x3870 ss:$0x81] =	vst.msk $0xffff, v4  }
0x44: {  	[tilespmem:s19+$0x810 ss:$0x81] =	vst.msk $0xffff, v5;
	v3 =	vld [tilespmem:s20+$0x20]  }
0x45: {  	v0 =	vld [tilespmem:s20+$0xFFFFFFC0];
	[tilespmem:s19+$0x1020 ss:$0x81] =	vst.msk $0xffff, v6;
	s20 =	sadd.s32 $0x80, s20  }
0x46: {  	s22 =	sadd.s32 $0x4, s22;
	v4 =	vld [tilespmem:s20+$0x30];
	[tilespmem:s19+$0x1830 ss:$0x81] =	vst.msk $0xffff, v7  }
.Ltmp4:
0x47: {  	_ = 	snop;
	(pc) =	sbr.rel .LBB1_4-.Ltmp4, $1  }
0x48: {  	_ =	sdelay $0x3  }
.LBB1_6:
0x49: {  	_ =	sfence.sel $0x180000  }
0x4a: {  	s2 =	simm.s32 $0x1;
	[bflag:$0x0] =	sbarrier.arrive $0xFFFF  }
0x4b: {  	s31 =	simm.s32 $0x2;
	[sflag:s2] =	ssyncpa.u1 $0x1  }
0x4c: {  	[sflag:s31] =	ssyncpa.u1 $0x1  }
0x4d: {  	p0 =	sne.s32 s0, $0x0;
	_ =	strace $0x90000068  }
0x4e: {  	s0 =	sadd.s32 @!p0 $0x100000, s1;
	[bflag:$0x2] =	sbarrier.arrive $0xFFFF  }
0x4f: {  	[sflag:s0] =	ssyncadd.tile.s32 @!p0 $0x1;
	_ =	shalt  }
.Lfunc_end1:
_tile_overlayer_lowered:
.L_overlay_start_2:
0x50: {  	(tag) =	ssettag $0x2  }
0x51: {  	s0 =	rddreg [dreg:$0x0];
	s2 =	stileid.u32  }
0x52: {  	s1 =	rddreg [dreg:$0x1];
	p0 =	sne.s32 s2, $0x0  }
0x53: {  	s3 =	rddreg [dreg:$0x2];
	[bflag:$0x3] =	sbarrier.arrive $0xFFFF;
	s2 =	simm.s32 @!p0 $0x1C01  }
0x54: {  	[timem:s3], [sflag:s2] =	dma.local @!p0 [hbm:s0], s1  }
0x55: {  	s0 =	simm.s32 @!p0 $0x1  }
0x56: {  	_ =	swait.ge @!p0 [sflag:s0], s1  }
0x57: {  	s1 =	ssub.s32 @!p0 $0x0, s1;
	[sflag:s0] =	ssyncset.done @!p0 $0x0  }
0x58: {  	[sflag:s0] =	ssyncadd.s32 @!p0 s1  }
0x59: {  	[bflag:$0x3] =	sbarrier.arrive $0xFFFF  }
0x5a: {  	_ =	shalt  }

// kernel: sparse-core-data-format-call.3.cloned.1.call-start
scs
called_computation.3_lowered:
.L_overlay_start_0:
0x0: {  	s1 =	sld [smem:$0x3FD9]  }
0x1: {  	s2 =	sld [smem:$0x3FFE];
	_ =	sdelay $0x1  }
0x2: {  	s3 =	srdreg.scid  }
0x3: {  	s0 =	sand.u32 $0x1, s3  }
0x4: {  	s17 =	sshll.u32 s0, $0xA;
	s1 =	sadd.s32 s2, s1  }
0x5: {  	s1 =	sadd.s32 s1, s17  }
0x6: {  	[smem:$0x3FB0] =	sst s1  }
0x7: {  	_ = 	snop  }
0x8: {  	(tm) =	ssettm $0x1  }
0x9: {  	s18 =	sld [smem:$0x3FFB];
	_ =	sdelay $0x3  }
0xa: {  	_ =	strace s18  }
0xb: {  	s1 =	sld [smem:$0x3FFC];
	_ =	sdelay $0x3  }
0xc: {  	_ =	strace s1  }
0xd: {  	s1 =	sld [smem:$0x3FFD];
	_ =	sdelay $0x3  }
0xe: {  	_ =	strace s1  }
0xf: {  	_ =	strace $0x8FFFFFFF  }
0x10: {  	s19 =	sld [smem:$0x3FDB];
	_ =	sdelay $0x1  }
0x11: {  	s20 =	simm.s32 $_scs_section_size  }
0x12: {  	s4 =	simm.s32 $_size__tile_overlayer_lowered;
	s5 =	simm.s32 $_tile_overlayer_lowered  }
0x13: {  	s23 =	simm.s32 $0x1BFF;
	s22 =	sshll.u32 s5, $0x1;
	s1 =	sadd.s32 s20, s19  }
0x14: {  	s6 =	simm.s32 $0x0;
	s21 =	sshll.u32 s4, $0x1;
	s4 =	sadd.s32 s22, s1  }
0x15: {  	[timem:s6], [sflag:s23] =	dma.local [hbm:s4], s21  }
0x16: {  	_ =	swait.ge [sflag:s23], s21  }
0x17: {  	s2 =	ssub.s32 $0x0, s21;
	[sflag:s23] =	ssyncset.done $0x0  }
0x18: {  	[sflag:s23] =	ssyncadd.s32 s2;
	_ =	sdelay $0x1  }
0x19: {  	s24 =	simm.s32 $0x1B8B  }
0x1a: {  	_ =	swait.ge [sflag:s24], $0x1  }
0x1b: {  	[sflag:s24] =	ssyncset.done $0x0  }
0x1c: {  	s26 =	simm.s32 $0x1B8E;
	s25 =	sld [smem:$0x3FFE];
	[sflag:s24] =	ssyncadd.s32 $0xFFFFFFFF  }
0x1d: {  	s27 =	simm.s32 $execute0_lowered;
	[smem:$0x3FD2] =	sst s26  }
0x1e: {  	s4 =	sshll.u32 s27, $0x1;
	_ =	strace $0x80000064;
	[dreg:$0x1] =	wrdreg $0xFFFFFFFF  }
0x1f: {  	s28 =	simm.s32 $_size_execute0_lowered;
	s1 =	sadd.s32 s1, s4;
	[dreg:$0x0] =	wrdreg $0x0  }
0x20: {  	s4 =	sshll.u32 s28, $0x1;
	[dreg:$0x2] =	wrdreg s1  }
0x21: {  	[dreg:$0x3] =	wrdreg s4  }
0x22: {  	[dreg:$0x4] =	wrdreg $0xC0  }
0x23: {  	_ =	task [dreg:s6], $0x5FFFF  }
0x24: {  	[dreg:$0x1] =	wrdreg $0xFFFFFFFF  }
0x25: {  	[dreg:$0x0] =	wrdreg $0x60  }
0x26: {  	[dreg:$0x2] =	wrdreg s25  }
0x27: {  	[dreg:$0x3] =	wrdreg $0x9  }
0x28: {  	_ =	task.clear_ibuf [dreg:s6], $0x4FFFF;
	_ =	strace $0x90000064  }
0x29: {  	s29 =	simm.s32 $0x9;
	_ =	strace $0x80000066  }
0x2a: {  	_ =	swait.ge [sflag:s29], $0x1  }
0x2b: {  	[sflag:s29] =	ssyncadd.s32 $0xFFFFFFFF  }
0x2c: {  	_ =	strace $0x90000066  }
0x2d: {  	_ =	sfence  }
0x2e: {  	s30 =	sld [smem:$0x0];
	_ =	sdelay $0x2  }
0x2f: {  	s31 =	sshll.u32 s3, $0xD;
	s3 =	sshrl.u32 s3, $0x2  }
0x30: {  	s2 =	sand.u32 $0x4000, s31;
	s1 =	sadd.s32 s3, s30  }
0x31: {  	s0 =	sor.u32 s2, s0;
	s1 =	sshll.u32 s1, $0x11  }
0x32: {  	s0 =	sor.u32 s1, s0  }
0x33: {  	s0 =	sadd.s32 $0x8F2B, s0  }
0x34: {  	[sflag:s0] =	ssyncadd.remote.s32 $0x1  }
0x35: {  	_ =	sfence.sel $0xFFFF  }
0x36: {  	[dreg:$0x0] =	wrdreg $0xFFFFFFFF;
	(pc) =	sbr.abs _section_cstart, $3  }
0x37: {  	[dreg:$0x1] =	wrdreg $0xFFFFFFFF  }
0x38: {  	_ =	task.clear_ibuf [dreg:s6], $0x2FFFF;
	_ =	strace $0x9FFFFFFF  }
0x39: {  	(tm) =	ssettm $0x7FFFFFFF  }
tec
execute0_lowered:
.L_overlay_start_1:
0x0: {  	(tag) =	ssettag $0x1  }
0x1: {  	s0 =	stileid.u32;
	s1 =	srdreg.scid  }
0x2: {  	s4 =	rddreg [dreg:$0x0];
	s7 =	simm.s32 $0x1;
	s31 =	simm.s32 $0x2  }
0x3: {  	s16 =	simm.s32 $0x0;
	s2 =	sshll.u32 s0, $0x4;
	s1 =	sshll.u32 s1, $0x8  }
0x4: {  	s9 =	simm.s32 $0x2000;
	s14 =	simm.s32 $0x0;
	s1 =	sor.u32 s2, s1  }
0x5: {  	s15 =	simm.s32 $0x0;
	s10 =	simm.s32 $0x0;
	s2 =	sand.u32 $0x180, s1  }
0x6: {  	s13 =	simm.s32 $0x0;
	s3 =	sadd.s32 $0x1A0000, s4;
	s5 =	ssub.s32 $0x400, s2  }
0x7: {  	s4 =	sadd.s32 $0x334A00, s4;
	s1 =	rddreg [dreg:$0x1];
	s6 =	sand.u32 $0x180, s5  }
.Ltmp0:
0x8: {  	_ =	strace $0x80000065;
	p0 =	sne.s32 s6, $0x0;
	(pc) =	sbr.rel .LBB1_1-.Ltmp0, $4  }
0x9: {  	s11 =	smov.u32 s2;
	s8 =	sshrl.u32 s5, $0x9;
	s7 =	simm.s32 @!p0 $0x0  }
0xa: {  	s5 =	sand.u32 $0x7, s0;
	s6 =	simm.s32 $0x1;
	s7 =	sadd.s32 s7, s8  }
0xb: {  	s12 =	smov.u32 s5;
	[sflag:s6] =	ssyncpa.u1 $0x0;
	s7 =	sshll.u32 s7, $0x3  }
0xc: {  	p0 =	por $0x0, $0x0;
	[sflag:s31] =	ssyncpa.u1 $0x0;
	s8 =	sor.u32 $0x1, s7  }
.LBB1_4:
0xd: {  	v5 =	vld [tilespmem:s20+$0xFFFFFFD0];
	[tilespmem:s19+$0x2040 ss:$0x81] =	vst.msk $0xffff, v1  }
0xe: {  	v58 =	vld [tilespmem:s20+$0xFFFFFFE0];
	[tilespmem:s19+$0x2850 ss:$0x81] =	vst.msk $0xffff, v2  }
0xf: {  	s21 =	sshra.s32 s21, $0x2;
	v59 =	vld [tilespmem:s20+$0xFFFFFFF0];
	[tilespmem:s19+$0x3060 ss:$0x81] =	vst.msk $0xffff, v3  }
0x10: {  	v60 =	vld [tilespmem:s20+$0x0];
	[tilespmem:s19+$0x0 ss:$0x81] =	vst.msk $0xffff, v0;
	s18 =	sadd.s32 s21, s18  }
0x11: {  	v61 =	vld [tilespmem:s20+$0x10];
	[tilespmem:s18+$0x3870 ss:$0x81] =	vst.msk $0xffff, v4  }
0x12: {  	v62 =	vld [tilespmem:s20+$0x20];
	s26 =	sshll.u32 s16, $0xA;
	s27 =	sshll.u32 s14, $0x3;
	[tilespmem:s18+$0x810 ss:$0x81] =	vst.msk $0xffff, v5  }
0x13: {  	v63 =	vld [tilespmem:s20+$0xFFFFFFC0];
	s29 =	sshll.u32 s16, $0x7;
	s30 =	sand.u32 $0x78, s14;
	s15 =	sshll.u32 s15, $0x11;
	[tilespmem:s18+$0x1020 ss:$0x81] =	vst.msk $0xffff, v58  }
0x14: {  	s19 =	sand.u32 $0xFE000, s26;
	s28 =	sand.u32 $0xFFC00, s27;
	s16 =	sand.u32 $0x380, s29;
	[tilespmem:s18+$0x1830 ss:$0x81] =	vst.msk $0xffff, v59  }
0x15: {  	s31 =	sand.u32 $0x7, s14;
	s19 =	sadd.s32 s28, s19;
	s16 =	sor.u32 s30, s16;
	[tilespmem:s18+$0x2040 ss:$0x81] =	vst.msk $0xffff, v60  }
0x16: {  	s15 =	sadd.s32 s4, s15;
	s19 =	sshrl.u32 s19, $0x3;
	s16 =	sshrl.u32 s16, $0x3;
	[tilespmem:s18+$0x2850 ss:$0x81] =	vst.msk $0xffff, v61  }
0x17: {  	s14 =	sshll.u32 s31, $0x12;
	s19 =	sand.u32 $0x1FF80, s19;
	s15 =	sadd.s32 s16, s15;
	[tilespmem:s18+$0x3060 ss:$0x81] =	vst.msk $0xffff, v62  }
0x18: {  	s14 =	sor.u32 $0x400, s14;
	[tilespmem:s18+$0x0 ss:$0x81] =	vst.msk $0xffff, v63;
	s15 =	sadd.s32 s19, s15  }
0x19: {  	[hbm4b:s15+s14] =	stream.strided.scatter [tilespmem:s17], [sflag:$0x2], $0x4000, s9, s14, $0x20;
	[tilespmem:$0x10100] =	vst v63  }
.LBB1_5:
0x1a: {  	s17 =	sadd.s32 $0x80, s10  }
0x1b: {  	s14 =	sadd.s32 $0x200, s11;
	s18 =	smov.u32 s11;
	p2 =	sgt.s32 s17, $0x3FF  }
0x1c: {  	s18 =	smov.u32 @p2 s14  }
0x1d: {  	s20 =	smov.u32 s12;
	s14 =	sadd.s32 $0x8, s12;
	p3 =	sgt.s32 s18, $0x3FF  }
0x1e: {  	s20 =	smov.u32 @p3 s14  }
0x1f: {  	s17 =	simm.s32 @p2 $0x0;
	p2 =	sgt.s32 s20, $0x7  }
0x20: {  	p1 =	slt.u32 s13, $0x2;
	s20 =	smov.u32 @p2 s5;
	p2 =	sne.s32 s13, s8  }
.Ltmp1:
0x21: {  	s19 =	simm.s32 @!p1 $0x2;
	(pc) =	sbr.rel @!p2 .LBB1_6-.Ltmp1, $4  }
0x22: {  	s16 =	smov.u32 s10;
	s15 =	smov.u32 s12;
	_ =	swait.ge @!p1 [sflag:s19], $0x4000  }
0x23: {  	p0 =	por !p0, !p0;
	[sflag:s19] =	ssyncset.done @!p1 $0x0;
	s10 =	smov.u32 s17  }
0x24: {  	s18 =	smov.u32 @p3 s2;
	s14 =	smov.u32 s11;
	[sflag:s19] =	ssyncadd.s32 @!p1 $0xFFFFC000  }
0x25: {  	s11 =	smov.u32 s18;
	s13 =	sadd.s32 $0x1, s13;
	s12 =	smov.u32 s20  }
.LBB1_1:
0x26: {  	p1 =	sge.u32 s13, s7  }
0x27: {  	s31 =	sadd.s32 $0xFFFFFFFF, s13;
	s17 =	sshll.u32 @!p1 s11, $0x7  }
0x28: {  	s18 =	sxor.u32 @!p1 $0xFFFFFFFF, s13;
	s19 =	sand.u32 @!p1 $0x78, s10;
	s20 =	sand.u32 @!p1 $0x380, s17  }
0x29: {  	s18 =	sshll.u32 @!p1 s18, $0xE;
	s19 =	sor.u32 @!p1 s19, s20;
	s20 =	sshll.u32 @!p1 s12, $0x11  }
0x2a: {  	s17 =	sand.u32 @!p1 $0x1FC00, s17;
	s19 =	sshrl.u32 @!p1 s19, $0x3;
	s20 =	sadd.s32 @!p1 s3, s20  }
0x2b: {  	s17 =	sadd.s32 @!p1 s10, s17;
	s19 =	sadd.s32 @!p1 s19, s20;
	s20 =	sand.u32 @!p1 $0x7, s10  }
0x2c: {  	s18 =	sand.u32 @!p1 $0x4000, s18;
	s17 =	sand.u32 @!p1 $0x1FF80, s17;
	s20 =	sshll.u32 @!p1 s20, $0x12  }
0x2d: {  	s17 =	sadd.s32 @!p1 s17, s19;
	s19 =	sor.u32 @!p1 $0x400, s20;
	s20 =	simm.s32 @!p1 $0x2000  }
0x2e: {  	[tilespmem:s18], [sflag:$0x1] =	stream.strided.gather @!p1 [hbm4b:s17+s19], $0x4000, s20, s19, $0x38;
	[tilespmem:$0x10100] =	vst v63  }
0x2f: {  	p1 =	sge.u32 s31, s7  }
.Ltmp2:
0x30: {  	_ = 	snop;
	(pc) =	sbr.rel @p1 .LBB1_5-.Ltmp2, $1  }
0x31: {  	_ =	sdelay $0x3  }
0x32: {  	s17 =	simm.s32 $0x1  }
0x33: {  	_ =	swait.ge [sflag:s6], $0x4000;
	s17 =	simm.s32 @!p0 $0x0  }
0x34: {  	[sflag:s6] =	ssyncset.done $0x0;
	s18 =	sshll.u32 s17, $0xE  }
0x35: {  	[sflag:s6] =	ssyncadd.s32 $0xFFFFC000;
	s20 =	sor.u32 $0x40, s18  }
0x36: {  	s17 =	smul.u32 $0x10200, s17;
	v0 =	vld [tilespmem:s20+$0x30]  }
0x37: {  	v3 =	vld [tilespmem:s20+$0xFFFFFFD0]  }
0x38: {  	s17 =	sshrl.u32 s17, $0x2;
	v4 =	vld [tilespmem:s20+$0xFFFFFFE0]  }
0x39: {  	v5 =	vld [tilespmem:s20+$0xFFFFFFF0];
	s18 =	sor.u32 $0x8000, s17  }
0x3a: {  	s31 =	sand.u32 $0x1, s13;
	v1 =	vld [tilespmem:s20+$0x0];
	s19 =	sadd.s32 $0x0, s18  }
0x3b: {  	v2 =	vld [tilespmem:s20+$0x10];
	s17 =	smul.u32 $0x10200, s31;
	[tilespmem:s19+$0x3870 ss:$0x81] =	vst.msk $0xffff, v0  }
0x3c: {  	[tilespmem:s19+$0x810 ss:$0x81] =	vst.msk $0xffff, v3;
	v3 =	vld [tilespmem:s20+$0x20]  }
0x3d: {  	s17 =	sshrl.u32 s17, $0x2;
	v0 =	vld [tilespmem:s20+$0xFFFFFFC0];
	[tilespmem:s19+$0x1020 ss:$0x81] =	vst.msk $0xffff, v4;
	s20 =	sadd.s32 $0x80, s20  }
0x3e: {  	s21 =	simm.s32 $0x4;
	s22 =	simm.s32 $0x8;
	s17 =	sor.u32 $0x8000, s17;
	[tilespmem:s19+$0x1830 ss:$0x81] =	vst.msk $0xffff, v5;
	v4 =	vld [tilespmem:s20+$0x30]  }
.LBB1_3:
0x3f: {  	p1 =	sne.s32 s22, $0x1FC;
	v5 =	vld [tilespmem:s20+$0xFFFFFFD0];
	[tilespmem:s19+$0x2040 ss:$0x81] =	vst.msk $0xffff, v1  }
0x40: {  	v6 =	vld [tilespmem:s20+$0xFFFFFFE0];
	[tilespmem:s19+$0x2850 ss:$0x81] =	vst.msk $0xffff, v2  }
0x41: {  	s23 =	sshra.s32 s21, $0x2;
	s21 =	smov.u32 s22;
	v7 =	vld [tilespmem:s20+$0xFFFFFFF0];
	[tilespmem:s19+$0x3060 ss:$0x81] =	vst.msk $0xffff, v3  }
.Ltmp3:
0x42: {  	v1 =	vld [tilespmem:s20+$0x0];
	[tilespmem:s19+$0x0 ss:$0x81] =	vst.msk $0xffff, v0;
	s19 =	sadd.s32 s23, s18;
	(pc) =	sbr.rel @p1 .LBB1_3-.Ltmp3, $4  }
0x43: {  	v2 =	vld [tilespmem:s20+$0x10];
	[tilespmem:s19+$0x3870 ss:$0x81] =	vst.msk $0xffff, v4  }
0x44: {  	[tilespmem:s19+$0x810 ss:$0x81] =	vst.msk $0xffff, v5;
	v3 =	vld [tilespmem:s20+$0x20]  }
0x45: {  	v0 =	vld [tilespmem:s20+$0xFFFFFFC0];
	[tilespmem:s19+$0x1020 ss:$0x81] =	vst.msk $0xffff, v6;
	s20 =	sadd.s32 $0x80, s20  }
0x46: {  	s22 =	sadd.s32 $0x4, s22;
	v4 =	vld [tilespmem:s20+$0x30];
	[tilespmem:s19+$0x1830 ss:$0x81] =	vst.msk $0xffff, v7  }
.Ltmp4:
0x47: {  	_ = 	snop;
	(pc) =	sbr.rel .LBB1_4-.Ltmp4, $1  }
0x48: {  	_ =	sdelay $0x3  }
.LBB1_6:
0x49: {  	_ =	sfence.sel $0x180000  }
0x4a: {  	s2 =	simm.s32 $0x1;
	[bflag:$0x0] =	sbarrier.arrive $0xFFFF  }
0x4b: {  	s31 =	simm.s32 $0x2;
	[sflag:s2] =	ssyncpa.u1 $0x1  }
0x4c: {  	[sflag:s31] =	ssyncpa.u1 $0x1  }
0x4d: {  	p0 =	sne.s32 s0, $0x0;
	_ =	strace $0x90000065  }
0x4e: {  	s0 =	sadd.s32 @!p0 $0x100000, s1;
	[bflag:$0x2] =	sbarrier.arrive $0xFFFF  }
0x4f: {  	[sflag:s0] =	ssyncadd.tile.s32 @!p0 $0x1;
	_ =	shalt  }
.Lfunc_end1:
_tile_overlayer_lowered:
.L_overlay_start_2:
0x50: {  	(tag) =	ssettag $0x2  }
0x51: {  	s0 =	rddreg [dreg:$0x0];
	s2 =	stileid.u32  }
0x52: {  	s1 =	rddreg [dreg:$0x1];
	p0 =	sne.s32 s2, $0x0  }
0x53: {  	s3 =	rddreg [dreg:$0x2];
	[bflag:$0x3] =	sbarrier.arrive $0xFFFF;
	s2 =	simm.s32 @!p0 $0x1C01  }
0x54: {  	[timem:s3], [sflag:s2] =	dma.local @!p0 [hbm:s0], s1  }
0x55: {  	s0 =	simm.s32 @!p0 $0x1  }
0x56: {  	_ =	swait.ge @!p0 [sflag:s0], s1  }
0x57: {  	s1 =	ssub.s32 @!p0 $0x0, s1;
	[sflag:s0] =	ssyncset.done @!p0 $0x0  }
0x58: {  	[sflag:s0] =	ssyncadd.s32 @!p0 s1  }
0x59: {  	[bflag:$0x3] =	sbarrier.arrive $0xFFFF  }
0x5a: {  	_ =	shalt  }

// kernel: sparse-core-data-format-call.4.cloned.1.call-start
scs
called_computation.4_lowered:
.L_overlay_start_0:
0x0: {  	s1 =	sld [smem:$0x3FD9]  }
0x1: {  	s2 =	sld [smem:$0x3FFE];
	_ =	sdelay $0x1  }
0x2: {  	s3 =	srdreg.scid  }
0x3: {  	s0 =	sand.u32 $0x1, s3  }
0x4: {  	s17 =	sshll.u32 s0, $0xA;
	s1 =	sadd.s32 s2, s1  }
0x5: {  	s1 =	sadd.s32 s1, s17  }
0x6: {  	[smem:$0x3FB0] =	sst s1  }
0x7: {  	_ = 	snop  }
0x8: {  	(tm) =	ssettm $0x1  }
0x9: {  	s18 =	sld [smem:$0x3FFB];
	_ =	sdelay $0x3  }
0xa: {  	_ =	strace s18  }
0xb: {  	s1 =	sld [smem:$0x3FFC];
	_ =	sdelay $0x3  }
0xc: {  	_ =	strace s1  }
0xd: {  	s1 =	sld [smem:$0x3FFD];
	_ =	sdelay $0x3  }
0xe: {  	_ =	strace s1  }
0xf: {  	_ =	strace $0x8FFFFFFF  }
0x10: {  	s19 =	sld [smem:$0x3FDB];
	_ =	sdelay $0x1  }
0x11: {  	s20 =	simm.s32 $_scs_section_size  }
0x12: {  	s4 =	simm.s32 $_size__tile_overlayer_lowered;
	s5 =	simm.s32 $_tile_overlayer_lowered  }
0x13: {  	s23 =	simm.s32 $0x1BFF;
	s22 =	sshll.u32 s5, $0x1;
	s1 =	sadd.s32 s20, s19  }
0x14: {  	s6 =	simm.s32 $0x0;
	s21 =	sshll.u32 s4, $0x1;
	s4 =	sadd.s32 s22, s1  }
0x15: {  	[timem:s6], [sflag:s23] =	dma.local [hbm:s4], s21  }
0x16: {  	_ =	swait.ge [sflag:s23], s21  }
0x17: {  	s2 =	ssub.s32 $0x0, s21;
	[sflag:s23] =	ssyncset.done $0x0  }
0x18: {  	[sflag:s23] =	ssyncadd.s32 s2;
	_ =	sdelay $0x1  }
0x19: {  	s24 =	simm.s32 $0x1B8B  }
0x1a: {  	_ =	swait.ge [sflag:s24], $0x1  }
0x1b: {  	[sflag:s24] =	ssyncset.done $0x0  }
0x1c: {  	s26 =	simm.s32 $0x1B8E;
	s25 =	sld [smem:$0x3FFE];
	[sflag:s24] =	ssyncadd.s32 $0xFFFFFFFF  }
0x1d: {  	s27 =	simm.s32 $execute0_lowered;
	[smem:$0x3FD2] =	sst s26  }
0x1e: {  	s4 =	sshll.u32 s27, $0x1;
	_ =	strace $0x80000061;
	[dreg:$0x1] =	wrdreg $0xFFFFFFFF  }
0x1f: {  	s28 =	simm.s32 $_size_execute0_lowered;
	s1 =	sadd.s32 s1, s4;
	[dreg:$0x0] =	wrdreg $0x0  }
0x20: {  	s4 =	sshll.u32 s28, $0x1;
	[dreg:$0x2] =	wrdreg s1  }
0x21: {  	[dreg:$0x3] =	wrdreg s4  }
0x22: {  	[dreg:$0x4] =	wrdreg $0xC0  }
0x23: {  	_ =	task [dreg:s6], $0x5FFFF  }
0x24: {  	[dreg:$0x1] =	wrdreg $0xFFFFFFFF  }
0x25: {  	[dreg:$0x0] =	wrdreg $0x60  }
0x26: {  	[dreg:$0x2] =	wrdreg s25  }
0x27: {  	[dreg:$0x3] =	wrdreg $0x9  }
0x28: {  	_ =	task.clear_ibuf [dreg:s6], $0x4FFFF;
	_ =	strace $0x90000061  }
0x29: {  	s29 =	simm.s32 $0x9;
	_ =	strace $0x80000063  }
0x2a: {  	_ =	swait.ge [sflag:s29], $0x1  }
0x2b: {  	[sflag:s29] =	ssyncadd.s32 $0xFFFFFFFF  }
0x2c: {  	_ =	strace $0x90000063  }
0x2d: {  	_ =	sfence  }
0x2e: {  	s30 =	sld [smem:$0x0];
	_ =	sdelay $0x2  }
0x2f: {  	s31 =	sshll.u32 s3, $0xD;
	s3 =	sshrl.u32 s3, $0x2  }
0x30: {  	s2 =	sand.u32 $0x4000, s31;
	s1 =	sadd.s32 s3, s30  }
0x31: {  	s0 =	sor.u32 s2, s0;
	s1 =	sshll.u32 s1, $0x11  }
0x32: {  	s0 =	sor.u32 s1, s0  }
0x33: {  	s0 =	sadd.s32 $0x8F2B, s0  }
0x34: {  	[sflag:s0] =	ssyncadd.remote.s32 $0x1  }
0x35: {  	_ =	sfence.sel $0xFFFF  }
0x36: {  	[dreg:$0x0] =	wrdreg $0xFFFFFFFF;
	(pc) =	sbr.abs _section_cstart, $3  }
0x37: {  	[dreg:$0x1] =	wrdreg $0xFFFFFFFF  }
0x38: {  	_ =	task.clear_ibuf [dreg:s6], $0x2FFFF;
	_ =	strace $0x9FFFFFFF  }
0x39: {  	(tm) =	ssettm $0x7FFFFFFF  }
tec
execute0_lowered:
.L_overlay_start_1:
0x0: {  	(tag) =	ssettag $0x1  }
0x1: {  	s0 =	stileid.u32;
	s1 =	srdreg.scid  }
0x2: {  	s4 =	rddreg [dreg:$0x0];
	s7 =	simm.s32 $0x1;
	s31 =	simm.s32 $0x2  }
0x3: {  	s16 =	simm.s32 $0x0;
	s2 =	sshll.u32 s0, $0x4;
	s1 =	sshll.u32 s1, $0x8  }
0x4: {  	s9 =	simm.s32 $0x2000;
	s14 =	simm.s32 $0x0;
	s1 =	sor.u32 s2, s1  }
0x5: {  	s15 =	simm.s32 $0x0;
	s10 =	simm.s32 $0x0;
	s2 =	sand.u32 $0x180, s1  }
0x6: {  	s13 =	simm.s32 $0x0;
	s3 =	sadd.s32 $0x190000, s4;
	s5 =	ssub.s32 $0x400, s2  }
0x7: {  	s4 =	sadd.s32 $0x334A00, s4;
	s1 =	rddreg [dreg:$0x1];
	s6 =	sand.u32 $0x180, s5  }
.Ltmp0:
0x8: {  	_ =	strace $0x80000062;
	p0 =	sne.s32 s6, $0x0;
	(pc) =	sbr.rel .LBB1_1-.Ltmp0, $4  }
0x9: {  	s11 =	smov.u32 s2;
	s8 =	sshrl.u32 s5, $0x9;
	s7 =	simm.s32 @!p0 $0x0  }
0xa: {  	s5 =	sand.u32 $0x7, s0;
	s6 =	simm.s32 $0x1;
	s7 =	sadd.s32 s7, s8  }
0xb: {  	s12 =	smov.u32 s5;
	[sflag:s6] =	ssyncpa.u1 $0x0;
	s7 =	sshll.u32 s7, $0x3  }
0xc: {  	p0 =	por $0x0, $0x0;
	[sflag:s31] =	ssyncpa.u1 $0x0;
	s8 =	sor.u32 $0x1, s7  }
.LBB1_4:
0xd: {  	v5 =	vld [tilespmem:s20+$0xFFFFFFD0];
	[tilespmem:s19+$0x2040 ss:$0x81] =	vst.msk $0xffff, v1  }
0xe: {  	v58 =	vld [tilespmem:s20+$0xFFFFFFE0];
	[tilespmem:s19+$0x2850 ss:$0x81] =	vst.msk $0xffff, v2  }
0xf: {  	s21 =	sshra.s32 s21, $0x2;
	v59 =	vld [tilespmem:s20+$0xFFFFFFF0];
	[tilespmem:s19+$0x3060 ss:$0x81] =	vst.msk $0xffff, v3  }
0x10: {  	v60 =	vld [tilespmem:s20+$0x0];
	[tilespmem:s19+$0x0 ss:$0x81] =	vst.msk $0xffff, v0;
	s18 =	sadd.s32 s21, s18  }
0x11: {  	v61 =	vld [tilespmem:s20+$0x10];
	[tilespmem:s18+$0x3870 ss:$0x81] =	vst.msk $0xffff, v4  }
0x12: {  	v62 =	vld [tilespmem:s20+$0x20];
	s26 =	sshll.u32 s16, $0xA;
	s27 =	sshll.u32 s14, $0x3;
	[tilespmem:s18+$0x810 ss:$0x81] =	vst.msk $0xffff, v5  }
0x13: {  	v63 =	vld [tilespmem:s20+$0xFFFFFFC0];
	s29 =	sshll.u32 s16, $0x7;
	s30 =	sand.u32 $0x78, s14;
	s15 =	sshll.u32 s15, $0x11;
	[tilespmem:s18+$0x1020 ss:$0x81] =	vst.msk $0xffff, v58  }
0x14: {  	s19 =	sand.u32 $0xFE000, s26;
	s28 =	sand.u32 $0xFFC00, s27;
	s16 =	sand.u32 $0x380, s29;
	[tilespmem:s18+$0x1830 ss:$0x81] =	vst.msk $0xffff, v59  }
0x15: {  	s31 =	sand.u32 $0x7, s14;
	s19 =	sadd.s32 s28, s19;
	s16 =	sor.u32 s30, s16;
	[tilespmem:s18+$0x2040 ss:$0x81] =	vst.msk $0xffff, v60  }
0x16: {  	s15 =	sadd.s32 s4, s15;
	s19 =	sshrl.u32 s19, $0x3;
	s16 =	sshrl.u32 s16, $0x3;
	[tilespmem:s18+$0x2850 ss:$0x81] =	vst.msk $0xffff, v61  }
0x17: {  	s14 =	sshll.u32 s31, $0x12;
	s19 =	sand.u32 $0x1FF80, s19;
	s15 =	sadd.s32 s16, s15;
	[tilespmem:s18+$0x3060 ss:$0x81] =	vst.msk $0xffff, v62  }
0x18: {  	s14 =	sor.u32 $0x400, s14;
	[tilespmem:s18+$0x0 ss:$0x81] =	vst.msk $0xffff, v63;
	s15 =	sadd.s32 s19, s15  }
0x19: {  	[hbm4b:s15+s14] =	stream.strided.scatter [tilespmem:s17], [sflag:$0x2], $0x4000, s9, s14, $0x20;
	[tilespmem:$0x10100] =	vst v63  }
.LBB1_5:
0x1a: {  	s17 =	sadd.s32 $0x80, s10  }
0x1b: {  	s14 =	sadd.s32 $0x200, s11;
	s18 =	smov.u32 s11;
	p2 =	sgt.s32 s17, $0x3FF  }
0x1c: {  	s18 =	smov.u32 @p2 s14  }
0x1d: {  	s20 =	smov.u32 s12;
	s14 =	sadd.s32 $0x8, s12;
	p3 =	sgt.s32 s18, $0x3FF  }
0x1e: {  	s20 =	smov.u32 @p3 s14  }
0x1f: {  	s17 =	simm.s32 @p2 $0x0;
	p2 =	sgt.s32 s20, $0x7  }
0x20: {  	p1 =	slt.u32 s13, $0x2;
	s20 =	smov.u32 @p2 s5;
	p2 =	sne.s32 s13, s8  }
.Ltmp1:
0x21: {  	s19 =	simm.s32 @!p1 $0x2;
	(pc) =	sbr.rel @!p2 .LBB1_6-.Ltmp1, $4  }
0x22: {  	s16 =	smov.u32 s10;
	s15 =	smov.u32 s12;
	_ =	swait.ge @!p1 [sflag:s19], $0x4000  }
0x23: {  	p0 =	por !p0, !p0;
	[sflag:s19] =	ssyncset.done @!p1 $0x0;
	s10 =	smov.u32 s17  }
0x24: {  	s18 =	smov.u32 @p3 s2;
	s14 =	smov.u32 s11;
	[sflag:s19] =	ssyncadd.s32 @!p1 $0xFFFFC000  }
0x25: {  	s11 =	smov.u32 s18;
	s13 =	sadd.s32 $0x1, s13;
	s12 =	smov.u32 s20  }
.LBB1_1:
0x26: {  	p1 =	sge.u32 s13, s7  }
0x27: {  	s31 =	sadd.s32 $0xFFFFFFFF, s13;
	s17 =	sshll.u32 @!p1 s11, $0x7  }
0x28: {  	s18 =	sxor.u32 @!p1 $0xFFFFFFFF, s13;
	s19 =	sand.u32 @!p1 $0x78, s10;
	s20 =	sand.u32 @!p1 $0x380, s17  }
0x29: {  	s18 =	sshll.u32 @!p1 s18, $0xE;
	s19 =	sor.u32 @!p1 s19, s20;
	s20 =	sshll.u32 @!p1 s12, $0x11  }
0x2a: {  	s17 =	sand.u32 @!p1 $0x1FC00, s17;
	s19 =	sshrl.u32 @!p1 s19, $0x3;
	s20 =	sadd.s32 @!p1 s3, s20  }
0x2b: {  	s17 =	sadd.s32 @!p1 s10, s17;
	s19 =	sadd.s32 @!p1 s19, s20;
	s20 =	sand.u32 @!p1 $0x7, s10  }
0x2c: {  	s18 =	sand.u32 @!p1 $0x4000, s18;
	s17 =	sand.u32 @!p1 $0x1FF80, s17;
	s20 =	sshll.u32 @!p1 s20, $0x12  }
0x2d: {  	s17 =	sadd.s32 @!p1 s17, s19;
	s19 =	sor.u32 @!p1 $0x400, s20;
	s20 =	simm.s32 @!p1 $0x2000  }
0x2e: {  	[tilespmem:s18], [sflag:$0x1] =	stream.strided.gather @!p1 [hbm4b:s17+s19], $0x4000, s20, s19, $0x38;
	[tilespmem:$0x10100] =	vst v63  }
0x2f: {  	p1 =	sge.u32 s31, s7  }
.Ltmp2:
0x30: {  	_ = 	snop;
	(pc) =	sbr.rel @p1 .LBB1_5-.Ltmp2, $1  }
0x31: {  	_ =	sdelay $0x3  }
0x32: {  	s17 =	simm.s32 $0x1  }
0x33: {  	_ =	swait.ge [sflag:s6], $0x4000;
	s17 =	simm.s32 @!p0 $0x0  }
0x34: {  	[sflag:s6] =	ssyncset.done $0x0;
	s18 =	sshll.u32 s17, $0xE  }
0x35: {  	[sflag:s6] =	ssyncadd.s32 $0xFFFFC000;
	s20 =	sor.u32 $0x40, s18  }
0x36: {  	s17 =	smul.u32 $0x10200, s17;
	v0 =	vld [tilespmem:s20+$0x30]  }
0x37: {  	v3 =	vld [tilespmem:s20+$0xFFFFFFD0]  }
0x38: {  	s17 =	sshrl.u32 s17, $0x2;
	v4 =	vld [tilespmem:s20+$0xFFFFFFE0]  }
0x39: {  	v5 =	vld [tilespmem:s20+$0xFFFFFFF0];
	s18 =	sor.u32 $0x8000, s17  }
0x3a: {  	s31 =	sand.u32 $0x1, s13;
	v1 =	vld [tilespmem:s20+$0x0];
	s19 =	sadd.s32 $0x0, s18  }
0x3b: {  	v2 =	vld [tilespmem:s20+$0x10];
	s17 =	smul.u32 $0x10200, s31;
	[tilespmem:s19+$0x3870 ss:$0x81] =	vst.msk $0xffff, v0  }
0x3c: {  	[tilespmem:s19+$0x810 ss:$0x81] =	vst.msk $0xffff, v3;
	v3 =	vld [tilespmem:s20+$0x20]  }
0x3d: {  	s17 =	sshrl.u32 s17, $0x2;
	v0 =	vld [tilespmem:s20+$0xFFFFFFC0];
	[tilespmem:s19+$0x1020 ss:$0x81] =	vst.msk $0xffff, v4;
	s20 =	sadd.s32 $0x80, s20  }
0x3e: {  	s21 =	simm.s32 $0x4;
	s22 =	simm.s32 $0x8;
	s17 =	sor.u32 $0x8000, s17;
	[tilespmem:s19+$0x1830 ss:$0x81] =	vst.msk $0xffff, v5;
	v4 =	vld [tilespmem:s20+$0x30]  }
.LBB1_3:
0x3f: {  	p1 =	sne.s32 s22, $0x1FC;
	v5 =	vld [tilespmem:s20+$0xFFFFFFD0];
	[tilespmem:s19+$0x2040 ss:$0x81] =	vst.msk $0xffff, v1  }
0x40: {  	v6 =	vld [tilespmem:s20+$0xFFFFFFE0];
	[tilespmem:s19+$0x2850 ss:$0x81] =	vst.msk $0xffff, v2  }
0x41: {  	s23 =	sshra.s32 s21, $0x2;
	s21 =	smov.u32 s22;
	v7 =	vld [tilespmem:s20+$0xFFFFFFF0];
	[tilespmem:s19+$0x3060 ss:$0x81] =	vst.msk $0xffff, v3  }
.Ltmp3:
0x42: {  	v1 =	vld [tilespmem:s20+$0x0];
	[tilespmem:s19+$0x0 ss:$0x81] =	vst.msk $0xffff, v0;
	s19 =	sadd.s32 s23, s18;
	(pc) =	sbr.rel @p1 .LBB1_3-.Ltmp3, $4  }
0x43: {  	v2 =	vld [tilespmem:s20+$0x10];
	[tilespmem:s19+$0x3870 ss:$0x81] =	vst.msk $0xffff, v4  }
0x44: {  	[tilespmem:s19+$0x810 ss:$0x81] =	vst.msk $0xffff, v5;
	v3 =	vld [tilespmem:s20+$0x20]  }
0x45: {  	v0 =	vld [tilespmem:s20+$0xFFFFFFC0];
	[tilespmem:s19+$0x1020 ss:$0x81] =	vst.msk $0xffff, v6;
	s20 =	sadd.s32 $0x80, s20  }
0x46: {  	s22 =	sadd.s32 $0x4, s22;
	v4 =	vld [tilespmem:s20+$0x30];
	[tilespmem:s19+$0x1830 ss:$0x81] =	vst.msk $0xffff, v7  }
.Ltmp4:
0x47: {  	_ = 	snop;
	(pc) =	sbr.rel .LBB1_4-.Ltmp4, $1  }
0x48: {  	_ =	sdelay $0x3  }
.LBB1_6:
0x49: {  	_ =	sfence.sel $0x180000  }
0x4a: {  	s2 =	simm.s32 $0x1;
	[bflag:$0x0] =	sbarrier.arrive $0xFFFF  }
0x4b: {  	s31 =	simm.s32 $0x2;
	[sflag:s2] =	ssyncpa.u1 $0x1  }
0x4c: {  	[sflag:s31] =	ssyncpa.u1 $0x1  }
0x4d: {  	p0 =	sne.s32 s0, $0x0;
	_ =	strace $0x90000062  }
0x4e: {  	s0 =	sadd.s32 @!p0 $0x100000, s1;
	[bflag:$0x2] =	sbarrier.arrive $0xFFFF  }
0x4f: {  	[sflag:s0] =	ssyncadd.tile.s32 @!p0 $0x1;
	_ =	shalt  }
.Lfunc_end1:
_tile_overlayer_lowered:
.L_overlay_start_2:
0x50: {  	(tag) =	ssettag $0x2  }
0x51: {  	s0 =	rddreg [dreg:$0x0];
	s2 =	stileid.u32  }
0x52: {  	s1 =	rddreg [dreg:$0x1];
	p0 =	sne.s32 s2, $0x0  }
0x53: {  	s3 =	rddreg [dreg:$0x2];
	[bflag:$0x3] =	sbarrier.arrive $0xFFFF;
	s2 =	simm.s32 @!p0 $0x1C01  }
0x54: {  	[timem:s3], [sflag:s2] =	dma.local @!p0 [hbm:s0], s1  }
0x55: {  	s0 =	simm.s32 @!p0 $0x1  }
0x56: {  	_ =	swait.ge @!p0 [sflag:s0], s1  }
0x57: {  	s1 =	ssub.s32 @!p0 $0x0, s1;
	[sflag:s0] =	ssyncset.done @!p0 $0x0  }
0x58: {  	[sflag:s0] =	ssyncadd.s32 @!p0 s1  }
0x59: {  	[bflag:$0x3] =	sbarrier.arrive $0xFFFF  }
0x5a: {  	_ =	shalt  }

// kernel: sparse-core-data-format-call.5.cloned.1.call-start
scs
called_computation.5_lowered:
.L_overlay_start_0:
0x0: {  	s1 =	sld [smem:$0x3FD9]  }
0x1: {  	s2 =	sld [smem:$0x3FFE];
	_ =	sdelay $0x1  }
0x2: {  	s3 =	srdreg.scid  }
0x3: {  	s0 =	sand.u32 $0x1, s3  }
0x4: {  	s17 =	sshll.u32 s0, $0xA;
	s1 =	sadd.s32 s2, s1  }
0x5: {  	s1 =	sadd.s32 s1, s17  }
0x6: {  	[smem:$0x3FB0] =	sst s1  }
0x7: {  	_ = 	snop  }
0x8: {  	(tm) =	ssettm $0x1  }
0x9: {  	s18 =	sld [smem:$0x3FFB];
	_ =	sdelay $0x3  }
0xa: {  	_ =	strace s18  }
0xb: {  	s1 =	sld [smem:$0x3FFC];
	_ =	sdelay $0x3  }
0xc: {  	_ =	strace s1  }
0xd: {  	s1 =	sld [smem:$0x3FFD];
	_ =	sdelay $0x3  }
0xe: {  	_ =	strace s1  }
0xf: {  	_ =	strace $0x8FFFFFFF  }
0x10: {  	s19 =	sld [smem:$0x3FDB];
	_ =	sdelay $0x1  }
0x11: {  	s20 =	simm.s32 $_scs_section_size  }
0x12: {  	s4 =	simm.s32 $_size__tile_overlayer_lowered;
	s5 =	simm.s32 $_tile_overlayer_lowered  }
0x13: {  	s23 =	simm.s32 $0x1BFF;
	s22 =	sshll.u32 s5, $0x1;
	s1 =	sadd.s32 s20, s19  }
0x14: {  	s6 =	simm.s32 $0x0;
	s21 =	sshll.u32 s4, $0x1;
	s4 =	sadd.s32 s22, s1  }
0x15: {  	[timem:s6], [sflag:s23] =	dma.local [hbm:s4], s21  }
0x16: {  	_ =	swait.ge [sflag:s23], s21  }
0x17: {  	s2 =	ssub.s32 $0x0, s21;
	[sflag:s23] =	ssyncset.done $0x0  }
0x18: {  	[sflag:s23] =	ssyncadd.s32 s2;
	_ =	sdelay $0x1  }
0x19: {  	s24 =	simm.s32 $0x1B8B  }
0x1a: {  	_ =	swait.ge [sflag:s24], $0x1  }
0x1b: {  	[sflag:s24] =	ssyncset.done $0x0  }
0x1c: {  	s26 =	simm.s32 $0x1B8E;
	s25 =	sld [smem:$0x3FFE];
	[sflag:s24] =	ssyncadd.s32 $0xFFFFFFFF  }
0x1d: {  	s27 =	simm.s32 $execute0_lowered;
	[smem:$0x3FD2] =	sst s26  }
0x1e: {  	s4 =	sshll.u32 s27, $0x1;
	_ =	strace $0x8000005E;
	[dreg:$0x1] =	wrdreg $0xFFFFFFFF  }
0x1f: {  	s28 =	simm.s32 $_size_execute0_lowered;
	s1 =	sadd.s32 s1, s4;
	[dreg:$0x0] =	wrdreg $0x0  }
0x20: {  	s4 =	sshll.u32 s28, $0x1;
	[dreg:$0x2] =	wrdreg s1  }
0x21: {  	[dreg:$0x3] =	wrdreg s4  }
0x22: {  	[dreg:$0x4] =	wrdreg $0xC0  }
0x23: {  	_ =	task [dreg:s6], $0x5FFFF  }
0x24: {  	[dreg:$0x1] =	wrdreg $0xFFFFFFFF  }
0x25: {  	[dreg:$0x0] =	wrdreg $0x60  }
0x26: {  	[dreg:$0x2] =	wrdreg s25  }
0x27: {  	[dreg:$0x3] =	wrdreg $0x9  }
0x28: {  	_ =	task.clear_ibuf [dreg:s6], $0x4FFFF;
	_ =	strace $0x9000005E  }
0x29: {  	s29 =	simm.s32 $0x9;
	_ =	strace $0x80000060  }
0x2a: {  	_ =	swait.ge [sflag:s29], $0x1  }
0x2b: {  	[sflag:s29] =	ssyncadd.s32 $0xFFFFFFFF  }
0x2c: {  	_ =	strace $0x90000060  }
0x2d: {  	_ =	sfence  }
0x2e: {  	s30 =	sld [smem:$0x0];
	_ =	sdelay $0x2  }
0x2f: {  	s31 =	sshll.u32 s3, $0xD;
	s3 =	sshrl.u32 s3, $0x2  }
0x30: {  	s2 =	sand.u32 $0x4000, s31;
	s1 =	sadd.s32 s3, s30  }
0x31: {  	s0 =	sor.u32 s2, s0;
	s1 =	sshll.u32 s1, $0x11  }
0x32: {  	s0 =	sor.u32 s1, s0  }
0x33: {  	s0 =	sadd.s32 $0x8F2B, s0  }
0x34: {  	[sflag:s0] =	ssyncadd.remote.s32 $0x1  }
0x35: {  	_ =	sfence.sel $0xFFFF  }
0x36: {  	[dreg:$0x0] =	wrdreg $0xFFFFFFFF;
	(pc) =	sbr.abs _section_cstart, $3  }
0x37: {  	[dreg:$0x1] =	wrdreg $0xFFFFFFFF  }
0x38: {  	_ =	task.clear_ibuf [dreg:s6], $0x2FFFF;
	_ =	strace $0x9FFFFFFF  }
0x39: {  	(tm) =	ssettm $0x7FFFFFFF  }
tec
execute0_lowered:
.L_overlay_start_1:
0x0: {  	(tag) =	ssettag $0x1  }
0x1: {  	s0 =	stileid.u32;
	s1 =	srdreg.scid  }
0x2: {  	s4 =	rddreg [dreg:$0x0];
	s7 =	simm.s32 $0x1;
	s31 =	simm.s32 $0x2  }
0x3: {  	s16 =	simm.s32 $0x0;
	s2 =	sshll.u32 s0, $0x4;
	s1 =	sshll.u32 s1, $0x8  }
0x4: {  	s9 =	simm.s32 $0x2000;
	s14 =	simm.s32 $0x0;
	s1 =	sor.u32 s2, s1  }
0x5: {  	s15 =	simm.s32 $0x0;
	s10 =	simm.s32 $0x0;
	s2 =	sand.u32 $0x180, s1  }
0x6: {  	s13 =	simm.s32 $0x0;
	s3 =	sadd.s32 $0x180000, s4;
	s5 =	ssub.s32 $0x400, s2  }
0x7: {  	s4 =	sadd.s32 $0x334A00, s4;
	s1 =	rddreg [dreg:$0x1];
	s6 =	sand.u32 $0x180, s5  }
.Ltmp0:
0x8: {  	_ =	strace $0x8000005F;
	p0 =	sne.s32 s6, $0x0;
	(pc) =	sbr.rel .LBB1_1-.Ltmp0, $4  }
0x9: {  	s11 =	smov.u32 s2;
	s8 =	sshrl.u32 s5, $0x9;
	s7 =	simm.s32 @!p0 $0x0  }
0xa: {  	s5 =	sand.u32 $0x7, s0;
	s6 =	simm.s32 $0x1;
	s7 =	sadd.s32 s7, s8  }
0xb: {  	s12 =	smov.u32 s5;
	[sflag:s6] =	ssyncpa.u1 $0x0;
	s7 =	sshll.u32 s7, $0x3  }
0xc: {  	p0 =	por $0x0, $0x0;
	[sflag:s31] =	ssyncpa.u1 $0x0;
	s8 =	sor.u32 $0x1, s7  }
.LBB1_4:
0xd: {  	v5 =	vld [tilespmem:s20+$0xFFFFFFD0];
	[tilespmem:s19+$0x2040 ss:$0x81] =	vst.msk $0xffff, v1  }
0xe: {  	v58 =	vld [tilespmem:s20+$0xFFFFFFE0];
	[tilespmem:s19+$0x2850 ss:$0x81] =	vst.msk $0xffff, v2  }
0xf: {  	s21 =	sshra.s32 s21, $0x2;
	v59 =	vld [tilespmem:s20+$0xFFFFFFF0];
	[tilespmem:s19+$0x3060 ss:$0x81] =	vst.msk $0xffff, v3  }
0x10: {  	v60 =	vld [tilespmem:s20+$0x0];
	[tilespmem:s19+$0x0 ss:$0x81] =	vst.msk $0xffff, v0;
	s18 =	sadd.s32 s21, s18  }
0x11: {  	v61 =	vld [tilespmem:s20+$0x10];
	[tilespmem:s18+$0x3870 ss:$0x81] =	vst.msk $0xffff, v4  }
0x12: {  	v62 =	vld [tilespmem:s20+$0x20];
	s26 =	sshll.u32 s16, $0xA;
	s27 =	sshll.u32 s14, $0x3;
	[tilespmem:s18+$0x810 ss:$0x81] =	vst.msk $0xffff, v5  }
0x13: {  	v63 =	vld [tilespmem:s20+$0xFFFFFFC0];
	s29 =	sshll.u32 s16, $0x7;
	s30 =	sand.u32 $0x78, s14;
	s15 =	sshll.u32 s15, $0x11;
	[tilespmem:s18+$0x1020 ss:$0x81] =	vst.msk $0xffff, v58  }
0x14: {  	s19 =	sand.u32 $0xFE000, s26;
	s28 =	sand.u32 $0xFFC00, s27;
	s16 =	sand.u32 $0x380, s29;
	[tilespmem:s18+$0x1830 ss:$0x81] =	vst.msk $0xffff, v59  }
0x15: {  	s31 =	sand.u32 $0x7, s14;
	s19 =	sadd.s32 s28, s19;
	s16 =	sor.u32 s30, s16;
	[tilespmem:s18+$0x2040 ss:$0x81] =	vst.msk $0xffff, v60  }
0x16: {  	s15 =	sadd.s32 s4, s15;
	s19 =	sshrl.u32 s19, $0x3;
	s16 =	sshrl.u32 s16, $0x3;
	[tilespmem:s18+$0x2850 ss:$0x81] =	vst.msk $0xffff, v61  }
0x17: {  	s14 =	sshll.u32 s31, $0x12;
	s19 =	sand.u32 $0x1FF80, s19;
	s15 =	sadd.s32 s16, s15;
	[tilespmem:s18+$0x3060 ss:$0x81] =	vst.msk $0xffff, v62  }
0x18: {  	s14 =	sor.u32 $0x400, s14;
	[tilespmem:s18+$0x0 ss:$0x81] =	vst.msk $0xffff, v63;
	s15 =	sadd.s32 s19, s15  }
0x19: {  	[hbm4b:s15+s14] =	stream.strided.scatter [tilespmem:s17], [sflag:$0x2], $0x4000, s9, s14, $0x20;
	[tilespmem:$0x10100] =	vst v63  }
.LBB1_5:
0x1a: {  	s17 =	sadd.s32 $0x80, s10  }
0x1b: {  	s14 =	sadd.s32 $0x200, s11;
	s18 =	smov.u32 s11;
	p2 =	sgt.s32 s17, $0x3FF  }
0x1c: {  	s18 =	smov.u32 @p2 s14  }
0x1d: {  	s20 =	smov.u32 s12;
	s14 =	sadd.s32 $0x8, s12;
	p3 =	sgt.s32 s18, $0x3FF  }
0x1e: {  	s20 =	smov.u32 @p3 s14  }
0x1f: {  	s17 =	simm.s32 @p2 $0x0;
	p2 =	sgt.s32 s20, $0x7  }
0x20: {  	p1 =	slt.u32 s13, $0x2;
	s20 =	smov.u32 @p2 s5;
	p2 =	sne.s32 s13, s8  }
.Ltmp1:
0x21: {  	s19 =	simm.s32 @!p1 $0x2;
	(pc) =	sbr.rel @!p2 .LBB1_6-.Ltmp1, $4  }
0x22: {  	s16 =	smov.u32 s10;
	s15 =	smov.u32 s12;
	_ =	swait.ge @!p1 [sflag:s19], $0x4000  }
0x23: {  	p0 =	por !p0, !p0;
	[sflag:s19] =	ssyncset.done @!p1 $0x0;
	s10 =	smov.u32 s17  }
0x24: {  	s18 =	smov.u32 @p3 s2;
	s14 =	smov.u32 s11;
	[sflag:s19] =	ssyncadd.s32 @!p1 $0xFFFFC000  }
0x25: {  	s11 =	smov.u32 s18;
	s13 =	sadd.s32 $0x1, s13;
	s12 =	smov.u32 s20  }
.LBB1_1:
0x26: {  	p1 =	sge.u32 s13, s7  }
0x27: {  	s31 =	sadd.s32 $0xFFFFFFFF, s13;
	s17 =	sshll.u32 @!p1 s11, $0x7  }
0x28: {  	s18 =	sxor.u32 @!p1 $0xFFFFFFFF, s13;
	s19 =	sand.u32 @!p1 $0x78, s10;
	s20 =	sand.u32 @!p1 $0x380, s17  }
0x29: {  	s18 =	sshll.u32 @!p1 s18, $0xE;
	s19 =	sor.u32 @!p1 s19, s20;
	s20 =	sshll.u32 @!p1 s12, $0x11  }
0x2a: {  	s17 =	sand.u32 @!p1 $0x1FC00, s17;
	s19 =	sshrl.u32 @!p1 s19, $0x3;
	s20 =	sadd.s32 @!p1 s3, s20  }
0x2b: {  	s17 =	sadd.s32 @!p1 s10, s17;
	s19 =	sadd.s32 @!p1 s19, s20;
	s20 =	sand.u32 @!p1 $0x7, s10  }
0x2c: {  	s18 =	sand.u32 @!p1 $0x4000, s18;
	s17 =	sand.u32 @!p1 $0x1FF80, s17;
	s20 =	sshll.u32 @!p1 s20, $0x12  }
0x2d: {  	s17 =	sadd.s32 @!p1 s17, s19;
	s19 =	sor.u32 @!p1 $0x400, s20;
	s20 =	simm.s32 @!p1 $0x2000  }
0x2e: {  	[tilespmem:s18], [sflag:$0x1] =	stream.strided.gather @!p1 [hbm4b:s17+s19], $0x4000, s20, s19, $0x38;
	[tilespmem:$0x10100] =	vst v63  }
0x2f: {  	p1 =	sge.u32 s31, s7  }
.Ltmp2:
0x30: {  	_ = 	snop;
	(pc) =	sbr.rel @p1 .LBB1_5-.Ltmp2, $1  }
0x31: {  	_ =	sdelay $0x3  }
0x32: {  	s17 =	simm.s32 $0x1  }
0x33: {  	_ =	swait.ge [sflag:s6], $0x4000;
	s17 =	simm.s32 @!p0 $0x0  }
0x34: {  	[sflag:s6] =	ssyncset.done $0x0;
	s18 =	sshll.u32 s17, $0xE  }
0x35: {  	[sflag:s6] =	ssyncadd.s32 $0xFFFFC000;
	s20 =	sor.u32 $0x40, s18  }
0x36: {  	s17 =	smul.u32 $0x10200, s17;
	v0 =	vld [tilespmem:s20+$0x30]  }
0x37: {  	v3 =	vld [tilespmem:s20+$0xFFFFFFD0]  }
0x38: {  	s17 =	sshrl.u32 s17, $0x2;
	v4 =	vld [tilespmem:s20+$0xFFFFFFE0]  }
0x39: {  	v5 =	vld [tilespmem:s20+$0xFFFFFFF0];
	s18 =	sor.u32 $0x8000, s17  }
0x3a: {  	s31 =	sand.u32 $0x1, s13;
	v1 =	vld [tilespmem:s20+$0x0];
	s19 =	sadd.s32 $0x0, s18  }
0x3b: {  	v2 =	vld [tilespmem:s20+$0x10];
	s17 =	smul.u32 $0x10200, s31;
	[tilespmem:s19+$0x3870 ss:$0x81] =	vst.msk $0xffff, v0  }
0x3c: {  	[tilespmem:s19+$0x810 ss:$0x81] =	vst.msk $0xffff, v3;
	v3 =	vld [tilespmem:s20+$0x20]  }
0x3d: {  	s17 =	sshrl.u32 s17, $0x2;
	v0 =	vld [tilespmem:s20+$0xFFFFFFC0];
	[tilespmem:s19+$0x1020 ss:$0x81] =	vst.msk $0xffff, v4;
	s20 =	sadd.s32 $0x80, s20  }
0x3e: {  	s21 =	simm.s32 $0x4;
	s22 =	simm.s32 $0x8;
	s17 =	sor.u32 $0x8000, s17;
	[tilespmem:s19+$0x1830 ss:$0x81] =	vst.msk $0xffff, v5;
	v4 =	vld [tilespmem:s20+$0x30]  }
.LBB1_3:
0x3f: {  	p1 =	sne.s32 s22, $0x1FC;
	v5 =	vld [tilespmem:s20+$0xFFFFFFD0];
	[tilespmem:s19+$0x2040 ss:$0x81] =	vst.msk $0xffff, v1  }
0x40: {  	v6 =	vld [tilespmem:s20+$0xFFFFFFE0];
	[tilespmem:s19+$0x2850 ss:$0x81] =	vst.msk $0xffff, v2  }
0x41: {  	s23 =	sshra.s32 s21, $0x2;
	s21 =	smov.u32 s22;
	v7 =	vld [tilespmem:s20+$0xFFFFFFF0];
	[tilespmem:s19+$0x3060 ss:$0x81] =	vst.msk $0xffff, v3  }
.Ltmp3:
0x42: {  	v1 =	vld [tilespmem:s20+$0x0];
	[tilespmem:s19+$0x0 ss:$0x81] =	vst.msk $0xffff, v0;
	s19 =	sadd.s32 s23, s18;
	(pc) =	sbr.rel @p1 .LBB1_3-.Ltmp3, $4  }
0x43: {  	v2 =	vld [tilespmem:s20+$0x10];
	[tilespmem:s19+$0x3870 ss:$0x81] =	vst.msk $0xffff, v4  }
0x44: {  	[tilespmem:s19+$0x810 ss:$0x81] =	vst.msk $0xffff, v5;
	v3 =	vld [tilespmem:s20+$0x20]  }
0x45: {  	v0 =	vld [tilespmem:s20+$0xFFFFFFC0];
	[tilespmem:s19+$0x1020 ss:$0x81] =	vst.msk $0xffff, v6;
	s20 =	sadd.s32 $0x80, s20  }
0x46: {  	s22 =	sadd.s32 $0x4, s22;
	v4 =	vld [tilespmem:s20+$0x30];
	[tilespmem:s19+$0x1830 ss:$0x81] =	vst.msk $0xffff, v7  }
.Ltmp4:
0x47: {  	_ = 	snop;
	(pc) =	sbr.rel .LBB1_4-.Ltmp4, $1  }
0x48: {  	_ =	sdelay $0x3  }
.LBB1_6:
0x49: {  	_ =	sfence.sel $0x180000  }
0x4a: {  	s2 =	simm.s32 $0x1;
	[bflag:$0x0] =	sbarrier.arrive $0xFFFF  }
0x4b: {  	s31 =	simm.s32 $0x2;
	[sflag:s2] =	ssyncpa.u1 $0x1  }
0x4c: {  	[sflag:s31] =	ssyncpa.u1 $0x1  }
0x4d: {  	p0 =	sne.s32 s0, $0x0;
	_ =	strace $0x9000005F  }
0x4e: {  	s0 =	sadd.s32 @!p0 $0x100000, s1;
	[bflag:$0x2] =	sbarrier.arrive $0xFFFF  }
0x4f: {  	[sflag:s0] =	ssyncadd.tile.s32 @!p0 $0x1;
	_ =	shalt  }
.Lfunc_end1:
_tile_overlayer_lowered:
.L_overlay_start_2:
0x50: {  	(tag) =	ssettag $0x2  }
0x51: {  	s0 =	rddreg [dreg:$0x0];
	s2 =	stileid.u32  }
0x52: {  	s1 =	rddreg [dreg:$0x1];
	p0 =	sne.s32 s2, $0x0  }
0x53: {  	s3 =	rddreg [dreg:$0x2];
	[bflag:$0x3] =	sbarrier.arrive $0xFFFF;
	s2 =	simm.s32 @!p0 $0x1C01  }
0x54: {  	[timem:s3], [sflag:s2] =	dma.local @!p0 [hbm:s0], s1  }
0x55: {  	s0 =	simm.s32 @!p0 $0x1  }
0x56: {  	_ =	swait.ge @!p0 [sflag:s0], s1  }
0x57: {  	s1 =	ssub.s32 @!p0 $0x0, s1;
	[sflag:s0] =	ssyncset.done @!p0 $0x0  }
0x58: {  	[sflag:s0] =	ssyncadd.s32 @!p0 s1  }
0x59: {  	[bflag:$0x3] =	sbarrier.arrive $0xFFFF  }
0x5a: {  	_ =	shalt  }

// kernel: sparse-core-data-format-call.6.cloned.1.call-start
scs
called_computation.6_lowered:
.L_overlay_start_0:
0x0: {  	s1 =	sld [smem:$0x3FD9]  }
0x1: {  	s2 =	sld [smem:$0x3FFE];
	_ =	sdelay $0x1  }
0x2: {  	s3 =	srdreg.scid  }
0x3: {  	s0 =	sand.u32 $0x1, s3  }
0x4: {  	s17 =	sshll.u32 s0, $0xA;
	s1 =	sadd.s32 s2, s1  }
0x5: {  	s1 =	sadd.s32 s1, s17  }
0x6: {  	[smem:$0x3FB0] =	sst s1  }
0x7: {  	_ = 	snop  }
0x8: {  	(tm) =	ssettm $0x1  }
0x9: {  	s18 =	sld [smem:$0x3FFB];
	_ =	sdelay $0x3  }
0xa: {  	_ =	strace s18  }
0xb: {  	s1 =	sld [smem:$0x3FFC];
	_ =	sdelay $0x3  }
0xc: {  	_ =	strace s1  }
0xd: {  	s1 =	sld [smem:$0x3FFD];
	_ =	sdelay $0x3  }
0xe: {  	_ =	strace s1  }
0xf: {  	_ =	strace $0x8FFFFFFF  }
0x10: {  	s19 =	sld [smem:$0x3FDB];
	_ =	sdelay $0x1  }
0x11: {  	s20 =	simm.s32 $_scs_section_size  }
0x12: {  	s4 =	simm.s32 $_size__tile_overlayer_lowered;
	s5 =	simm.s32 $_tile_overlayer_lowered  }
0x13: {  	s23 =	simm.s32 $0x1BFF;
	s22 =	sshll.u32 s5, $0x1;
	s1 =	sadd.s32 s20, s19  }
0x14: {  	s6 =	simm.s32 $0x0;
	s21 =	sshll.u32 s4, $0x1;
	s4 =	sadd.s32 s22, s1  }
0x15: {  	[timem:s6], [sflag:s23] =	dma.local [hbm:s4], s21  }
0x16: {  	_ =	swait.ge [sflag:s23], s21  }
0x17: {  	s2 =	ssub.s32 $0x0, s21;
	[sflag:s23] =	ssyncset.done $0x0  }
0x18: {  	[sflag:s23] =	ssyncadd.s32 s2;
	_ =	sdelay $0x1  }
0x19: {  	s24 =	simm.s32 $0x1B8B  }
0x1a: {  	_ =	swait.ge [sflag:s24], $0x1  }
0x1b: {  	[sflag:s24] =	ssyncset.done $0x0  }
0x1c: {  	s26 =	simm.s32 $0x1B8E;
	s25 =	sld [smem:$0x3FFE];
	[sflag:s24] =	ssyncadd.s32 $0xFFFFFFFF  }
0x1d: {  	s27 =	simm.s32 $execute0_lowered;
	[smem:$0x3FD2] =	sst s26  }
0x1e: {  	s4 =	sshll.u32 s27, $0x1;
	_ =	strace $0x8000005B;
	[dreg:$0x1] =	wrdreg $0xFFFFFFFF  }
0x1f: {  	s28 =	simm.s32 $_size_execute0_lowered;
	s1 =	sadd.s32 s1, s4;
	[dreg:$0x0] =	wrdreg $0x0  }
0x20: {  	s4 =	sshll.u32 s28, $0x1;
	[dreg:$0x2] =	wrdreg s1  }
0x21: {  	[dreg:$0x3] =	wrdreg s4  }
0x22: {  	[dreg:$0x4] =	wrdreg $0xC0  }
0x23: {  	_ =	task [dreg:s6], $0x5FFFF  }
0x24: {  	[dreg:$0x1] =	wrdreg $0xFFFFFFFF  }
0x25: {  	[dreg:$0x0] =	wrdreg $0x60  }
0x26: {  	[dreg:$0x2] =	wrdreg s25  }
0x27: {  	[dreg:$0x3] =	wrdreg $0x9  }
0x28: {  	_ =	task.clear_ibuf [dreg:s6], $0x4FFFF;
	_ =	strace $0x9000005B  }
0x29: {  	s29 =	simm.s32 $0x9;
	_ =	strace $0x8000005D  }
0x2a: {  	_ =	swait.ge [sflag:s29], $0x1  }
0x2b: {  	[sflag:s29] =	ssyncadd.s32 $0xFFFFFFFF  }
0x2c: {  	_ =	strace $0x9000005D  }
0x2d: {  	_ =	sfence  }
0x2e: {  	s30 =	sld [smem:$0x0];
	_ =	sdelay $0x2  }
0x2f: {  	s31 =	sshll.u32 s3, $0xD;
	s3 =	sshrl.u32 s3, $0x2  }
0x30: {  	s2 =	sand.u32 $0x4000, s31;
	s1 =	sadd.s32 s3, s30  }
0x31: {  	s0 =	sor.u32 s2, s0;
	s1 =	sshll.u32 s1, $0x11  }
0x32: {  	s0 =	sor.u32 s1, s0  }
0x33: {  	s0 =	sadd.s32 $0x8F2B, s0  }
0x34: {  	[sflag:s0] =	ssyncadd.remote.s32 $0x1  }
0x35: {  	_ =	sfence.sel $0xFFFF  }
0x36: {  	[dreg:$0x0] =	wrdreg $0xFFFFFFFF;
	(pc) =	sbr.abs _section_cstart, $3  }
0x37: {  	[dreg:$0x1] =	wrdreg $0xFFFFFFFF  }
0x38: {  	_ =	task.clear_ibuf [dreg:s6], $0x2FFFF;
	_ =	strace $0x9FFFFFFF  }
0x39: {  	(tm) =	ssettm $0x7FFFFFFF  }
tec
execute0_lowered:
.L_overlay_start_1:
0x0: {  	(tag) =	ssettag $0x1  }
0x1: {  	s0 =	stileid.u32;
	s1 =	srdreg.scid  }
0x2: {  	s4 =	rddreg [dreg:$0x0];
	s7 =	simm.s32 $0x1;
	s31 =	simm.s32 $0x2  }
0x3: {  	s16 =	simm.s32 $0x0;
	s2 =	sshll.u32 s0, $0x4;
	s1 =	sshll.u32 s1, $0x8  }
0x4: {  	s9 =	simm.s32 $0x2000;
	s14 =	simm.s32 $0x0;
	s1 =	sor.u32 s2, s1  }
0x5: {  	s15 =	simm.s32 $0x0;
	s10 =	simm.s32 $0x0;
	s2 =	sand.u32 $0x180, s1  }
0x6: {  	s13 =	simm.s32 $0x0;
	s3 =	sadd.s32 $0x170000, s4;
	s5 =	ssub.s32 $0x400, s2  }
0x7: {  	s4 =	sadd.s32 $0x334A00, s4;
	s1 =	rddreg [dreg:$0x1];
	s6 =	sand.u32 $0x180, s5  }
.Ltmp0:
0x8: {  	_ =	strace $0x8000005C;
	p0 =	sne.s32 s6, $0x0;
	(pc) =	sbr.rel .LBB1_1-.Ltmp0, $4  }
0x9: {  	s11 =	smov.u32 s2;
	s8 =	sshrl.u32 s5, $0x9;
	s7 =	simm.s32 @!p0 $0x0  }
0xa: {  	s5 =	sand.u32 $0x7, s0;
	s6 =	simm.s32 $0x1;
	s7 =	sadd.s32 s7, s8  }
0xb: {  	s12 =	smov.u32 s5;
	[sflag:s6] =	ssyncpa.u1 $0x0;
	s7 =	sshll.u32 s7, $0x3  }
0xc: {  	p0 =	por $0x0, $0x0;
	[sflag:s31] =	ssyncpa.u1 $0x0;
	s8 =	sor.u32 $0x1, s7  }
.LBB1_4:
0xd: {  	v5 =	vld [tilespmem:s20+$0xFFFFFFD0];
	[tilespmem:s19+$0x2040 ss:$0x81] =	vst.msk $0xffff, v1  }
0xe: {  	v58 =	vld [tilespmem:s20+$0xFFFFFFE0];
	[tilespmem:s19+$0x2850 ss:$0x81] =	vst.msk $0xffff, v2  }
0xf: {  	s21 =	sshra.s32 s21, $0x2;
	v59 =	vld [tilespmem:s20+$0xFFFFFFF0];
	[tilespmem:s19+$0x3060 ss:$0x81] =	vst.msk $0xffff, v3  }
0x10: {  	v60 =	vld [tilespmem:s20+$0x0];
	[tilespmem:s19+$0x0 ss:$0x81] =	vst.msk $0xffff, v0;
	s18 =	sadd.s32 s21, s18  }
0x11: {  	v61 =	vld [tilespmem:s20+$0x10];
	[tilespmem:s18+$0x3870 ss:$0x81] =	vst.msk $0xffff, v4  }
0x12: {  	v62 =	vld [tilespmem:s20+$0x20];
	s26 =	sshll.u32 s16, $0xA;
	s27 =	sshll.u32 s14, $0x3;
	[tilespmem:s18+$0x810 ss:$0x81] =	vst.msk $0xffff, v5  }
0x13: {  	v63 =	vld [tilespmem:s20+$0xFFFFFFC0];
	s29 =	sshll.u32 s16, $0x7;
	s30 =	sand.u32 $0x78, s14;
	s15 =	sshll.u32 s15, $0x11;
	[tilespmem:s18+$0x1020 ss:$0x81] =	vst.msk $0xffff, v58  }
0x14: {  	s19 =	sand.u32 $0xFE000, s26;
	s28 =	sand.u32 $0xFFC00, s27;
	s16 =	sand.u32 $0x380, s29;
	[tilespmem:s18+$0x1830 ss:$0x81] =	vst.msk $0xffff, v59  }
0x15: {  	s31 =	sand.u32 $0x7, s14;
	s19 =	sadd.s32 s28, s19;
	s16 =	sor.u32 s30, s16;
	[tilespmem:s18+$0x2040 ss:$0x81] =	vst.msk $0xffff, v60  }
0x16: {  	s15 =	sadd.s32 s4, s15;
	s19 =	sshrl.u32 s19, $0x3;
	s16 =	sshrl.u32 s16, $0x3;
	[tilespmem:s18+$0x2850 ss:$0x81] =	vst.msk $0xffff, v61  }
0x17: {  	s14 =	sshll.u32 s31, $0x12;
	s19 =	sand.u32 $0x1FF80, s19;
	s15 =	sadd.s32 s16, s15;
	[tilespmem:s18+$0x3060 ss:$0x81] =	vst.msk $0xffff, v62  }
0x18: {  	s14 =	sor.u32 $0x400, s14;
	[tilespmem:s18+$0x0 ss:$0x81] =	vst.msk $0xffff, v63;
	s15 =	sadd.s32 s19, s15  }
0x19: {  	[hbm4b:s15+s14] =	stream.strided.scatter [tilespmem:s17], [sflag:$0x2], $0x4000, s9, s14, $0x20;
	[tilespmem:$0x10100] =	vst v63  }
.LBB1_5:
0x1a: {  	s17 =	sadd.s32 $0x80, s10  }
0x1b: {  	s14 =	sadd.s32 $0x200, s11;
	s18 =	smov.u32 s11;
	p2 =	sgt.s32 s17, $0x3FF  }
0x1c: {  	s18 =	smov.u32 @p2 s14  }
0x1d: {  	s20 =	smov.u32 s12;
	s14 =	sadd.s32 $0x8, s12;
	p3 =	sgt.s32 s18, $0x3FF  }
0x1e: {  	s20 =	smov.u32 @p3 s14  }
0x1f: {  	s17 =	simm.s32 @p2 $0x0;
	p2 =	sgt.s32 s20, $0x7  }
0x20: {  	p1 =	slt.u32 s13, $0x2;
	s20 =	smov.u32 @p2 s5;
	p2 =	sne.s32 s13, s8  }
.Ltmp1:
0x21: {  	s19 =	simm.s32 @!p1 $0x2;
	(pc) =	sbr.rel @!p2 .LBB1_6-.Ltmp1, $4  }
0x22: {  	s16 =	smov.u32 s10;
	s15 =	smov.u32 s12;
	_ =	swait.ge @!p1 [sflag:s19], $0x4000  }
0x23: {  	p0 =	por !p0, !p0;
	[sflag:s19] =	ssyncset.done @!p1 $0x0;
	s10 =	smov.u32 s17  }
0x24: {  	s18 =	smov.u32 @p3 s2;
	s14 =	smov.u32 s11;
	[sflag:s19] =	ssyncadd.s32 @!p1 $0xFFFFC000  }
0x25: {  	s11 =	smov.u32 s18;
	s13 =	sadd.s32 $0x1, s13;
	s12 =	smov.u32 s20  }
.LBB1_1:
0x26: {  	p1 =	sge.u32 s13, s7  }
0x27: {  	s31 =	sadd.s32 $0xFFFFFFFF, s13;
	s17 =	sshll.u32 @!p1 s11, $0x7  }
0x28: {  	s18 =	sxor.u32 @!p1 $0xFFFFFFFF, s13;
	s19 =	sand.u32 @!p1 $0x78, s10;
	s20 =	sand.u32 @!p1 $0x380, s17  }
0x29: {  	s18 =	sshll.u32 @!p1 s18, $0xE;
	s19 =	sor.u32 @!p1 s19, s20;
	s20 =	sshll.u32 @!p1 s12, $0x11  }
0x2a: {  	s17 =	sand.u32 @!p1 $0x1FC00, s17;
	s19 =	sshrl.u32 @!p1 s19, $0x3;
	s20 =	sadd.s32 @!p1 s3, s20  }
0x2b: {  	s17 =	sadd.s32 @!p1 s10, s17;
	s19 =	sadd.s32 @!p1 s19, s20;
	s20 =	sand.u32 @!p1 $0x7, s10  }
0x2c: {  	s18 =	sand.u32 @!p1 $0x4000, s18;
	s17 =	sand.u32 @!p1 $0x1FF80, s17;
	s20 =	sshll.u32 @!p1 s20, $0x12  }
0x2d: {  	s17 =	sadd.s32 @!p1 s17, s19;
	s19 =	sor.u32 @!p1 $0x400, s20;
	s20 =	simm.s32 @!p1 $0x2000  }
0x2e: {  	[tilespmem:s18], [sflag:$0x1] =	stream.strided.gather @!p1 [hbm4b:s17+s19], $0x4000, s20, s19, $0x38;
	[tilespmem:$0x10100] =	vst v63  }
0x2f: {  	p1 =	sge.u32 s31, s7  }
.Ltmp2:
0x30: {  	_ = 	snop;
	(pc) =	sbr.rel @p1 .LBB1_5-.Ltmp2, $1  }
0x31: {  	_ =	sdelay $0x3  }
0x32: {  	s17 =	simm.s32 $0x1  }
0x33: {  	_ =	swait.ge [sflag:s6], $0x4000;
	s17 =	simm.s32 @!p0 $0x0  }
0x34: {  	[sflag:s6] =	ssyncset.done $0x0;
	s18 =	sshll.u32 s17, $0xE  }
0x35: {  	[sflag:s6] =	ssyncadd.s32 $0xFFFFC000;
	s20 =	sor.u32 $0x40, s18  }
0x36: {  	s17 =	smul.u32 $0x10200, s17;
	v0 =	vld [tilespmem:s20+$0x30]  }
0x37: {  	v3 =	vld [tilespmem:s20+$0xFFFFFFD0]  }
0x38: {  	s17 =	sshrl.u32 s17, $0x2;
	v4 =	vld [tilespmem:s20+$0xFFFFFFE0]  }
0x39: {  	v5 =	vld [tilespmem:s20+$0xFFFFFFF0];
	s18 =	sor.u32 $0x8000, s17  }
0x3a: {  	s31 =	sand.u32 $0x1, s13;
	v1 =	vld [tilespmem:s20+$0x0];
	s19 =	sadd.s32 $0x0, s18  }
0x3b: {  	v2 =	vld [tilespmem:s20+$0x10];
	s17 =	smul.u32 $0x10200, s31;
	[tilespmem:s19+$0x3870 ss:$0x81] =	vst.msk $0xffff, v0  }
0x3c: {  	[tilespmem:s19+$0x810 ss:$0x81] =	vst.msk $0xffff, v3;
	v3 =	vld [tilespmem:s20+$0x20]  }
0x3d: {  	s17 =	sshrl.u32 s17, $0x2;
	v0 =	vld [tilespmem:s20+$0xFFFFFFC0];
	[tilespmem:s19+$0x1020 ss:$0x81] =	vst.msk $0xffff, v4;
	s20 =	sadd.s32 $0x80, s20  }
0x3e: {  	s21 =	simm.s32 $0x4;
	s22 =	simm.s32 $0x8;
	s17 =	sor.u32 $0x8000, s17;
	[tilespmem:s19+$0x1830 ss:$0x81] =	vst.msk $0xffff, v5;
	v4 =	vld [tilespmem:s20+$0x30]  }
.LBB1_3:
0x3f: {  	p1 =	sne.s32 s22, $0x1FC;
	v5 =	vld [tilespmem:s20+$0xFFFFFFD0];
	[tilespmem:s19+$0x2040 ss:$0x81] =	vst.msk $0xffff, v1  }
0x40: {  	v6 =	vld [tilespmem:s20+$0xFFFFFFE0];
	[tilespmem:s19+$0x2850 ss:$0x81] =	vst.msk $0xffff, v2  }
0x41: {  	s23 =	sshra.s32 s21, $0x2;
	s21 =	smov.u32 s22;
	v7 =	vld [tilespmem:s20+$0xFFFFFFF0];
	[tilespmem:s19+$0x3060 ss:$0x81] =	vst.msk $0xffff, v3  }
.Ltmp3:
0x42: {  	v1 =	vld [tilespmem:s20+$0x0];
	[tilespmem:s19+$0x0 ss:$0x81] =	vst.msk $0xffff, v0;
	s19 =	sadd.s32 s23, s18;
	(pc) =	sbr.rel @p1 .LBB1_3-.Ltmp3, $4  }
0x43: {  	v2 =	vld [tilespmem:s20+$0x10];
	[tilespmem:s19+$0x3870 ss:$0x81] =	vst.msk $0xffff, v4  }
0x44: {  	[tilespmem:s19+$0x810 ss:$0x81] =	vst.msk $0xffff, v5;
	v3 =	vld [tilespmem:s20+$0x20]  }
0x45: {  	v0 =	vld [tilespmem:s20+$0xFFFFFFC0];
	[tilespmem:s19+$0x1020 ss:$0x81] =	vst.msk $0xffff, v6;
	s20 =	sadd.s32 $0x80, s20  }
0x46: {  	s22 =	sadd.s32 $0x4, s22;
	v4 =	vld [tilespmem:s20+$0x30];
	[tilespmem:s19+$0x1830 ss:$0x81] =	vst.msk $0xffff, v7  }
.Ltmp4:
0x47: {  	_ = 	snop;
	(pc) =	sbr.rel .LBB1_4-.Ltmp4, $1  }
0x48: {  	_ =	sdelay $0x3  }
.LBB1_6:
0x49: {  	_ =	sfence.sel $0x180000  }
0x4a: {  	s2 =	simm.s32 $0x1;
	[bflag:$0x0] =	sbarrier.arrive $0xFFFF  }
0x4b: {  	s31 =	simm.s32 $0x2;
	[sflag:s2] =	ssyncpa.u1 $0x1  }
0x4c: {  	[sflag:s31] =	ssyncpa.u1 $0x1  }
0x4d: {  	p0 =	sne.s32 s0, $0x0;
	_ =	strace $0x9000005C  }
0x4e: {  	s0 =	sadd.s32 @!p0 $0x100000, s1;
	[bflag:$0x2] =	sbarrier.arrive $0xFFFF  }
0x4f: {  	[sflag:s0] =	ssyncadd.tile.s32 @!p0 $0x1;
	_ =	shalt  }
.Lfunc_end1:
_tile_overlayer_lowered:
.L_overlay_start_2:
0x50: {  	(tag) =	ssettag $0x2  }
0x51: {  	s0 =	rddreg [dreg:$0x0];
	s2 =	stileid.u32  }
0x52: {  	s1 =	rddreg [dreg:$0x1];
	p0 =	sne.s32 s2, $0x0  }
0x53: {  	s3 =	rddreg [dreg:$0x2];
	[bflag:$0x3] =	sbarrier.arrive $0xFFFF;
	s2 =	simm.s32 @!p0 $0x1C01  }
0x54: {  	[timem:s3], [sflag:s2] =	dma.local @!p0 [hbm:s0], s1  }
0x55: {  	s0 =	simm.s32 @!p0 $0x1  }
0x56: {  	_ =	swait.ge @!p0 [sflag:s0], s1  }
0x57: {  	s1 =	ssub.s32 @!p0 $0x0, s1;
	[sflag:s0] =	ssyncset.done @!p0 $0x0  }
0x58: {  	[sflag:s0] =	ssyncadd.s32 @!p0 s1  }
0x59: {  	[bflag:$0x3] =	sbarrier.arrive $0xFFFF  }
0x5a: {  	_ =	shalt  }

// kernel: sparse-core-data-format-call.7.cloned.1.call-start
scs
called_computation.7_lowered:
.L_overlay_start_0:
0x0: {  	s1 =	sld [smem:$0x3FD9]  }
0x1: {  	s2 =	sld [smem:$0x3FFE];
	_ =	sdelay $0x1  }
0x2: {  	s3 =	srdreg.scid  }
0x3: {  	s0 =	sand.u32 $0x1, s3  }
0x4: {  	s17 =	sshll.u32 s0, $0xA;
	s1 =	sadd.s32 s2, s1  }
0x5: {  	s1 =	sadd.s32 s1, s17  }
0x6: {  	[smem:$0x3FB0] =	sst s1  }
0x7: {  	_ = 	snop  }
0x8: {  	(tm) =	ssettm $0x1  }
0x9: {  	s18 =	sld [smem:$0x3FFB];
	_ =	sdelay $0x3  }
0xa: {  	_ =	strace s18  }
0xb: {  	s1 =	sld [smem:$0x3FFC];
	_ =	sdelay $0x3  }
0xc: {  	_ =	strace s1  }
0xd: {  	s1 =	sld [smem:$0x3FFD];
	_ =	sdelay $0x3  }
0xe: {  	_ =	strace s1  }
0xf: {  	_ =	strace $0x8FFFFFFF  }
0x10: {  	s19 =	sld [smem:$0x3FDB];
	_ =	sdelay $0x1  }
0x11: {  	s20 =	simm.s32 $_scs_section_size  }
0x12: {  	s4 =	simm.s32 $_size__tile_overlayer_lowered;
	s5 =	simm.s32 $_tile_overlayer_lowered  }
0x13: {  	s23 =	simm.s32 $0x1BFF;
	s22 =	sshll.u32 s5, $0x1;
	s1 =	sadd.s32 s20, s19  }
0x14: {  	s6 =	simm.s32 $0x0;
	s21 =	sshll.u32 s4, $0x1;
	s4 =	sadd.s32 s22, s1  }
0x15: {  	[timem:s6], [sflag:s23] =	dma.local [hbm:s4], s21  }
0x16: {  	_ =	swait.ge [sflag:s23], s21  }
0x17: {  	s2 =	ssub.s32 $0x0, s21;
	[sflag:s23] =	ssyncset.done $0x0  }
0x18: {  	[sflag:s23] =	ssyncadd.s32 s2;
	_ =	sdelay $0x1  }
0x19: {  	s24 =	simm.s32 $0x1B8B  }
0x1a: {  	_ =	swait.ge [sflag:s24], $0x1  }
0x1b: {  	[sflag:s24] =	ssyncset.done $0x0  }
0x1c: {  	s26 =	simm.s32 $0x1B8E;
	s25 =	sld [smem:$0x3FFE];
	[sflag:s24] =	ssyncadd.s32 $0xFFFFFFFF  }
0x1d: {  	s27 =	simm.s32 $execute0_lowered;
	[smem:$0x3FD2] =	sst s26  }
0x1e: {  	s4 =	sshll.u32 s27, $0x1;
	_ =	strace $0x80000058;
	[dreg:$0x1] =	wrdreg $0xFFFFFFFF  }
0x1f: {  	s28 =	simm.s32 $_size_execute0_lowered;
	s1 =	sadd.s32 s1, s4;
	[dreg:$0x0] =	wrdreg $0x0  }
0x20: {  	s4 =	sshll.u32 s28, $0x1;
	[dreg:$0x2] =	wrdreg s1  }
0x21: {  	[dreg:$0x3] =	wrdreg s4  }
0x22: {  	[dreg:$0x4] =	wrdreg $0xC0  }
0x23: {  	_ =	task [dreg:s6], $0x5FFFF  }
0x24: {  	[dreg:$0x1] =	wrdreg $0xFFFFFFFF  }
0x25: {  	[dreg:$0x0] =	wrdreg $0x60  }
0x26: {  	[dreg:$0x2] =	wrdreg s25  }
0x27: {  	[dreg:$0x3] =	wrdreg $0x9  }
0x28: {  	_ =	task.clear_ibuf [dreg:s6], $0x4FFFF;
	_ =	strace $0x90000058  }
0x29: {  	s29 =	simm.s32 $0x9;
	_ =	strace $0x8000005A  }
0x2a: {  	_ =	swait.ge [sflag:s29], $0x1  }
0x2b: {  	[sflag:s29] =	ssyncadd.s32 $0xFFFFFFFF  }
0x2c: {  	_ =	strace $0x9000005A  }
0x2d: {  	_ =	sfence  }
0x2e: {  	s30 =	sld [smem:$0x0];
	_ =	sdelay $0x2  }
0x2f: {  	s31 =	sshll.u32 s3, $0xD;
	s3 =	sshrl.u32 s3, $0x2  }
0x30: {  	s2 =	sand.u32 $0x4000, s31;
	s1 =	sadd.s32 s3, s30  }
0x31: {  	s0 =	sor.u32 s2, s0;
	s1 =	sshll.u32 s1, $0x11  }
0x32: {  	s0 =	sor.u32 s1, s0  }
0x33: {  	s0 =	sadd.s32 $0x8F2B, s0  }
0x34: {  	[sflag:s0] =	ssyncadd.remote.s32 $0x1  }
0x35: {  	_ =	sfence.sel $0xFFFF  }
0x36: {  	[dreg:$0x0] =	wrdreg $0xFFFFFFFF;
	(pc) =	sbr.abs _section_cstart, $3  }
0x37: {  	[dreg:$0x1] =	wrdreg $0xFFFFFFFF  }
0x38: {  	_ =	task.clear_ibuf [dreg:s6], $0x2FFFF;
	_ =	strace $0x9FFFFFFF  }
0x39: {  	(tm) =	ssettm $0x7FFFFFFF  }
tec
execute0_lowered:
.L_overlay_start_1:
0x0: {  	(tag) =	ssettag $0x1  }
0x1: {  	s0 =	stileid.u32;
	s1 =	srdreg.scid  }
0x2: {  	s4 =	rddreg [dreg:$0x0];
	s7 =	simm.s32 $0x1;
	s31 =	simm.s32 $0x2  }
0x3: {  	s16 =	simm.s32 $0x0;
	s2 =	sshll.u32 s0, $0x4;
	s1 =	sshll.u32 s1, $0x8  }
0x4: {  	s9 =	simm.s32 $0x2000;
	s14 =	simm.s32 $0x0;
	s1 =	sor.u32 s2, s1  }
0x5: {  	s15 =	simm.s32 $0x0;
	s10 =	simm.s32 $0x0;
	s2 =	sand.u32 $0x180, s1  }
0x6: {  	s13 =	simm.s32 $0x0;
	s3 =	sadd.s32 $0x160000, s4;
	s5 =	ssub.s32 $0x400, s2  }
0x7: {  	s4 =	sadd.s32 $0x334A00, s4;
	s1 =	rddreg [dreg:$0x1];
	s6 =	sand.u32 $0x180, s5  }
.Ltmp0:
0x8: {  	_ =	strace $0x80000059;
	p0 =	sne.s32 s6, $0x0;
	(pc) =	sbr.rel .LBB1_1-.Ltmp0, $4  }
0x9: {  	s11 =	smov.u32 s2;
	s8 =	sshrl.u32 s5, $0x9;
	s7 =	simm.s32 @!p0 $0x0  }
0xa: {  	s5 =	sand.u32 $0x7, s0;
	s6 =	simm.s32 $0x1;
	s7 =	sadd.s32 s7, s8  }
0xb: {  	s12 =	smov.u32 s5;
	[sflag:s6] =	ssyncpa.u1 $0x0;
	s7 =	sshll.u32 s7, $0x3  }
0xc: {  	p0 =	por $0x0, $0x0;
	[sflag:s31] =	ssyncpa.u1 $0x0;
	s8 =	sor.u32 $0x1, s7  }
.LBB1_4:
0xd: {  	v5 =	vld [tilespmem:s20+$0xFFFFFFD0];
	[tilespmem:s19+$0x2040 ss:$0x81] =	vst.msk $0xffff, v1  }
0xe: {  	v58 =	vld [tilespmem:s20+$0xFFFFFFE0];
	[tilespmem:s19+$0x2850 ss:$0x81] =	vst.msk $0xffff, v2  }
0xf: {  	s21 =	sshra.s32 s21, $0x2;
	v59 =	vld [tilespmem:s20+$0xFFFFFFF0];
	[tilespmem:s19+$0x3060 ss:$0x81] =	vst.msk $0xffff, v3  }
0x10: {  	v60 =	vld [tilespmem:s20+$0x0];
	[tilespmem:s19+$0x0 ss:$0x81] =	vst.msk $0xffff, v0;
	s18 =	sadd.s32 s21, s18  }
0x11: {  	v61 =	vld [tilespmem:s20+$0x10];
	[tilespmem:s18+$0x3870 ss:$0x81] =	vst.msk $0xffff, v4  }
0x12: {  	v62 =	vld [tilespmem:s20+$0x20];
	s26 =	sshll.u32 s16, $0xA;
	s27 =	sshll.u32 s14, $0x3;
	[tilespmem:s18+$0x810 ss:$0x81] =	vst.msk $0xffff, v5  }
0x13: {  	v63 =	vld [tilespmem:s20+$0xFFFFFFC0];
	s29 =	sshll.u32 s16, $0x7;
	s30 =	sand.u32 $0x78, s14;
	s15 =	sshll.u32 s15, $0x11;
	[tilespmem:s18+$0x1020 ss:$0x81] =	vst.msk $0xffff, v58  }
0x14: {  	s19 =	sand.u32 $0xFE000, s26;
	s28 =	sand.u32 $0xFFC00, s27;
	s16 =	sand.u32 $0x380, s29;
	[tilespmem:s18+$0x1830 ss:$0x81] =	vst.msk $0xffff, v59  }
0x15: {  	s31 =	sand.u32 $0x7, s14;
	s19 =	sadd.s32 s28, s19;
	s16 =	sor.u32 s30, s16;
	[tilespmem:s18+$0x2040 ss:$0x81] =	vst.msk $0xffff, v60  }
0x16: {  	s15 =	sadd.s32 s4, s15;
	s19 =	sshrl.u32 s19, $0x3;
	s16 =	sshrl.u32 s16, $0x3;
	[tilespmem:s18+$0x2850 ss:$0x81] =	vst.msk $0xffff, v61  }
0x17: {  	s14 =	sshll.u32 s31, $0x12;
	s19 =	sand.u32 $0x1FF80, s19;
	s15 =	sadd.s32 s16, s15;
	[tilespmem:s18+$0x3060 ss:$0x81] =	vst.msk $0xffff, v62  }
0x18: {  	s14 =	sor.u32 $0x400, s14;
	[tilespmem:s18+$0x0 ss:$0x81] =	vst.msk $0xffff, v63;
	s15 =	sadd.s32 s19, s15  }
0x19: {  	[hbm4b:s15+s14] =	stream.strided.scatter [tilespmem:s17], [sflag:$0x2], $0x4000, s9, s14, $0x20;
	[tilespmem:$0x10100] =	vst v63  }
.LBB1_5:
0x1a: {  	s17 =	sadd.s32 $0x80, s10  }
0x1b: {  	s14 =	sadd.s32 $0x200, s11;
	s18 =	smov.u32 s11;
	p2 =	sgt.s32 s17, $0x3FF  }
0x1c: {  	s18 =	smov.u32 @p2 s14  }
0x1d: {  	s20 =	smov.u32 s12;
	s14 =	sadd.s32 $0x8, s12;
	p3 =	sgt.s32 s18, $0x3FF  }
0x1e: {  	s20 =	smov.u32 @p3 s14  }
0x1f: {  	s17 =	simm.s32 @p2 $0x0;
	p2 =	sgt.s32 s20, $0x7  }
0x20: {  	p1 =	slt.u32 s13, $0x2;
	s20 =	smov.u32 @p2 s5;
	p2 =	sne.s32 s13, s8  }
.Ltmp1:
0x21: {  	s19 =	simm.s32 @!p1 $0x2;
	(pc) =	sbr.rel @!p2 .LBB1_6-.Ltmp1, $4  }
0x22: {  	s16 =	smov.u32 s10;
	s15 =	smov.u32 s12;
	_ =	swait.ge @!p1 [sflag:s19], $0x4000  }
0x23: {  	p0 =	por !p0, !p0;
	[sflag:s19] =	ssyncset.done @!p1 $0x0;
	s10 =	smov.u32 s17  }
0x24: {  	s18 =	smov.u32 @p3 s2;
	s14 =	smov.u32 s11;
	[sflag:s19] =	ssyncadd.s32 @!p1 $0xFFFFC000  }
0x25: {  	s11 =	smov.u32 s18;
	s13 =	sadd.s32 $0x1, s13;
	s12 =	smov.u32 s20  }
.LBB1_1:
0x26: {  	p1 =	sge.u32 s13, s7  }
0x27: {  	s31 =	sadd.s32 $0xFFFFFFFF, s13;
	s17 =	sshll.u32 @!p1 s11, $0x7  }
0x28: {  	s18 =	sxor.u32 @!p1 $0xFFFFFFFF, s13;
	s19 =	sand.u32 @!p1 $0x78, s10;
	s20 =	sand.u32 @!p1 $0x380, s17  }
0x29: {  	s18 =	sshll.u32 @!p1 s18, $0xE;
	s19 =	sor.u32 @!p1 s19, s20;
	s20 =	sshll.u32 @!p1 s12, $0x11  }
0x2a: {  	s17 =	sand.u32 @!p1 $0x1FC00, s17;
	s19 =	sshrl.u32 @!p1 s19, $0x3;
	s20 =	sadd.s32 @!p1 s3, s20  }
0x2b: {  	s17 =	sadd.s32 @!p1 s10, s17;
	s19 =	sadd.s32 @!p1 s19, s20;
	s20 =	sand.u32 @!p1 $0x7, s10  }
0x2c: {  	s18 =	sand.u32 @!p1 $0x4000, s18;
	s17 =	sand.u32 @!p1 $0x1FF80, s17;
	s20 =	sshll.u32 @!p1 s20, $0x12  }
0x2d: {  	s17 =	sadd.s32 @!p1 s17, s19;
	s19 =	sor.u32 @!p1 $0x400, s20;
	s20 =	simm.s32 @!p1 $0x2000  }
0x2e: {  	[tilespmem:s18], [sflag:$0x1] =	stream.strided.gather @!p1 [hbm4b:s17+s19], $0x4000, s20, s19, $0x38;
	[tilespmem:$0x10100] =	vst v63  }
0x2f: {  	p1 =	sge.u32 s31, s7  }
.Ltmp2:
0x30: {  	_ = 	snop;
	(pc) =	sbr.rel @p1 .LBB1_5-.Ltmp2, $1  }
0x31: {  	_ =	sdelay $0x3  }
0x32: {  	s17 =	simm.s32 $0x1  }
0x33: {  	_ =	swait.ge [sflag:s6], $0x4000;
	s17 =	simm.s32 @!p0 $0x0  }
0x34: {  	[sflag:s6] =	ssyncset.done $0x0;
	s18 =	sshll.u32 s17, $0xE  }
0x35: {  	[sflag:s6] =	ssyncadd.s32 $0xFFFFC000;
	s20 =	sor.u32 $0x40, s18  }
0x36: {  	s17 =	smul.u32 $0x10200, s17;
	v0 =	vld [tilespmem:s20+$0x30]  }
0x37: {  	v3 =	vld [tilespmem:s20+$0xFFFFFFD0]  }
0x38: {  	s17 =	sshrl.u32 s17, $0x2;
	v4 =	vld [tilespmem:s20+$0xFFFFFFE0]  }
0x39: {  	v5 =	vld [tilespmem:s20+$0xFFFFFFF0];
	s18 =	sor.u32 $0x8000, s17  }
0x3a: {  	s31 =	sand.u32 $0x1, s13;
	v1 =	vld [tilespmem:s20+$0x0];
	s19 =	sadd.s32 $0x0, s18  }
0x3b: {  	v2 =	vld [tilespmem:s20+$0x10];
	s17 =	smul.u32 $0x10200, s31;
	[tilespmem:s19+$0x3870 ss:$0x81] =	vst.msk $0xffff, v0  }
0x3c: {  	[tilespmem:s19+$0x810 ss:$0x81] =	vst.msk $0xffff, v3;
	v3 =	vld [tilespmem:s20+$0x20]  }
0x3d: {  	s17 =	sshrl.u32 s17, $0x2;
	v0 =	vld [tilespmem:s20+$0xFFFFFFC0];
	[tilespmem:s19+$0x1020 ss:$0x81] =	vst.msk $0xffff, v4;
	s20 =	sadd.s32 $0x80, s20  }
0x3e: {  	s21 =	simm.s32 $0x4;
	s22 =	simm.s32 $0x8;
	s17 =	sor.u32 $0x8000, s17;
	[tilespmem:s19+$0x1830 ss:$0x81] =	vst.msk $0xffff, v5;
	v4 =	vld [tilespmem:s20+$0x30]  }
.LBB1_3:
0x3f: {  	p1 =	sne.s32 s22, $0x1FC;
	v5 =	vld [tilespmem:s20+$0xFFFFFFD0];
	[tilespmem:s19+$0x2040 ss:$0x81] =	vst.msk $0xffff, v1  }
0x40: {  	v6 =	vld [tilespmem:s20+$0xFFFFFFE0];
	[tilespmem:s19+$0x2850 ss:$0x81] =	vst.msk $0xffff, v2  }
0x41: {  	s23 =	sshra.s32 s21, $0x2;
	s21 =	smov.u32 s22;
	v7 =	vld [tilespmem:s20+$0xFFFFFFF0];
	[tilespmem:s19+$0x3060 ss:$0x81] =	vst.msk $0xffff, v3  }
.Ltmp3:
0x42: {  	v1 =	vld [tilespmem:s20+$0x0];
	[tilespmem:s19+$0x0 ss:$0x81] =	vst.msk $0xffff, v0;
	s19 =	sadd.s32 s23, s18;
	(pc) =	sbr.rel @p1 .LBB1_3-.Ltmp3, $4  }
0x43: {  	v2 =	vld [tilespmem:s20+$0x10];
	[tilespmem:s19+$0x3870 ss:$0x81] =	vst.msk $0xffff, v4  }
0x44: {  	[tilespmem:s19+$0x810 ss:$0x81] =	vst.msk $0xffff, v5;
	v3 =	vld [tilespmem:s20+$0x20]  }
0x45: {  	v0 =	vld [tilespmem:s20+$0xFFFFFFC0];
	[tilespmem:s19+$0x1020 ss:$0x81] =	vst.msk $0xffff, v6;
	s20 =	sadd.s32 $0x80, s20  }
0x46: {  	s22 =	sadd.s32 $0x4, s22;
	v4 =	vld [tilespmem:s20+$0x30];
	[tilespmem:s19+$0x1830 ss:$0x81] =	vst.msk $0xffff, v7  }
.Ltmp4:
0x47: {  	_ = 	snop;
	(pc) =	sbr.rel .LBB1_4-.Ltmp4, $1  }
0x48: {  	_ =	sdelay $0x3  }
.LBB1_6:
0x49: {  	_ =	sfence.sel $0x180000  }
0x4a: {  	s2 =	simm.s32 $0x1;
	[bflag:$0x0] =	sbarrier.arrive $0xFFFF  }
0x4b: {  	s31 =	simm.s32 $0x2;
	[sflag:s2] =	ssyncpa.u1 $0x1  }
0x4c: {  	[sflag:s31] =	ssyncpa.u1 $0x1  }
0x4d: {  	p0 =	sne.s32 s0, $0x0;
	_ =	strace $0x90000059  }
0x4e: {  	s0 =	sadd.s32 @!p0 $0x100000, s1;
	[bflag:$0x2] =	sbarrier.arrive $0xFFFF  }
0x4f: {  	[sflag:s0] =	ssyncadd.tile.s32 @!p0 $0x1;
	_ =	shalt  }
.Lfunc_end1:
_tile_overlayer_lowered:
.L_overlay_start_2:
0x50: {  	(tag) =	ssettag $0x2  }
0x51: {  	s0 =	rddreg [dreg:$0x0];
	s2 =	stileid.u32  }
0x52: {  	s1 =	rddreg [dreg:$0x1];
	p0 =	sne.s32 s2, $0x0  }
0x53: {  	s3 =	rddreg [dreg:$0x2];
	[bflag:$0x3] =	sbarrier.arrive $0xFFFF;
	s2 =	simm.s32 @!p0 $0x1C01  }
0x54: {  	[timem:s3], [sflag:s2] =	dma.local @!p0 [hbm:s0], s1  }
0x55: {  	s0 =	simm.s32 @!p0 $0x1  }
0x56: {  	_ =	swait.ge @!p0 [sflag:s0], s1  }
0x57: {  	s1 =	ssub.s32 @!p0 $0x0, s1;
	[sflag:s0] =	ssyncset.done @!p0 $0x0  }
0x58: {  	[sflag:s0] =	ssyncadd.s32 @!p0 s1  }
0x59: {  	[bflag:$0x3] =	sbarrier.arrive $0xFFFF  }
0x5a: {  	_ =	shalt  }

// kernel: sparse-core-data-format-call.8.cloned.1.call-start
scs
called_computation.8_lowered:
.L_overlay_start_0:
0x0: {  	s1 =	sld [smem:$0x3FD9]  }
0x1: {  	s2 =	sld [smem:$0x3FFE];
	_ =	sdelay $0x1  }
0x2: {  	s3 =	srdreg.scid  }
0x3: {  	s0 =	sand.u32 $0x1, s3  }
0x4: {  	s17 =	sshll.u32 s0, $0xA;
	s1 =	sadd.s32 s2, s1  }
0x5: {  	s1 =	sadd.s32 s1, s17  }
0x6: {  	[smem:$0x3FB0] =	sst s1  }
0x7: {  	_ = 	snop  }
0x8: {  	(tm) =	ssettm $0x1  }
0x9: {  	s18 =	sld [smem:$0x3FFB];
	_ =	sdelay $0x3  }
0xa: {  	_ =	strace s18  }
0xb: {  	s1 =	sld [smem:$0x3FFC];
	_ =	sdelay $0x3  }
0xc: {  	_ =	strace s1  }
0xd: {  	s1 =	sld [smem:$0x3FFD];
	_ =	sdelay $0x3  }
0xe: {  	_ =	strace s1  }
0xf: {  	_ =	strace $0x8FFFFFFF  }
0x10: {  	s19 =	sld [smem:$0x3FDB];
	_ =	sdelay $0x1  }
0x11: {  	s20 =	simm.s32 $_scs_section_size  }
0x12: {  	s4 =	simm.s32 $_size__tile_overlayer_lowered;
	s5 =	simm.s32 $_tile_overlayer_lowered  }
0x13: {  	s23 =	simm.s32 $0x1BFF;
	s22 =	sshll.u32 s5, $0x1;
	s1 =	sadd.s32 s20, s19  }
0x14: {  	s6 =	simm.s32 $0x0;
	s21 =	sshll.u32 s4, $0x1;
	s4 =	sadd.s32 s22, s1  }
0x15: {  	[timem:s6], [sflag:s23] =	dma.local [hbm:s4], s21  }
0x16: {  	_ =	swait.ge [sflag:s23], s21  }
0x17: {  	s2 =	ssub.s32 $0x0, s21;
	[sflag:s23] =	ssyncset.done $0x0  }
0x18: {  	[sflag:s23] =	ssyncadd.s32 s2;
	_ =	sdelay $0x1  }
0x19: {  	s24 =	simm.s32 $0x1B8B  }
0x1a: {  	_ =	swait.ge [sflag:s24], $0x1  }
0x1b: {  	[sflag:s24] =	ssyncset.done $0x0  }
0x1c: {  	s26 =	simm.s32 $0x1B8E;
	s25 =	sld [smem:$0x3FFE];
	[sflag:s24] =	ssyncadd.s32 $0xFFFFFFFF  }
0x1d: {  	s27 =	simm.s32 $execute0_lowered;
	[smem:$0x3FD2] =	sst s26  }
0x1e: {  	s4 =	sshll.u32 s27, $0x1;
	_ =	strace $0x80000055;
	[dreg:$0x1] =	wrdreg $0xFFFFFFFF  }
0x1f: {  	s28 =	simm.s32 $_size_execute0_lowered;
	s1 =	sadd.s32 s1, s4;
	[dreg:$0x0] =	wrdreg $0x0  }
0x20: {  	s4 =	sshll.u32 s28, $0x1;
	[dreg:$0x2] =	wrdreg s1  }
0x21: {  	[dreg:$0x3] =	wrdreg s4  }
0x22: {  	[dreg:$0x4] =	wrdreg $0xC0  }
0x23: {  	_ =	task [dreg:s6], $0x5FFFF  }
0x24: {  	[dreg:$0x1] =	wrdreg $0xFFFFFFFF  }
0x25: {  	[dreg:$0x0] =	wrdreg $0x60  }
0x26: {  	[dreg:$0x2] =	wrdreg s25  }
0x27: {  	[dreg:$0x3] =	wrdreg $0x9  }
0x28: {  	_ =	task.clear_ibuf [dreg:s6], $0x4FFFF;
	_ =	strace $0x90000055  }
0x29: {  	s29 =	simm.s32 $0x9;
	_ =	strace $0x80000057  }
0x2a: {  	_ =	swait.ge [sflag:s29], $0x1  }
0x2b: {  	[sflag:s29] =	ssyncadd.s32 $0xFFFFFFFF  }
0x2c: {  	_ =	strace $0x90000057  }
0x2d: {  	_ =	sfence  }
0x2e: {  	s30 =	sld [smem:$0x0];
	_ =	sdelay $0x2  }
0x2f: {  	s31 =	sshll.u32 s3, $0xD;
	s3 =	sshrl.u32 s3, $0x2  }
0x30: {  	s2 =	sand.u32 $0x4000, s31;
	s1 =	sadd.s32 s3, s30  }
0x31: {  	s0 =	sor.u32 s2, s0;
	s1 =	sshll.u32 s1, $0x11  }
0x32: {  	s0 =	sor.u32 s1, s0  }
0x33: {  	s0 =	sadd.s32 $0x8F2B, s0  }
0x34: {  	[sflag:s0] =	ssyncadd.remote.s32 $0x1  }
0x35: {  	_ =	sfence.sel $0xFFFF  }
0x36: {  	[dreg:$0x0] =	wrdreg $0xFFFFFFFF;
	(pc) =	sbr.abs _section_cstart, $3  }
0x37: {  	[dreg:$0x1] =	wrdreg $0xFFFFFFFF  }
0x38: {  	_ =	task.clear_ibuf [dreg:s6], $0x2FFFF;
	_ =	strace $0x9FFFFFFF  }
0x39: {  	(tm) =	ssettm $0x7FFFFFFF  }
tec
execute0_lowered:
.L_overlay_start_1:
0x0: {  	(tag) =	ssettag $0x1  }
0x1: {  	s0 =	stileid.u32;
	s1 =	srdreg.scid  }
0x2: {  	s4 =	rddreg [dreg:$0x0];
	s7 =	simm.s32 $0x1;
	s31 =	simm.s32 $0x2  }
0x3: {  	s16 =	simm.s32 $0x0;
	s2 =	sshll.u32 s0, $0x4;
	s1 =	sshll.u32 s1, $0x8  }
0x4: {  	s9 =	simm.s32 $0x2000;
	s14 =	simm.s32 $0x0;
	s1 =	sor.u32 s2, s1  }
0x5: {  	s15 =	simm.s32 $0x0;
	s10 =	simm.s32 $0x0;
	s2 =	sand.u32 $0x180, s1  }
0x6: {  	s13 =	simm.s32 $0x0;
	s3 =	sadd.s32 $0x150000, s4;
	s5 =	ssub.s32 $0x400, s2  }
0x7: {  	s4 =	sadd.s32 $0x334A00, s4;
	s1 =	rddreg [dreg:$0x1];
	s6 =	sand.u32 $0x180, s5  }
.Ltmp0:
0x8: {  	_ =	strace $0x80000056;
	p0 =	sne.s32 s6, $0x0;
	(pc) =	sbr.rel .LBB1_1-.Ltmp0, $4  }
0x9: {  	s11 =	smov.u32 s2;
	s8 =	sshrl.u32 s5, $0x9;
	s7 =	simm.s32 @!p0 $0x0  }
0xa: {  	s5 =	sand.u32 $0x7, s0;
	s6 =	simm.s32 $0x1;
	s7 =	sadd.s32 s7, s8  }
0xb: {  	s12 =	smov.u32 s5;
	[sflag:s6] =	ssyncpa.u1 $0x0;
	s7 =	sshll.u32 s7, $0x3  }
0xc: {  	p0 =	por $0x0, $0x0;
	[sflag:s31] =	ssyncpa.u1 $0x0;
	s8 =	sor.u32 $0x1, s7  }
.LBB1_4:
0xd: {  	v5 =	vld [tilespmem:s20+$0xFFFFFFD0];
	[tilespmem:s19+$0x2040 ss:$0x81] =	vst.msk $0xffff, v1  }
0xe: {  	v58 =	vld [tilespmem:s20+$0xFFFFFFE0];
	[tilespmem:s19+$0x2850 ss:$0x81] =	vst.msk $0xffff, v2  }
0xf: {  	s21 =	sshra.s32 s21, $0x2;
	v59 =	vld [tilespmem:s20+$0xFFFFFFF0];
	[tilespmem:s19+$0x3060 ss:$0x81] =	vst.msk $0xffff, v3  }
0x10: {  	v60 =	vld [tilespmem:s20+$0x0];
	[tilespmem:s19+$0x0 ss:$0x81] =	vst.msk $0xffff, v0;
	s18 =	sadd.s32 s21, s18  }
0x11: {  	v61 =	vld [tilespmem:s20+$0x10];
	[tilespmem:s18+$0x3870 ss:$0x81] =	vst.msk $0xffff, v4  }
0x12: {  	v62 =	vld [tilespmem:s20+$0x20];
	s26 =	sshll.u32 s16, $0xA;
	s27 =	sshll.u32 s14, $0x3;
	[tilespmem:s18+$0x810 ss:$0x81] =	vst.msk $0xffff, v5  }
0x13: {  	v63 =	vld [tilespmem:s20+$0xFFFFFFC0];
	s29 =	sshll.u32 s16, $0x7;
	s30 =	sand.u32 $0x78, s14;
	s15 =	sshll.u32 s15, $0x11;
	[tilespmem:s18+$0x1020 ss:$0x81] =	vst.msk $0xffff, v58  }
0x14: {  	s19 =	sand.u32 $0xFE000, s26;
	s28 =	sand.u32 $0xFFC00, s27;
	s16 =	sand.u32 $0x380, s29;
	[tilespmem:s18+$0x1830 ss:$0x81] =	vst.msk $0xffff, v59  }
0x15: {  	s31 =	sand.u32 $0x7, s14;
	s19 =	sadd.s32 s28, s19;
	s16 =	sor.u32 s30, s16;
	[tilespmem:s18+$0x2040 ss:$0x81] =	vst.msk $0xffff, v60  }
0x16: {  	s15 =	sadd.s32 s4, s15;
	s19 =	sshrl.u32 s19, $0x3;
	s16 =	sshrl.u32 s16, $0x3;
	[tilespmem:s18+$0x2850 ss:$0x81] =	vst.msk $0xffff, v61  }
0x17: {  	s14 =	sshll.u32 s31, $0x12;
	s19 =	sand.u32 $0x1FF80, s19;
	s15 =	sadd.s32 s16, s15;
	[tilespmem:s18+$0x3060 ss:$0x81] =	vst.msk $0xffff, v62  }
0x18: {  	s14 =	sor.u32 $0x400, s14;
	[tilespmem:s18+$0x0 ss:$0x81] =	vst.msk $0xffff, v63;
	s15 =	sadd.s32 s19, s15  }
0x19: {  	[hbm4b:s15+s14] =	stream.strided.scatter [tilespmem:s17], [sflag:$0x2], $0x4000, s9, s14, $0x20;
	[tilespmem:$0x10100] =	vst v63  }
.LBB1_5:
0x1a: {  	s17 =	sadd.s32 $0x80, s10  }
0x1b: {  	s14 =	sadd.s32 $0x200, s11;
	s18 =	smov.u32 s11;
	p2 =	sgt.s32 s17, $0x3FF  }
0x1c: {  	s18 =	smov.u32 @p2 s14  }
0x1d: {  	s20 =	smov.u32 s12;
	s14 =	sadd.s32 $0x8, s12;
	p3 =	sgt.s32 s18, $0x3FF  }
0x1e: {  	s20 =	smov.u32 @p3 s14  }
0x1f: {  	s17 =	simm.s32 @p2 $0x0;
	p2 =	sgt.s32 s20, $0x7  }
0x20: {  	p1 =	slt.u32 s13, $0x2;
	s20 =	smov.u32 @p2 s5;
	p2 =	sne.s32 s13, s8  }
.Ltmp1:
0x21: {  	s19 =	simm.s32 @!p1 $0x2;
	(pc) =	sbr.rel @!p2 .LBB1_6-.Ltmp1, $4  }
0x22: {  	s16 =	smov.u32 s10;
	s15 =	smov.u32 s12;
	_ =	swait.ge @!p1 [sflag:s19], $0x4000  }
0x23: {  	p0 =	por !p0, !p0;
	[sflag:s19] =	ssyncset.done @!p1 $0x0;
	s10 =	smov.u32 s17  }
0x24: {  	s18 =	smov.u32 @p3 s2;
	s14 =	smov.u32 s11;
	[sflag:s19] =	ssyncadd.s32 @!p1 $0xFFFFC000  }
0x25: {  	s11 =	smov.u32 s18;
	s13 =	sadd.s32 $0x1, s13;
	s12 =	smov.u32 s20  }
.LBB1_1:
0x26: {  	p1 =	sge.u32 s13, s7  }
0x27: {  	s31 =	sadd.s32 $0xFFFFFFFF, s13;
	s17 =	sshll.u32 @!p1 s11, $0x7  }
0x28: {  	s18 =	sxor.u32 @!p1 $0xFFFFFFFF, s13;
	s19 =	sand.u32 @!p1 $0x78, s10;
	s20 =	sand.u32 @!p1 $0x380, s17  }
0x29: {  	s18 =	sshll.u32 @!p1 s18, $0xE;
	s19 =	sor.u32 @!p1 s19, s20;
	s20 =	sshll.u32 @!p1 s12, $0x11  }
0x2a: {  	s17 =	sand.u32 @!p1 $0x1FC00, s17;
	s19 =	sshrl.u32 @!p1 s19, $0x3;
	s20 =	sadd.s32 @!p1 s3, s20  }
0x2b: {  	s17 =	sadd.s32 @!p1 s10, s17;
	s19 =	sadd.s32 @!p1 s19, s20;
	s20 =	sand.u32 @!p1 $0x7, s10  }
0x2c: {  	s18 =	sand.u32 @!p1 $0x4000, s18;
	s17 =	sand.u32 @!p1 $0x1FF80, s17;
	s20 =	sshll.u32 @!p1 s20, $0x12  }
0x2d: {  	s17 =	sadd.s32 @!p1 s17, s19;
	s19 =	sor.u32 @!p1 $0x400, s20;
	s20 =	simm.s32 @!p1 $0x2000  }
0x2e: {  	[tilespmem:s18], [sflag:$0x1] =	stream.strided.gather @!p1 [hbm4b:s17+s19], $0x4000, s20, s19, $0x38;
	[tilespmem:$0x10100] =	vst v63  }
0x2f: {  	p1 =	sge.u32 s31, s7  }
.Ltmp2:
0x30: {  	_ = 	snop;
	(pc) =	sbr.rel @p1 .LBB1_5-.Ltmp2, $1  }
0x31: {  	_ =	sdelay $0x3  }
0x32: {  	s17 =	simm.s32 $0x1  }
0x33: {  	_ =	swait.ge [sflag:s6], $0x4000;
	s17 =	simm.s32 @!p0 $0x0  }
0x34: {  	[sflag:s6] =	ssyncset.done $0x0;
	s18 =	sshll.u32 s17, $0xE  }
0x35: {  	[sflag:s6] =	ssyncadd.s32 $0xFFFFC000;
	s20 =	sor.u32 $0x40, s18  }
0x36: {  	s17 =	smul.u32 $0x10200, s17;
	v0 =	vld [tilespmem:s20+$0x30]  }
0x37: {  	v3 =	vld [tilespmem:s20+$0xFFFFFFD0]  }
0x38: {  	s17 =	sshrl.u32 s17, $0x2;
	v4 =	vld [tilespmem:s20+$0xFFFFFFE0]  }
0x39: {  	v5 =	vld [tilespmem:s20+$0xFFFFFFF0];
	s18 =	sor.u32 $0x8000, s17  }
0x3a: {  	s31 =	sand.u32 $0x1, s13;
	v1 =	vld [tilespmem:s20+$0x0];
	s19 =	sadd.s32 $0x0, s18  }
0x3b: {  	v2 =	vld [tilespmem:s20+$0x10];
	s17 =	smul.u32 $0x10200, s31;
	[tilespmem:s19+$0x3870 ss:$0x81] =	vst.msk $0xffff, v0  }
0x3c: {  	[tilespmem:s19+$0x810 ss:$0x81] =	vst.msk $0xffff, v3;
	v3 =	vld [tilespmem:s20+$0x20]  }
0x3d: {  	s17 =	sshrl.u32 s17, $0x2;
	v0 =	vld [tilespmem:s20+$0xFFFFFFC0];
	[tilespmem:s19+$0x1020 ss:$0x81] =	vst.msk $0xffff, v4;
	s20 =	sadd.s32 $0x80, s20  }
0x3e: {  	s21 =	simm.s32 $0x4;
	s22 =	simm.s32 $0x8;
	s17 =	sor.u32 $0x8000, s17;
	[tilespmem:s19+$0x1830 ss:$0x81] =	vst.msk $0xffff, v5;
	v4 =	vld [tilespmem:s20+$0x30]  }
.LBB1_3:
0x3f: {  	p1 =	sne.s32 s22, $0x1FC;
	v5 =	vld [tilespmem:s20+$0xFFFFFFD0];
	[tilespmem:s19+$0x2040 ss:$0x81] =	vst.msk $0xffff, v1  }
0x40: {  	v6 =	vld [tilespmem:s20+$0xFFFFFFE0];
	[tilespmem:s19+$0x2850 ss:$0x81] =	vst.msk $0xffff, v2  }
0x41: {  	s23 =	sshra.s32 s21, $0x2;
	s21 =	smov.u32 s22;
	v7 =	vld [tilespmem:s20+$0xFFFFFFF0];
	[tilespmem:s19+$0x3060 ss:$0x81] =	vst.msk $0xffff, v3  }
.Ltmp3:
0x42: {  	v1 =	vld [tilespmem:s20+$0x0];
	[tilespmem:s19+$0x0 ss:$0x81] =	vst.msk $0xffff, v0;
	s19 =	sadd.s32 s23, s18;
	(pc) =	sbr.rel @p1 .LBB1_3-.Ltmp3, $4  }
0x43: {  	v2 =	vld [tilespmem:s20+$0x10];
	[tilespmem:s19+$0x3870 ss:$0x81] =	vst.msk $0xffff, v4  }
0x44: {  	[tilespmem:s19+$0x810 ss:$0x81] =	vst.msk $0xffff, v5;
	v3 =	vld [tilespmem:s20+$0x20]  }
0x45: {  	v0 =	vld [tilespmem:s20+$0xFFFFFFC0];
	[tilespmem:s19+$0x1020 ss:$0x81] =	vst.msk $0xffff, v6;
	s20 =	sadd.s32 $0x80, s20  }
0x46: {  	s22 =	sadd.s32 $0x4, s22;
	v4 =	vld [tilespmem:s20+$0x30];
	[tilespmem:s19+$0x1830 ss:$0x81] =	vst.msk $0xffff, v7  }
.Ltmp4:
0x47: {  	_ = 	snop;
	(pc) =	sbr.rel .LBB1_4-.Ltmp4, $1  }
0x48: {  	_ =	sdelay $0x3  }
.LBB1_6:
0x49: {  	_ =	sfence.sel $0x180000  }
0x4a: {  	s2 =	simm.s32 $0x1;
	[bflag:$0x0] =	sbarrier.arrive $0xFFFF  }
0x4b: {  	s31 =	simm.s32 $0x2;
	[sflag:s2] =	ssyncpa.u1 $0x1  }
0x4c: {  	[sflag:s31] =	ssyncpa.u1 $0x1  }
0x4d: {  	p0 =	sne.s32 s0, $0x0;
	_ =	strace $0x90000056  }
0x4e: {  	s0 =	sadd.s32 @!p0 $0x100000, s1;
	[bflag:$0x2] =	sbarrier.arrive $0xFFFF  }
0x4f: {  	[sflag:s0] =	ssyncadd.tile.s32 @!p0 $0x1;
	_ =	shalt  }
.Lfunc_end1:
_tile_overlayer_lowered:
.L_overlay_start_2:
0x50: {  	(tag) =	ssettag $0x2  }
0x51: {  	s0 =	rddreg [dreg:$0x0];
	s2 =	stileid.u32  }
0x52: {  	s1 =	rddreg [dreg:$0x1];
	p0 =	sne.s32 s2, $0x0  }
0x53: {  	s3 =	rddreg [dreg:$0x2];
	[bflag:$0x3] =	sbarrier.arrive $0xFFFF;
	s2 =	simm.s32 @!p0 $0x1C01  }
0x54: {  	[timem:s3], [sflag:s2] =	dma.local @!p0 [hbm:s0], s1  }
0x55: {  	s0 =	simm.s32 @!p0 $0x1  }
0x56: {  	_ =	swait.ge @!p0 [sflag:s0], s1  }
0x57: {  	s1 =	ssub.s32 @!p0 $0x0, s1;
	[sflag:s0] =	ssyncset.done @!p0 $0x0  }
0x58: {  	[sflag:s0] =	ssyncadd.s32 @!p0 s1  }
0x59: {  	[bflag:$0x3] =	sbarrier.arrive $0xFFFF  }
0x5a: {  	_ =	shalt  }

// kernel: sparse-core-data-format-call.9.cloned.1.call-start
scs
called_computation.9_lowered:
.L_overlay_start_0:
0x0: {  	s1 =	sld [smem:$0x3FD9]  }
0x1: {  	s2 =	sld [smem:$0x3FFE];
	_ =	sdelay $0x1  }
0x2: {  	s3 =	srdreg.scid  }
0x3: {  	s0 =	sand.u32 $0x1, s3  }
0x4: {  	s17 =	sshll.u32 s0, $0xA;
	s1 =	sadd.s32 s2, s1  }
0x5: {  	s1 =	sadd.s32 s1, s17  }
0x6: {  	[smem:$0x3FB0] =	sst s1  }
0x7: {  	_ = 	snop  }
0x8: {  	(tm) =	ssettm $0x1  }
0x9: {  	s18 =	sld [smem:$0x3FFB];
	_ =	sdelay $0x3  }
0xa: {  	_ =	strace s18  }
0xb: {  	s1 =	sld [smem:$0x3FFC];
	_ =	sdelay $0x3  }
0xc: {  	_ =	strace s1  }
0xd: {  	s1 =	sld [smem:$0x3FFD];
	_ =	sdelay $0x3  }
0xe: {  	_ =	strace s1  }
0xf: {  	_ =	strace $0x8FFFFFFF  }
0x10: {  	s19 =	sld [smem:$0x3FDB];
	_ =	sdelay $0x1  }
0x11: {  	s20 =	simm.s32 $_scs_section_size  }
0x12: {  	s4 =	simm.s32 $_size__tile_overlayer_lowered;
	s5 =	simm.s32 $_tile_overlayer_lowered  }
0x13: {  	s23 =	simm.s32 $0x1BFF;
	s22 =	sshll.u32 s5, $0x1;
	s1 =	sadd.s32 s20, s19  }
0x14: {  	s6 =	simm.s32 $0x0;
	s21 =	sshll.u32 s4, $0x1;
	s4 =	sadd.s32 s22, s1  }
0x15: {  	[timem:s6], [sflag:s23] =	dma.local [hbm:s4], s21  }
0x16: {  	_ =	swait.ge [sflag:s23], s21  }
0x17: {  	s2 =	ssub.s32 $0x0, s21;
	[sflag:s23] =	ssyncset.done $0x0  }
0x18: {  	[sflag:s23] =	ssyncadd.s32 s2;
	_ =	sdelay $0x1  }
0x19: {  	s24 =	simm.s32 $0x1B8B  }
0x1a: {  	_ =	swait.ge [sflag:s24], $0x1  }
0x1b: {  	[sflag:s24] =	ssyncset.done $0x0  }
0x1c: {  	s26 =	simm.s32 $0x1B8E;
	s25 =	sld [smem:$0x3FFE];
	[sflag:s24] =	ssyncadd.s32 $0xFFFFFFFF  }
0x1d: {  	s27 =	simm.s32 $execute0_lowered;
	[smem:$0x3FD2] =	sst s26  }
0x1e: {  	s4 =	sshll.u32 s27, $0x1;
	_ =	strace $0x80000052;
	[dreg:$0x1] =	wrdreg $0xFFFFFFFF  }
0x1f: {  	s28 =	simm.s32 $_size_execute0_lowered;
	s1 =	sadd.s32 s1, s4;
	[dreg:$0x0] =	wrdreg $0x0  }
0x20: {  	s4 =	sshll.u32 s28, $0x1;
	[dreg:$0x2] =	wrdreg s1  }
0x21: {  	[dreg:$0x3] =	wrdreg s4  }
0x22: {  	[dreg:$0x4] =	wrdreg $0xC0  }
0x23: {  	_ =	task [dreg:s6], $0x5FFFF  }
0x24: {  	[dreg:$0x1] =	wrdreg $0xFFFFFFFF  }
0x25: {  	[dreg:$0x0] =	wrdreg $0x60  }
0x26: {  	[dreg:$0x2] =	wrdreg s25  }
0x27: {  	[dreg:$0x3] =	wrdreg $0x9  }
0x28: {  	_ =	task.clear_ibuf [dreg:s6], $0x4FFFF;
	_ =	strace $0x90000052  }
0x29: {  	s29 =	simm.s32 $0x9;
	_ =	strace $0x80000054  }
0x2a: {  	_ =	swait.ge [sflag:s29], $0x1  }
0x2b: {  	[sflag:s29] =	ssyncadd.s32 $0xFFFFFFFF  }
0x2c: {  	_ =	strace $0x90000054  }
0x2d: {  	_ =	sfence  }
0x2e: {  	s30 =	sld [smem:$0x0];
	_ =	sdelay $0x2  }
0x2f: {  	s31 =	sshll.u32 s3, $0xD;
	s3 =	sshrl.u32 s3, $0x2  }
0x30: {  	s2 =	sand.u32 $0x4000, s31;
	s1 =	sadd.s32 s3, s30  }
0x31: {  	s0 =	sor.u32 s2, s0;
	s1 =	sshll.u32 s1, $0x11  }
0x32: {  	s0 =	sor.u32 s1, s0  }
0x33: {  	s0 =	sadd.s32 $0x8F2B, s0  }
0x34: {  	[sflag:s0] =	ssyncadd.remote.s32 $0x1  }
0x35: {  	_ =	sfence.sel $0xFFFF  }
0x36: {  	[dreg:$0x0] =	wrdreg $0xFFFFFFFF;
	(pc) =	sbr.abs _section_cstart, $3  }
0x37: {  	[dreg:$0x1] =	wrdreg $0xFFFFFFFF  }
0x38: {  	_ =	task.clear_ibuf [dreg:s6], $0x2FFFF;
	_ =	strace $0x9FFFFFFF  }
0x39: {  	(tm) =	ssettm $0x7FFFFFFF  }
tec
execute0_lowered:
.L_overlay_start_1:
0x0: {  	(tag) =	ssettag $0x1  }
0x1: {  	s0 =	stileid.u32;
	s1 =	srdreg.scid  }
0x2: {  	s4 =	rddreg [dreg:$0x0];
	s7 =	simm.s32 $0x1;
	s31 =	simm.s32 $0x2  }
0x3: {  	s16 =	simm.s32 $0x0;
	s2 =	sshll.u32 s0, $0x4;
	s1 =	sshll.u32 s1, $0x8  }
0x4: {  	s9 =	simm.s32 $0x2000;
	s14 =	simm.s32 $0x0;
	s1 =	sor.u32 s2, s1  }
0x5: {  	s15 =	simm.s32 $0x0;
	s10 =	simm.s32 $0x0;
	s2 =	sand.u32 $0x180, s1  }
0x6: {  	s13 =	simm.s32 $0x0;
	s3 =	sadd.s32 $0x140000, s4;
	s5 =	ssub.s32 $0x400, s2  }
0x7: {  	s4 =	sadd.s32 $0x334A00, s4;
	s1 =	rddreg [dreg:$0x1];
	s6 =	sand.u32 $0x180, s5  }
.Ltmp0:
0x8: {  	_ =	strace $0x80000053;
	p0 =	sne.s32 s6, $0x0;
	(pc) =	sbr.rel .LBB1_1-.Ltmp0, $4  }
0x9: {  	s11 =	smov.u32 s2;
	s8 =	sshrl.u32 s5, $0x9;
	s7 =	simm.s32 @!p0 $0x0  }
0xa: {  	s5 =	sand.u32 $0x7, s0;
	s6 =	simm.s32 $0x1;
	s7 =	sadd.s32 s7, s8  }
0xb: {  	s12 =	smov.u32 s5;
	[sflag:s6] =	ssyncpa.u1 $0x0;
	s7 =	sshll.u32 s7, $0x3  }
0xc: {  	p0 =	por $0x0, $0x0;
	[sflag:s31] =	ssyncpa.u1 $0x0;
	s8 =	sor.u32 $0x1, s7  }
.LBB1_4:
0xd: {  	v5 =	vld [tilespmem:s20+$0xFFFFFFD0];
	[tilespmem:s19+$0x2040 ss:$0x81] =	vst.msk $0xffff, v1  }
0xe: {  	v58 =	vld [tilespmem:s20+$0xFFFFFFE0];
	[tilespmem:s19+$0x2850 ss:$0x81] =	vst.msk $0xffff, v2  }
0xf: {  	s21 =	sshra.s32 s21, $0x2;
	v59 =	vld [tilespmem:s20+$0xFFFFFFF0];
	[tilespmem:s19+$0x3060 ss:$0x81] =	vst.msk $0xffff, v3  }
0x10: {  	v60 =	vld [tilespmem:s20+$0x0];
	[tilespmem:s19+$0x0 ss:$0x81] =	vst.msk $0xffff, v0;
	s18 =	sadd.s32 s21, s18  }
0x11: {  	v61 =	vld [tilespmem:s20+$0x10];
	[tilespmem:s18+$0x3870 ss:$0x81] =	vst.msk $0xffff, v4  }
0x12: {  	v62 =	vld [tilespmem:s20+$0x20];
	s26 =	sshll.u32 s16, $0xA;
	s27 =	sshll.u32 s14, $0x3;
	[tilespmem:s18+$0x810 ss:$0x81] =	vst.msk $0xffff, v5  }
0x13: {  	v63 =	vld [tilespmem:s20+$0xFFFFFFC0];
	s29 =	sshll.u32 s16, $0x7;
	s30 =	sand.u32 $0x78, s14;
	s15 =	sshll.u32 s15, $0x11;
	[tilespmem:s18+$0x1020 ss:$0x81] =	vst.msk $0xffff, v58  }
0x14: {  	s19 =	sand.u32 $0xFE000, s26;
	s28 =	sand.u32 $0xFFC00, s27;
	s16 =	sand.u32 $0x380, s29;
	[tilespmem:s18+$0x1830 ss:$0x81] =	vst.msk $0xffff, v59  }
0x15: {  	s31 =	sand.u32 $0x7, s14;
	s19 =	sadd.s32 s28, s19;
	s16 =	sor.u32 s30, s16;
	[tilespmem:s18+$0x2040 ss:$0x81] =	vst.msk $0xffff, v60  }
0x16: {  	s15 =	sadd.s32 s4, s15;
	s19 =	sshrl.u32 s19, $0x3;
	s16 =	sshrl.u32 s16, $0x3;
	[tilespmem:s18+$0x2850 ss:$0x81] =	vst.msk $0xffff, v61  }
0x17: {  	s14 =	sshll.u32 s31, $0x12;
	s19 =	sand.u32 $0x1FF80, s19;
	s15 =	sadd.s32 s16, s15;
	[tilespmem:s18+$0x3060 ss:$0x81] =	vst.msk $0xffff, v62  }
0x18: {  	s14 =	sor.u32 $0x400, s14;
	[tilespmem:s18+$0x0 ss:$0x81] =	vst.msk $0xffff, v63;
	s15 =	sadd.s32 s19, s15  }
0x19: {  	[hbm4b:s15+s14] =	stream.strided.scatter [tilespmem:s17], [sflag:$0x2], $0x4000, s9, s14, $0x20;
	[tilespmem:$0x10100] =	vst v63  }
.LBB1_5:
0x1a: {  	s17 =	sadd.s32 $0x80, s10  }
0x1b: {  	s14 =	sadd.s32 $0x200, s11;
	s18 =	smov.u32 s11;
	p2 =	sgt.s32 s17, $0x3FF  }
0x1c: {  	s18 =	smov.u32 @p2 s14  }
0x1d: {  	s20 =	smov.u32 s12;
	s14 =	sadd.s32 $0x8, s12;
	p3 =	sgt.s32 s18, $0x3FF  }
0x1e: {  	s20 =	smov.u32 @p3 s14  }
0x1f: {  	s17 =	simm.s32 @p2 $0x0;
	p2 =	sgt.s32 s20, $0x7  }
0x20: {  	p1 =	slt.u32 s13, $0x2;
	s20 =	smov.u32 @p2 s5;
	p2 =	sne.s32 s13, s8  }
.Ltmp1:
0x21: {  	s19 =	simm.s32 @!p1 $0x2;
	(pc) =	sbr.rel @!p2 .LBB1_6-.Ltmp1, $4  }
0x22: {  	s16 =	smov.u32 s10;
	s15 =	smov.u32 s12;
	_ =	swait.ge @!p1 [sflag:s19], $0x4000  }
0x23: {  	p0 =	por !p0, !p0;
	[sflag:s19] =	ssyncset.done @!p1 $0x0;
	s10 =	smov.u32 s17  }
0x24: {  	s18 =	smov.u32 @p3 s2;
	s14 =	smov.u32 s11;
	[sflag:s19] =	ssyncadd.s32 @!p1 $0xFFFFC000  }
0x25: {  	s11 =	smov.u32 s18;
	s13 =	sadd.s32 $0x1, s13;
	s12 =	smov.u32 s20  }
.LBB1_1:
0x26: {  	p1 =	sge.u32 s13, s7  }
0x27: {  	s31 =	sadd.s32 $0xFFFFFFFF, s13;
	s17 =	sshll.u32 @!p1 s11, $0x7  }
0x28: {  	s18 =	sxor.u32 @!p1 $0xFFFFFFFF, s13;
	s19 =	sand.u32 @!p1 $0x78, s10;
	s20 =	sand.u32 @!p1 $0x380, s17  }
0x29: {  	s18 =	sshll.u32 @!p1 s18, $0xE;
	s19 =	sor.u32 @!p1 s19, s20;
	s20 =	sshll.u32 @!p1 s12, $0x11  }
0x2a: {  	s17 =	sand.u32 @!p1 $0x1FC00, s17;
	s19 =	sshrl.u32 @!p1 s19, $0x3;
	s20 =	sadd.s32 @!p1 s3, s20  }
0x2b: {  	s17 =	sadd.s32 @!p1 s10, s17;
	s19 =	sadd.s32 @!p1 s19, s20;
	s20 =	sand.u32 @!p1 $0x7, s10  }
0x2c: {  	s18 =	sand.u32 @!p1 $0x4000, s18;
	s17 =	sand.u32 @!p1 $0x1FF80, s17;
	s20 =	sshll.u32 @!p1 s20, $0x12  }
0x2d: {  	s17 =	sadd.s32 @!p1 s17, s19;
	s19 =	sor.u32 @!p1 $0x400, s20;
	s20 =	simm.s32 @!p1 $0x2000  }
0x2e: {  	[tilespmem:s18], [sflag:$0x1] =	stream.strided.gather @!p1 [hbm4b:s17+s19], $0x4000, s20, s19, $0x38;
	[tilespmem:$0x10100] =	vst v63  }
0x2f: {  	p1 =	sge.u32 s31, s7  }
.Ltmp2:
0x30: {  	_ = 	snop;
	(pc) =	sbr.rel @p1 .LBB1_5-.Ltmp2, $1  }
0x31: {  	_ =	sdelay $0x3  }
0x32: {  	s17 =	simm.s32 $0x1  }
0x33: {  	_ =	swait.ge [sflag:s6], $0x4000;
	s17 =	simm.s32 @!p0 $0x0  }
0x34: {  	[sflag:s6] =	ssyncset.done $0x0;
	s18 =	sshll.u32 s17, $0xE  }
0x35: {  	[sflag:s6] =	ssyncadd.s32 $0xFFFFC000;
	s20 =	sor.u32 $0x40, s18  }
0x36: {  	s17 =	smul.u32 $0x10200, s17;
	v0 =	vld [tilespmem:s20+$0x30]  }
0x37: {  	v3 =	vld [tilespmem:s20+$0xFFFFFFD0]  }
0x38: {  	s17 =	sshrl.u32 s17, $0x2;
	v4 =	vld [tilespmem:s20+$0xFFFFFFE0]  }
0x39: {  	v5 =	vld [tilespmem:s20+$0xFFFFFFF0];
	s18 =	sor.u32 $0x8000, s17  }
0x3a: {  	s31 =	sand.u32 $0x1, s13;
	v1 =	vld [tilespmem:s20+$0x0];
	s19 =	sadd.s32 $0x0, s18  }
0x3b: {  	v2 =	vld [tilespmem:s20+$0x10];
	s17 =	smul.u32 $0x10200, s31;
	[tilespmem:s19+$0x3870 ss:$0x81] =	vst.msk $0xffff, v0  }
0x3c: {  	[tilespmem:s19+$0x810 ss:$0x81] =	vst.msk $0xffff, v3;
	v3 =	vld [tilespmem:s20+$0x20]  }
0x3d: {  	s17 =	sshrl.u32 s17, $0x2;
	v0 =	vld [tilespmem:s20+$0xFFFFFFC0];
	[tilespmem:s19+$0x1020 ss:$0x81] =	vst.msk $0xffff, v4;
	s20 =	sadd.s32 $0x80, s20  }
0x3e: {  	s21 =	simm.s32 $0x4;
	s22 =	simm.s32 $0x8;
	s17 =	sor.u32 $0x8000, s17;
	[tilespmem:s19+$0x1830 ss:$0x81] =	vst.msk $0xffff, v5;
	v4 =	vld [tilespmem:s20+$0x30]  }
.LBB1_3:
0x3f: {  	p1 =	sne.s32 s22, $0x1FC;
	v5 =	vld [tilespmem:s20+$0xFFFFFFD0];
	[tilespmem:s19+$0x2040 ss:$0x81] =	vst.msk $0xffff, v1  }
0x40: {  	v6 =	vld [tilespmem:s20+$0xFFFFFFE0];
	[tilespmem:s19+$0x2850 ss:$0x81] =	vst.msk $0xffff, v2  }
0x41: {  	s23 =	sshra.s32 s21, $0x2;
	s21 =	smov.u32 s22;
	v7 =	vld [tilespmem:s20+$0xFFFFFFF0];
	[tilespmem:s19+$0x3060 ss:$0x81] =	vst.msk $0xffff, v3  }
.Ltmp3:
0x42: {  	v1 =	vld [tilespmem:s20+$0x0];
	[tilespmem:s19+$0x0 ss:$0x81] =	vst.msk $0xffff, v0;
	s19 =	sadd.s32 s23, s18;
	(pc) =	sbr.rel @p1 .LBB1_3-.Ltmp3, $4  }
0x43: {  	v2 =	vld [tilespmem:s20+$0x10];
	[tilespmem:s19+$0x3870 ss:$0x81] =	vst.msk $0xffff, v4  }
0x44: {  	[tilespmem:s19+$0x810 ss:$0x81] =	vst.msk $0xffff, v5;
	v3 =	vld [tilespmem:s20+$0x20]  }
0x45: {  	v0 =	vld [tilespmem:s20+$0xFFFFFFC0];
	[tilespmem:s19+$0x1020 ss:$0x81] =	vst.msk $0xffff, v6;
	s20 =	sadd.s32 $0x80, s20  }
0x46: {  	s22 =	sadd.s32 $0x4, s22;
	v4 =	vld [tilespmem:s20+$0x30];
	[tilespmem:s19+$0x1830 ss:$0x81] =	vst.msk $0xffff, v7  }
.Ltmp4:
0x47: {  	_ = 	snop;
	(pc) =	sbr.rel .LBB1_4-.Ltmp4, $1  }
0x48: {  	_ =	sdelay $0x3  }
.LBB1_6:
0x49: {  	_ =	sfence.sel $0x180000  }
0x4a: {  	s2 =	simm.s32 $0x1;
	[bflag:$0x0] =	sbarrier.arrive $0xFFFF  }
0x4b: {  	s31 =	simm.s32 $0x2;
	[sflag:s2] =	ssyncpa.u1 $0x1  }
0x4c: {  	[sflag:s31] =	ssyncpa.u1 $0x1  }
0x4d: {  	p0 =	sne.s32 s0, $0x0;
	_ =	strace $0x90000053  }
0x4e: {  	s0 =	sadd.s32 @!p0 $0x100000, s1;
	[bflag:$0x2] =	sbarrier.arrive $0xFFFF  }
0x4f: {  	[sflag:s0] =	ssyncadd.tile.s32 @!p0 $0x1;
	_ =	shalt  }
.Lfunc_end1:
_tile_overlayer_lowered:
.L_overlay_start_2:
0x50: {  	(tag) =	ssettag $0x2  }
0x51: {  	s0 =	rddreg [dreg:$0x0];
	s2 =	stileid.u32  }
0x52: {  	s1 =	rddreg [dreg:$0x1];
	p0 =	sne.s32 s2, $0x0  }
0x53: {  	s3 =	rddreg [dreg:$0x2];
	[bflag:$0x3] =	sbarrier.arrive $0xFFFF;
	s2 =	simm.s32 @!p0 $0x1C01  }
0x54: {  	[timem:s3], [sflag:s2] =	dma.local @!p0 [hbm:s0], s1  }
0x55: {  	s0 =	simm.s32 @!p0 $0x1  }
0x56: {  	_ =	swait.ge @!p0 [sflag:s0], s1  }
0x57: {  	s1 =	ssub.s32 @!p0 $0x0, s1;
	[sflag:s0] =	ssyncset.done @!p0 $0x0  }
0x58: {  	[sflag:s0] =	ssyncadd.s32 @!p0 s1  }
0x59: {  	[bflag:$0x3] =	sbarrier.arrive $0xFFFF  }
0x5a: {  	_ =	shalt  }

// kernel: sparse-core-data-format-call.cloned.1.call-start
scs
called_computation_lowered:
.L_overlay_start_0:
0x0: {  	s1 =	sld [smem:$0x3FD9]  }
0x1: {  	s2 =	sld [smem:$0x3FFE];
	_ =	sdelay $0x1  }
0x2: {  	s3 =	srdreg.scid  }
0x3: {  	s0 =	sand.u32 $0x1, s3  }
0x4: {  	s17 =	sshll.u32 s0, $0xA;
	s1 =	sadd.s32 s2, s1  }
0x5: {  	s1 =	sadd.s32 s1, s17  }
0x6: {  	[smem:$0x3FB0] =	sst s1  }
0x7: {  	_ = 	snop  }
0x8: {  	(tm) =	ssettm $0x1  }
0x9: {  	s18 =	sld [smem:$0x3FFB];
	_ =	sdelay $0x3  }
0xa: {  	_ =	strace s18  }
0xb: {  	s1 =	sld [smem:$0x3FFC];
	_ =	sdelay $0x3  }
0xc: {  	_ =	strace s1  }
0xd: {  	s1 =	sld [smem:$0x3FFD];
	_ =	sdelay $0x3  }
0xe: {  	_ =	strace s1  }
0xf: {  	_ =	strace $0x8FFFFFFF  }
0x10: {  	s19 =	sld [smem:$0x3FDB];
	_ =	sdelay $0x1  }
0x11: {  	s20 =	simm.s32 $_scs_section_size  }
0x12: {  	s4 =	simm.s32 $_size__tile_overlayer_lowered;
	s5 =	simm.s32 $_tile_overlayer_lowered  }
0x13: {  	s23 =	simm.s32 $0x1BFF;
	s22 =	sshll.u32 s5, $0x1;
	s1 =	sadd.s32 s20, s19  }
0x14: {  	s6 =	simm.s32 $0x0;
	s21 =	sshll.u32 s4, $0x1;
	s4 =	sadd.s32 s22, s1  }
0x15: {  	[timem:s6], [sflag:s23] =	dma.local [hbm:s4], s21  }
0x16: {  	_ =	swait.ge [sflag:s23], s21  }
0x17: {  	s2 =	ssub.s32 $0x0, s21;
	[sflag:s23] =	ssyncset.done $0x0  }
0x18: {  	[sflag:s23] =	ssyncadd.s32 s2;
	_ =	sdelay $0x1  }
0x19: {  	s24 =	simm.s32 $0x1B8B  }
0x1a: {  	_ =	swait.ge [sflag:s24], $0x1  }
0x1b: {  	[sflag:s24] =	ssyncset.done $0x0  }
0x1c: {  	s26 =	simm.s32 $0x1B8E;
	s25 =	sld [smem:$0x3FFE];
	[sflag:s24] =	ssyncadd.s32 $0xFFFFFFFF  }
0x1d: {  	s27 =	simm.s32 $execute0_lowered;
	[smem:$0x3FD2] =	sst s26  }
0x1e: {  	s4 =	sshll.u32 s27, $0x1;
	_ =	strace $0x8000006D;
	[dreg:$0x1] =	wrdreg $0xFFFFFFFF  }
0x1f: {  	s28 =	simm.s32 $_size_execute0_lowered;
	s1 =	sadd.s32 s1, s4;
	[dreg:$0x0] =	wrdreg $0x0  }
0x20: {  	s4 =	sshll.u32 s28, $0x1;
	[dreg:$0x2] =	wrdreg s1  }
0x21: {  	[dreg:$0x3] =	wrdreg s4  }
0x22: {  	[dreg:$0x4] =	wrdreg $0xC0  }
0x23: {  	_ =	task [dreg:s6], $0x5FFFF  }
0x24: {  	[dreg:$0x1] =	wrdreg $0xFFFFFFFF  }
0x25: {  	[dreg:$0x0] =	wrdreg $0x60  }
0x26: {  	[dreg:$0x2] =	wrdreg s25  }
0x27: {  	[dreg:$0x3] =	wrdreg $0x9  }
0x28: {  	_ =	task.clear_ibuf [dreg:s6], $0x4FFFF;
	_ =	strace $0x9000006D  }
0x29: {  	s29 =	simm.s32 $0x9;
	_ =	strace $0x8000006F  }
0x2a: {  	_ =	swait.ge [sflag:s29], $0x1  }
0x2b: {  	[sflag:s29] =	ssyncadd.s32 $0xFFFFFFFF  }
0x2c: {  	_ =	strace $0x9000006F  }
0x2d: {  	_ =	sfence  }
0x2e: {  	s30 =	sld [smem:$0x0];
	_ =	sdelay $0x2  }
0x2f: {  	s31 =	sshll.u32 s3, $0xD;
	s3 =	sshrl.u32 s3, $0x2  }
0x30: {  	s2 =	sand.u32 $0x4000, s31;
	s1 =	sadd.s32 s3, s30  }
0x31: {  	s0 =	sor.u32 s2, s0;
	s1 =	sshll.u32 s1, $0x11  }
0x32: {  	s0 =	sor.u32 s1, s0  }
0x33: {  	s0 =	sadd.s32 $0x8F2B, s0  }
0x34: {  	[sflag:s0] =	ssyncadd.remote.s32 $0x1  }
0x35: {  	_ =	sfence.sel $0xFFFF  }
0x36: {  	[dreg:$0x0] =	wrdreg $0xFFFFFFFF;
	(pc) =	sbr.abs _section_cstart, $3  }
0x37: {  	[dreg:$0x1] =	wrdreg $0xFFFFFFFF  }
0x38: {  	_ =	task.clear_ibuf [dreg:s6], $0x2FFFF;
	_ =	strace $0x9FFFFFFF  }
0x39: {  	(tm) =	ssettm $0x7FFFFFFF  }
tec
execute0_lowered:
.L_overlay_start_1:
0x0: {  	(tag) =	ssettag $0x1  }
0x1: {  	s0 =	stileid.u32;
	s1 =	srdreg.scid  }
0x2: {  	s4 =	rddreg [dreg:$0x0];
	s7 =	simm.s32 $0x1;
	s31 =	simm.s32 $0x2  }
0x3: {  	s16 =	simm.s32 $0x0;
	s2 =	sshll.u32 s0, $0x4;
	s1 =	sshll.u32 s1, $0x8  }
0x4: {  	s9 =	simm.s32 $0x2000;
	s14 =	simm.s32 $0x0;
	s1 =	sor.u32 s2, s1  }
0x5: {  	s15 =	simm.s32 $0x0;
	s10 =	simm.s32 $0x0;
	s2 =	sand.u32 $0x180, s1  }
0x6: {  	s13 =	simm.s32 $0x0;
	s3 =	sadd.s32 $0x1B0000, s4;
	s5 =	ssub.s32 $0x400, s2  }
0x7: {  	s4 =	sadd.s32 $0x334A00, s4;
	s1 =	rddreg [dreg:$0x1];
	s6 =	sand.u32 $0x180, s5  }
.Ltmp0:
0x8: {  	_ =	strace $0x8000006E;
	p0 =	sne.s32 s6, $0x0;
	(pc) =	sbr.rel .LBB1_1-.Ltmp0, $4  }
0x9: {  	s11 =	smov.u32 s2;
	s8 =	sshrl.u32 s5, $0x9;
	s7 =	simm.s32 @!p0 $0x0  }
0xa: {  	s5 =	sand.u32 $0x7, s0;
	s6 =	simm.s32 $0x1;
	s7 =	sadd.s32 s7, s8  }
0xb: {  	s12 =	smov.u32 s5;
	[sflag:s6] =	ssyncpa.u1 $0x0;
	s7 =	sshll.u32 s7, $0x3  }
0xc: {  	p0 =	por $0x0, $0x0;
	[sflag:s31] =	ssyncpa.u1 $0x0;
	s8 =	sor.u32 $0x1, s7  }
.LBB1_4:
0xd: {  	v5 =	vld [tilespmem:s20+$0xFFFFFFD0];
	[tilespmem:s19+$0x2040 ss:$0x81] =	vst.msk $0xffff, v1  }
0xe: {  	v58 =	vld [tilespmem:s20+$0xFFFFFFE0];
	[tilespmem:s19+$0x2850 ss:$0x81] =	vst.msk $0xffff, v2  }
0xf: {  	s21 =	sshra.s32 s21, $0x2;
	v59 =	vld [tilespmem:s20+$0xFFFFFFF0];
	[tilespmem:s19+$0x3060 ss:$0x81] =	vst.msk $0xffff, v3  }
0x10: {  	v60 =	vld [tilespmem:s20+$0x0];
	[tilespmem:s19+$0x0 ss:$0x81] =	vst.msk $0xffff, v0;
	s18 =	sadd.s32 s21, s18  }
0x11: {  	v61 =	vld [tilespmem:s20+$0x10];
	[tilespmem:s18+$0x3870 ss:$0x81] =	vst.msk $0xffff, v4  }
0x12: {  	v62 =	vld [tilespmem:s20+$0x20];
	s26 =	sshll.u32 s16, $0xA;
	s27 =	sshll.u32 s14, $0x3;
	[tilespmem:s18+$0x810 ss:$0x81] =	vst.msk $0xffff, v5  }
0x13: {  	v63 =	vld [tilespmem:s20+$0xFFFFFFC0];
	s29 =	sshll.u32 s16, $0x7;
	s30 =	sand.u32 $0x78, s14;
	s15 =	sshll.u32 s15, $0x11;
	[tilespmem:s18+$0x1020 ss:$0x81] =	vst.msk $0xffff, v58  }
0x14: {  	s19 =	sand.u32 $0xFE000, s26;
	s28 =	sand.u32 $0xFFC00, s27;
	s16 =	sand.u32 $0x380, s29;
	[tilespmem:s18+$0x1830 ss:$0x81] =	vst.msk $0xffff, v59  }
0x15: {  	s31 =	sand.u32 $0x7, s14;
	s19 =	sadd.s32 s28, s19;
	s16 =	sor.u32 s30, s16;
	[tilespmem:s18+$0x2040 ss:$0x81] =	vst.msk $0xffff, v60  }
0x16: {  	s15 =	sadd.s32 s4, s15;
	s19 =	sshrl.u32 s19, $0x3;
	s16 =	sshrl.u32 s16, $0x3;
	[tilespmem:s18+$0x2850 ss:$0x81] =	vst.msk $0xffff, v61  }
0x17: {  	s14 =	sshll.u32 s31, $0x12;
	s19 =	sand.u32 $0x1FF80, s19;
	s15 =	sadd.s32 s16, s15;
	[tilespmem:s18+$0x3060 ss:$0x81] =	vst.msk $0xffff, v62  }
0x18: {  	s14 =	sor.u32 $0x400, s14;
	[tilespmem:s18+$0x0 ss:$0x81] =	vst.msk $0xffff, v63;
	s15 =	sadd.s32 s19, s15  }
0x19: {  	[hbm4b:s15+s14] =	stream.strided.scatter [tilespmem:s17], [sflag:$0x2], $0x4000, s9, s14, $0x20;
	[tilespmem:$0x10100] =	vst v63  }
.LBB1_5:
0x1a: {  	s17 =	sadd.s32 $0x80, s10  }
0x1b: {  	s14 =	sadd.s32 $0x200, s11;
	s18 =	smov.u32 s11;
	p2 =	sgt.s32 s17, $0x3FF  }
0x1c: {  	s18 =	smov.u32 @p2 s14  }
0x1d: {  	s20 =	smov.u32 s12;
	s14 =	sadd.s32 $0x8, s12;
	p3 =	sgt.s32 s18, $0x3FF  }
0x1e: {  	s20 =	smov.u32 @p3 s14  }
0x1f: {  	s17 =	simm.s32 @p2 $0x0;
	p2 =	sgt.s32 s20, $0x7  }
0x20: {  	p1 =	slt.u32 s13, $0x2;
	s20 =	smov.u32 @p2 s5;
	p2 =	sne.s32 s13, s8  }
.Ltmp1:
0x21: {  	s19 =	simm.s32 @!p1 $0x2;
	(pc) =	sbr.rel @!p2 .LBB1_6-.Ltmp1, $4  }
0x22: {  	s16 =	smov.u32 s10;
	s15 =	smov.u32 s12;
	_ =	swait.ge @!p1 [sflag:s19], $0x4000  }
0x23: {  	p0 =	por !p0, !p0;
	[sflag:s19] =	ssyncset.done @!p1 $0x0;
	s10 =	smov.u32 s17  }
0x24: {  	s18 =	smov.u32 @p3 s2;
	s14 =	smov.u32 s11;
	[sflag:s19] =	ssyncadd.s32 @!p1 $0xFFFFC000  }
0x25: {  	s11 =	smov.u32 s18;
	s13 =	sadd.s32 $0x1, s13;
	s12 =	smov.u32 s20  }
.LBB1_1:
0x26: {  	p1 =	sge.u32 s13, s7  }
0x27: {  	s31 =	sadd.s32 $0xFFFFFFFF, s13;
	s17 =	sshll.u32 @!p1 s11, $0x7  }
0x28: {  	s18 =	sxor.u32 @!p1 $0xFFFFFFFF, s13;
	s19 =	sand.u32 @!p1 $0x78, s10;
	s20 =	sand.u32 @!p1 $0x380, s17  }
0x29: {  	s18 =	sshll.u32 @!p1 s18, $0xE;
	s19 =	sor.u32 @!p1 s19, s20;
	s20 =	sshll.u32 @!p1 s12, $0x11  }
0x2a: {  	s17 =	sand.u32 @!p1 $0x1FC00, s17;
	s19 =	sshrl.u32 @!p1 s19, $0x3;
	s20 =	sadd.s32 @!p1 s3, s20  }
0x2b: {  	s17 =	sadd.s32 @!p1 s10, s17;
	s19 =	sadd.s32 @!p1 s19, s20;
	s20 =	sand.u32 @!p1 $0x7, s10  }
0x2c: {  	s18 =	sand.u32 @!p1 $0x4000, s18;
	s17 =	sand.u32 @!p1 $0x1FF80, s17;
	s20 =	sshll.u32 @!p1 s20, $0x12  }
0x2d: {  	s17 =	sadd.s32 @!p1 s17, s19;
	s19 =	sor.u32 @!p1 $0x400, s20;
	s20 =	simm.s32 @!p1 $0x2000  }
0x2e: {  	[tilespmem:s18], [sflag:$0x1] =	stream.strided.gather @!p1 [hbm4b:s17+s19], $0x4000, s20, s19, $0x38;
	[tilespmem:$0x10100] =	vst v63  }
0x2f: {  	p1 =	sge.u32 s31, s7  }
.Ltmp2:
0x30: {  	_ = 	snop;
	(pc) =	sbr.rel @p1 .LBB1_5-.Ltmp2, $1  }
0x31: {  	_ =	sdelay $0x3  }
0x32: {  	s17 =	simm.s32 $0x1  }
0x33: {  	_ =	swait.ge [sflag:s6], $0x4000;
	s17 =	simm.s32 @!p0 $0x0  }
0x34: {  	[sflag:s6] =	ssyncset.done $0x0;
	s18 =	sshll.u32 s17, $0xE  }
0x35: {  	[sflag:s6] =	ssyncadd.s32 $0xFFFFC000;
	s20 =	sor.u32 $0x40, s18  }
0x36: {  	s17 =	smul.u32 $0x10200, s17;
	v0 =	vld [tilespmem:s20+$0x30]  }
0x37: {  	v3 =	vld [tilespmem:s20+$0xFFFFFFD0]  }
0x38: {  	s17 =	sshrl.u32 s17, $0x2;
	v4 =	vld [tilespmem:s20+$0xFFFFFFE0]  }
0x39: {  	v5 =	vld [tilespmem:s20+$0xFFFFFFF0];
	s18 =	sor.u32 $0x8000, s17  }
0x3a: {  	s31 =	sand.u32 $0x1, s13;
	v1 =	vld [tilespmem:s20+$0x0];
	s19 =	sadd.s32 $0x0, s18  }
0x3b: {  	v2 =	vld [tilespmem:s20+$0x10];
	s17 =	smul.u32 $0x10200, s31;
	[tilespmem:s19+$0x3870 ss:$0x81] =	vst.msk $0xffff, v0  }
0x3c: {  	[tilespmem:s19+$0x810 ss:$0x81] =	vst.msk $0xffff, v3;
	v3 =	vld [tilespmem:s20+$0x20]  }
0x3d: {  	s17 =	sshrl.u32 s17, $0x2;
	v0 =	vld [tilespmem:s20+$0xFFFFFFC0];
	[tilespmem:s19+$0x1020 ss:$0x81] =	vst.msk $0xffff, v4;
	s20 =	sadd.s32 $0x80, s20  }
0x3e: {  	s21 =	simm.s32 $0x4;
	s22 =	simm.s32 $0x8;
	s17 =	sor.u32 $0x8000, s17;
	[tilespmem:s19+$0x1830 ss:$0x81] =	vst.msk $0xffff, v5;
	v4 =	vld [tilespmem:s20+$0x30]  }
.LBB1_3:
0x3f: {  	p1 =	sne.s32 s22, $0x1FC;
	v5 =	vld [tilespmem:s20+$0xFFFFFFD0];
	[tilespmem:s19+$0x2040 ss:$0x81] =	vst.msk $0xffff, v1  }
0x40: {  	v6 =	vld [tilespmem:s20+$0xFFFFFFE0];
	[tilespmem:s19+$0x2850 ss:$0x81] =	vst.msk $0xffff, v2  }
0x41: {  	s23 =	sshra.s32 s21, $0x2;
	s21 =	smov.u32 s22;
	v7 =	vld [tilespmem:s20+$0xFFFFFFF0];
	[tilespmem:s19+$0x3060 ss:$0x81] =	vst.msk $0xffff, v3  }
.Ltmp3:
0x42: {  	v1 =	vld [tilespmem:s20+$0x0];
	[tilespmem:s19+$0x0 ss:$0x81] =	vst.msk $0xffff, v0;
	s19 =	sadd.s32 s23, s18;
	(pc) =	sbr.rel @p1 .LBB1_3-.Ltmp3, $4  }
0x43: {  	v2 =	vld [tilespmem:s20+$0x10];
	[tilespmem:s19+$0x3870 ss:$0x81] =	vst.msk $0xffff, v4  }
0x44: {  	[tilespmem:s19+$0x810 ss:$0x81] =	vst.msk $0xffff, v5;
	v3 =	vld [tilespmem:s20+$0x20]  }
0x45: {  	v0 =	vld [tilespmem:s20+$0xFFFFFFC0];
	[tilespmem:s19+$0x1020 ss:$0x81] =	vst.msk $0xffff, v6;
	s20 =	sadd.s32 $0x80, s20  }
0x46: {  	s22 =	sadd.s32 $0x4, s22;
	v4 =	vld [tilespmem:s20+$0x30];
	[tilespmem:s19+$0x1830 ss:$0x81] =	vst.msk $0xffff, v7  }
.Ltmp4:
0x47: {  	_ = 	snop;
	(pc) =	sbr.rel .LBB1_4-.Ltmp4, $1  }
0x48: {  	_ =	sdelay $0x3  }
.LBB1_6:
0x49: {  	_ =	sfence.sel $0x180000  }
0x4a: {  	s2 =	simm.s32 $0x1;
	[bflag:$0x0] =	sbarrier.arrive $0xFFFF  }
0x4b: {  	s31 =	simm.s32 $0x2;
	[sflag:s2] =	ssyncpa.u1 $0x1  }
0x4c: {  	[sflag:s31] =	ssyncpa.u1 $0x1  }
0x4d: {  	p0 =	sne.s32 s0, $0x0;
	_ =	strace $0x9000006E  }
0x4e: {  	s0 =	sadd.s32 @!p0 $0x100000, s1;
	[bflag:$0x2] =	sbarrier.arrive $0xFFFF  }
0x4f: {  	[sflag:s0] =	ssyncadd.tile.s32 @!p0 $0x1;
	_ =	shalt  }
.Lfunc_end1:
_tile_overlayer_lowered:
.L_overlay_start_2:
0x50: {  	(tag) =	ssettag $0x2  }
0x51: {  	s0 =	rddreg [dreg:$0x0];
	s2 =	stileid.u32  }
0x52: {  	s1 =	rddreg [dreg:$0x1];
	p0 =	sne.s32 s2, $0x0  }
0x53: {  	s3 =	rddreg [dreg:$0x2];
	[bflag:$0x3] =	sbarrier.arrive $0xFFFF;
	s2 =	simm.s32 @!p0 $0x1C01  }
0x54: {  	[timem:s3], [sflag:s2] =	dma.local @!p0 [hbm:s0], s1  }
0x55: {  	s0 =	simm.s32 @!p0 $0x1  }
0x56: {  	_ =	swait.ge @!p0 [sflag:s0], s1  }
0x57: {  	s1 =	ssub.s32 @!p0 $0x0, s1;
	[sflag:s0] =	ssyncset.done @!p0 $0x0  }
0x58: {  	[sflag:s0] =	ssyncadd.s32 @!p0 s1  }
0x59: {  	[bflag:$0x3] =	sbarrier.arrive $0xFFFF  }
0x5a: {  	_ =	shalt  }

</sc_bundles>
